<compile_context>
chip_gen: v7x
topology: tpu7x:2x2x1
jax: 0.10.2.dev20260603
libtpu: 0.0.44.dev20260713+nightly
codegen_flags: <defaults>
</compile_context>

<pallas_src>
import functools

import jax
import jax.numpy as jnp
from jax import lax
from jax.experimental import pallas as pl
from jax.experimental.pallas import tpu as pltpu
from jax.experimental.pallas import tpu_sc as plsc

N_NODES = 10000
N_PAD = 10240
N_EDGES = 320000
CH = 128
N_GRAPHS = 16

NC = 2
NS = 16
NW = NC * NS
ECH = 128
EPT = 10240
NCHUNK = EPT // ECH
E_PAD = NW * EPT
STRIPE = N_PAD // NS

RBLK = 2048
NBLK = N_PAD // RBLK

def _mesh():
    return plsc.VectorSubcoreMesh(core_axis_name="c", subcore_axis_name="s",
                                  num_cores=NC, num_subcores=NS)



def _fill_rows(rows_v, value):
    def body(i, _):
        r = i // (CH // 16)
        c = i - r * (CH // 16)
        rows_v[r, pl.ds(c * 16, 16)] = jnp.full((16,), value, jnp.float32)
        return 0

    lax.fori_loop(0, ECH * (CH // 16), body, 0)


def _deg_body(em_hbm, out_hbm, acc, e2d, rows_v, sem):
    cid = lax.axis_index("c")
    sid = lax.axis_index("s")
    wid = cid * NS + sid

    pltpu.sync_copy(em_hbm.at[wid], e2d)
    _fill_rows(rows_v, 0.0)
    row0 = sid * STRIPE
    for k in range(STRIPE // ECH):
        pltpu.sync_copy(rows_v, acc.at[pl.ds(row0 + k * ECH, ECH)])
    plsc.subcore_barrier()

    _fill_rows(rows_v, 1.0)

    @pl.loop(0, NCHUNK, step=4)
    def _(j):
        descs = [pltpu.async_copy(rows_v, acc.at[e2d.at[j + b, 1]], sem,
                                  add=True) for b in range(4)]
        for d in descs:
            d.wait()

    plsc.subcore_barrier()
    pltpu.sync_copy(acc.at[pl.ds(row0, STRIPE)],
                    out_hbm.at[cid, pl.ds(row0, STRIPE)])


def _deg_kernel(edgem):
    return pl.kernel(
        _deg_body,
        out_type=jax.ShapeDtypeStruct((NC, N_PAD, CH), jnp.float32),
        mesh=_mesh(),
        scratch_types=[
            pltpu.VMEM_SHARED((N_PAD, CH), jnp.float32),
            pltpu.VMEM((NCHUNK, 2, ECH), jnp.int32),
            pltpu.VMEM((ECH, CH), jnp.float32),
            pltpu.SemaphoreType.DMA,
        ],
    )(edgem)


def _agg_body(h_hbm, em_hbm, out_hbm, acc,
              i0, i1, i2, i3, r0, r1,
              si0, si1, si2, si3, sr0, sr1):
    cid = lax.axis_index("c")
    sid = lax.axis_index("s")
    wid = cid * NS + sid

    _fill_rows(r0, 0.0)
    row0 = sid * STRIPE
    for k in range(STRIPE // ECH):
        pltpu.sync_copy(r0, acc.at[pl.ds(row0 + k * ECH, ECH)])
    plsc.subcore_barrier()

    ibufs = (i0, i1, i2, i3)
    rbufs = (r0, r1)
    isems = (si0, si1, si2, si3)
    rsems = (sr0, sr1)
    pltpu.sync_copy(em_hbm.at[wid, 0], i0)
    pltpu.async_copy(em_hbm.at[wid, 1], i1, si1)
    pltpu.async_copy(em_hbm.at[wid, 2], i2, si2)
    pltpu.async_copy(h_hbm.at[i0.at[0]], r0, sr0)

    @pl.loop(0, NCHUNK, step=4)
    def _(j):
        for b in range(4):
            c = j + b
            nb = (b + 1) % 4
            fb = (b + 3) % 4

            @pl.when(c + 1 < NCHUNK)
            def _():
                pltpu.make_async_copy(em_hbm.at[wid, c + 1], ibufs[nb],
                                      isems[nb]).wait()
                pltpu.async_copy(h_hbm.at[ibufs[nb].at[0]], rbufs[nb % 2],
                                 rsems[nb % 2])

            pltpu.make_async_copy(h_hbm.at[ibufs[b].at[0]], rbufs[b % 2],
                                  rsems[b % 2]).wait()
            pltpu.sync_copy(rbufs[b % 2], acc.at[ibufs[b].at[1]], add=True)

            @pl.when(c + 3 < NCHUNK)
            def _():
                pltpu.async_copy(em_hbm.at[wid, c + 3], ibufs[fb], isems[fb])

    plsc.subcore_barrier()
    pltpu.sync_copy(acc.at[pl.ds(row0, STRIPE)],
                    out_hbm.at[cid, pl.ds(row0, STRIPE)])


def _agg_kernel(h, edgem):
    return pl.kernel(
        _agg_body,
        out_type=jax.ShapeDtypeStruct((NC, N_PAD, CH), jnp.float32),
        mesh=_mesh(),
        scratch_types=[
            pltpu.VMEM_SHARED((N_PAD, CH), jnp.float32),
            pltpu.VMEM((2, ECH), jnp.int32),
            pltpu.VMEM((2, ECH), jnp.int32),
            pltpu.VMEM((2, ECH), jnp.int32),
            pltpu.VMEM((2, ECH), jnp.int32),
            pltpu.VMEM((ECH, CH), jnp.float32),
            pltpu.VMEM((ECH, CH), jnp.float32),
            pltpu.SemaphoreType.DMA,
            pltpu.SemaphoreType.DMA,
            pltpu.SemaphoreType.DMA,
            pltpu.SemaphoreType.DMA,
            pltpu.SemaphoreType.DMA,
            pltpu.SemaphoreType.DMA,
        ],
    )(h, edgem)



def _h1_body(x_ref, w_ref, dp_ref, o_ref, dis_ref):
    deg = dp_ref[0, :, 0:1] + dp_ref[1, :, 0:1] + 1.0
    dis = lax.rsqrt(deg)
    dis_ref[...] = jnp.broadcast_to(dis, dis_ref.shape)
    o_ref[...] = jnp.dot(x_ref[...], w_ref[...],
                         preferred_element_type=jnp.float32) * dis


def _stage_body(p_ref, hp_ref, dis16_ref, b_ref, w_ref, o_ref):
    dis = dis16_ref[:, 0:1]
    a = jnp.maximum((p_ref[0] + p_ref[1] + hp_ref[...]) * dis + b_ref[...],
                    0.0)
    o_ref[...] = jnp.dot(a, w_ref[...],
                         preferred_element_type=jnp.float32) * dis


def _pool_body(p_ref, hp_ref, dis16_ref, b_ref, batch_ref, wc_ref, bc_ref,
               o_ref, sums, counts):
    i = pl.program_id(0)

    @pl.when(i == 0)
    def _():
        sums[...] = jnp.zeros_like(sums)
        counts[...] = jnp.zeros_like(counts)

    dis = dis16_ref[:, 0:1]
    a = jnp.maximum((p_ref[0] + p_ref[1] + hp_ref[...]) * dis + b_ref[...],
                    0.0)
    bids = batch_ref[0]
    gids = lax.broadcasted_iota(jnp.int32, (N_GRAPHS, RBLK), 0)
    onehot = (bids == gids).astype(jnp.float32)
    sums[...] += jnp.dot(onehot, a, preferred_element_type=jnp.float32)
    counts[...] += jnp.sum(onehot, axis=1, keepdims=True)

    @pl.when(i == NBLK - 1)
    def _():
        pooled = sums[...] / jnp.maximum(counts[...], 1.0)
        o_ref[...] = jnp.dot(pooled, wc_ref[...],
                             preferred_element_type=jnp.float32) + bc_ref[...]


def _row_spec(ch):
    return pl.BlockSpec((RBLK, ch), lambda i: (i, 0))


def _part_spec(ch):
    return pl.BlockSpec((NC, RBLK, ch), lambda i: (0, i, 0))


_FULL_W = pl.BlockSpec((CH, CH), lambda i: (0, 0))
_FULL_B = pl.BlockSpec((1, CH), lambda i: (0, 0))


def _tc_h1(x, w, degp):
    return pl.pallas_call(
        _h1_body, grid=(NBLK,),
        in_specs=[_row_spec(CH), _FULL_W, _part_spec(CH)],
        out_specs=[_row_spec(CH), _row_spec(16)],
        out_shape=[jax.ShapeDtypeStruct((N_PAD, CH), jnp.float32),
                   jax.ShapeDtypeStruct((N_PAD, 16), jnp.float32)])(
            x, w, degp)


def _tc_stage(p, hp, dis16, b, w):
    return pl.pallas_call(
        _stage_body, grid=(NBLK,),
        in_specs=[_part_spec(CH), _row_spec(CH), _row_spec(16),
                  _FULL_B, _FULL_W],
        out_specs=_row_spec(CH),
        out_shape=jax.ShapeDtypeStruct((N_PAD, CH), jnp.float32))(
            p, hp, dis16, b.reshape(1, CH), w)


def _tc_pool(p, hp, dis16, b, batch3, wc_pad, bc_pad):
    return pl.pallas_call(
        _pool_body, grid=(NBLK,),
        in_specs=[_part_spec(CH), _row_spec(CH), _row_spec(16), _FULL_B,
                  pl.BlockSpec((1, 1, RBLK), lambda i: (i, 0, 0)),
                  _FULL_W, _FULL_B],
        out_specs=pl.BlockSpec((N_GRAPHS, CH), lambda i: (0, 0)),
        out_shape=jax.ShapeDtypeStruct((N_GRAPHS, CH), jnp.float32),
        scratch_shapes=[pltpu.VMEM((N_GRAPHS, CH), jnp.float32),
                        pltpu.VMEM((N_GRAPHS, CH), jnp.float32)])(
            p, hp, dis16, b.reshape(1, CH), batch3, wc_pad, bc_pad)



def kernel(x, edge_index, batch, W1, b1, W2, b2, W3, b3, Wc, bc):
    src = edge_index[0].astype(jnp.int32)
    dst = edge_index[1].astype(jnp.int32)
    npad_e = E_PAD - N_EDGES
    pad_ids = jnp.arange(npad_e, dtype=jnp.int32)
    srcp = jnp.concatenate([src, pad_ids % N_NODES])
    dstp = jnp.concatenate([dst, N_NODES + pad_ids % (N_PAD - N_NODES)])
    edgem = jnp.stack([srcp.reshape(NW, NCHUNK, ECH),
                       dstp.reshape(NW, NCHUNK, ECH)], axis=2)
    x_pad = jnp.pad(x, ((0, N_PAD - N_NODES), (0, 0)))
    batch3 = jnp.pad(batch.astype(jnp.int32), (0, N_PAD - N_NODES),
                     constant_values=N_GRAPHS).reshape(NBLK, 1, RBLK)
    wc_pad = jnp.pad(Wc, ((0, 0), (0, CH - Wc.shape[1])))
    bc_pad = jnp.pad(bc, (0, CH - bc.shape[0])).reshape(1, CH)

    degp = _deg_kernel(edgem)
    h1p, dis16 = _tc_h1(x_pad, W1, degp)
    p1 = _agg_kernel(h1p, edgem)
    h2p = _tc_stage(p1, h1p, dis16, b1, W2)
    p2 = _agg_kernel(h2p, edgem)
    h3p = _tc_stage(p2, h2p, dis16, b2, W3)
    p3 = _agg_kernel(h3p, edgem)
    out_pad = _tc_pool(p3, h3p, dis16, b3, batch3, wc_pad, bc_pad)
    return out_pad[:, :Wc.shape[1]]

# --- scband reference (transcript-rebuilt; emitter-appended) ---
"""Pipeline reference for scband-trojan-detector-15247133901527 (READ-ONLY COPY).

The authoritative reference and input builder live on the scoring server;
editing this copy changes nothing except your own understanding.
"""

import jax, jax.numpy as jnp
import numpy as np

N_NODES = 10000
N_EDGES = 320000
IN_CH = 128
HIDDEN = 128
OUT_CH = 8
NUM_GRAPHS = 16


def gcn_conv(x, edge_index, W, b):
    # Faithful PyG GCNConv: add self-loops, symmetric degree normalization,
    # linear transform, scatter-add aggregation, bias.
    N = x.shape[0]
    loop = jnp.arange(N, dtype=edge_index.dtype)
    src = jnp.concatenate([edge_index[0], loop])
    dst = jnp.concatenate([edge_index[1], loop])
    ones = jnp.ones(src.shape[0], dtype=x.dtype)
    deg = jnp.zeros((N,), dtype=x.dtype).at[dst].add(ones)
    deg_inv_sqrt = jnp.where(deg > 0, deg ** -0.5, 0.0)
    norm = deg_inv_sqrt[src] * deg_inv_sqrt[dst]
    h = x @ W
    msgs = h[src] * norm[:, None]
    out = jnp.zeros((N, W.shape[1]), dtype=x.dtype).at[dst].add(msgs)
    return out + b


def global_mean_pool(x, batch, num_graphs):
    sums = jax.ops.segment_sum(x, batch, num_segments=num_graphs)
    counts = jax.ops.segment_sum(jnp.ones((x.shape[0],), dtype=x.dtype), batch, num_segments=num_graphs)
    counts = jnp.maximum(counts, 1.0)
    return sums / counts[:, None]


def setup_inputs(seed: int = 0) -> dict:
    key = jax.random.key(seed)
    ks = jax.random.split(key, 12)
    x = jax.random.normal(ks[0], (N_NODES, IN_CH), dtype=jnp.float32)
    edge_index = jax.random.randint(ks[1], (2, N_EDGES), 0, N_NODES, dtype=jnp.int64)
    batch = jnp.sort(jax.random.randint(ks[2], (N_NODES,), 0, NUM_GRAPHS, dtype=jnp.int64))
    W1 = jax.random.normal(ks[3], (IN_CH, HIDDEN), dtype=jnp.float32) * (1.0 / np.sqrt(IN_CH))
    b1 = jnp.zeros((HIDDEN,), dtype=jnp.float32)
    W2 = jax.random.normal(ks[4], (HIDDEN, HIDDEN), dtype=jnp.float32) * (1.0 / np.sqrt(HIDDEN))
    b2 = jnp.zeros((HIDDEN,), dtype=jnp.float32)
    W3 = jax.random.normal(ks[5], (HIDDEN, HIDDEN), dtype=jnp.float32) * (1.0 / np.sqrt(HIDDEN))
    b3 = jnp.zeros((HIDDEN,), dtype=jnp.float32)
    Wc = jax.random.normal(ks[6], (HIDDEN, OUT_CH), dtype=jnp.float32) * (1.0 / np.sqrt(HIDDEN))
    bc = jnp.zeros((OUT_CH,), dtype=jnp.float32)
    return {"x": x, "edge_index": edge_index, "batch": batch,
            "W1": W1, "b1": b1, "W2": W2, "b2": b2, "W3": W3, "b3": b3,
            "Wc": Wc, "bc": bc}


def reference(x, edge_index, batch, W1, b1, W2, b2, W3, b3, Wc, bc):
    h = jax.nn.relu(gcn_conv(x, edge_index, W1, b1))
    h = jax.nn.relu(gcn_conv(h, edge_index, W2, b2))
    h = jax.nn.relu(gcn_conv(h, edge_index, W3, b3))
    pooled = global_mean_pool(h, batch, NUM_GRAPHS)
    return pooled @ Wc + bc

if __name__ == "__main__":
    import jax
    _d = setup_inputs()
    print(jax.jit(kernel)(*tuple(_d.values())))

</pallas_src>

<mosaic_0001>
#map = affine_map<(d0, d1) -> (0, 0)>
#map1 = affine_map<(d0, d1) -> (0, 0, 0, 0)>
#map2 = affine_map<(d0, d1) -> (0, 0, 0)>
module attributes {stable_mosaic.version = 14 : i64} {
  func.func @_agg_body(%arg0: i32, %arg1: i32, %arg2: memref<10240x128xf32, #tpu.memory_space<hbm>>, %arg3: memref<32x80x2x128xi32, #tpu.memory_space<hbm>>, %arg4: memref<2x10240x128xf32, #tpu.memory_space<hbm>>, %arg5: memref<10240x128xf32, #tpu.memory_space<vmem_shared>>, %arg6: memref<2x128xi32, #tpu.memory_space<vmem>>, %arg7: memref<2x128xi32, #tpu.memory_space<vmem>>, %arg8: memref<2x128xi32, #tpu.memory_space<vmem>>, %arg9: memref<2x128xi32, #tpu.memory_space<vmem>>, %arg10: memref<128x128xf32, #tpu.memory_space<vmem>>, %arg11: memref<128x128xf32, #tpu.memory_space<vmem>>, %arg12: memref<!tpu.dma_semaphore, #tpu.memory_space<semaphore_mem>>, %arg13: memref<!tpu.dma_semaphore, #tpu.memory_space<semaphore_mem>>, %arg14: memref<!tpu.dma_semaphore, #tpu.memory_space<semaphore_mem>>, %arg15: memref<!tpu.dma_semaphore, #tpu.memory_space<semaphore_mem>>, %arg16: memref<!tpu.dma_semaphore, #tpu.memory_space<semaphore_mem>>, %arg17: memref<!tpu.dma_semaphore, #tpu.memory_space<semaphore_mem>>) attributes {dimension_semantics = [#tpu.dimension_semantics<core_parallel>, #tpu.dimension_semantics<subcore_parallel>], iteration_bounds = array<i64: 2, 16>, scalar_prefetch = 0 : i64, scratch_operands = 13 : i64, tpu.core_type = #tpu.core_type<sc_vector_subcore>, window_params = [{transform_indices = #map}, {transform_indices = #map1}, {transform_indices = #map2}]} {
    %mul3A = arith.constant 16 : i32
    %mul3A_0 = arith.muli %arg0, %mul3A : i32
    %add3A = arith.addi %mul3A_0, %arg1 : i32
    %scan3A = arith.constant 0 : i32
    %scan3A_1 = arith.constant 0 : i32
    %scan3A_2 = arith.constant 1024 : i32
    %scan3A_3 = arith.addi %scan3A_1, %scan3A_2 : i32
    %scan3A_4 = arith.constant 1 : i32
    %scan3A_5 = scf.for %scan3A_49 = %scan3A_1 to %scan3A_3 step %scan3A_4 iter_args(%scan3A_50 = %scan3A) -> (i32)  : i32 {
      %jit3A = arith.constant 8 : i32
      %div3A = arith.divsi %scan3A_49, %jit3A : i32
      %sign3A = arith.constant 0 : i32
      %sign3A_51 = arith.cmpi sgt, %scan3A_49, %sign3A : i32
      %sign3A_52 = arith.extui %sign3A_51 : i1 to i32
      %sign3A_53 = arith.constant 0 : i32
      %sign3A_54 = arith.cmpi slt, %scan3A_49, %sign3A_53 : i32
      %sign3A_55 = arith.extui %sign3A_54 : i1 to i32
      %sign3A_56 = arith.subi %sign3A_52, %sign3A_55 : i32
      %sign3A_57 = arith.constant 0 : i32
      %sign3A_58 = arith.cmpi sgt, %jit3A, %sign3A_57 : i32
      %sign3A_59 = arith.extui %sign3A_58 : i1 to i32
      %sign3A_60 = arith.constant 0 : i32
      %sign3A_61 = arith.cmpi slt, %jit3A, %sign3A_60 : i32
      %sign3A_62 = arith.extui %sign3A_61 : i1 to i32
      %sign3A_63 = arith.subi %sign3A_59, %sign3A_62 : i32
      %ne3A = arith.cmpi ne, %sign3A_56, %sign3A_63 : i32
      %rem3A = arith.remsi %scan3A_49, %jit3A : i32
      %ne3A_64 = arith.constant 0 : i32
      %ne3A_65 = arith.cmpi ne, %rem3A, %ne3A_64 : i32
      %and3A = arith.andi %ne3A, %ne3A_65 : i1
      %sub3A = arith.constant 1 : i32
      %sub3A_66 = arith.subi %div3A, %sub3A : i32
      %select_n3A = arith.select %and3A, %sub3A_66, %div3A : i32
      %mul3A_67 = arith.constant 8 : i32
      %mul3A_68 = arith.muli %select_n3A, %mul3A_67 : i32
      %sub3A_69 = arith.subi %scan3A_49, %mul3A_68 : i32
      %broadcast_in_dim3A = arith.constant 0.000000e+00 : f32
      %broadcast_in_dim3A_70 = vector.broadcast %broadcast_in_dim3A : f32 to vector<16xf32>
      %mul3A_71 = arith.constant 16 : i32
      %mul3A_72 = arith.muli %sub3A_69, %mul3A_71 : i32
      %swap3A = arith.index_cast %select_n3A : i32 to index
      %swap3A_73 = arith.index_cast %mul3A_72 : i32 to index
      %swap3A_74 = tpu.vector_load %arg10[%swap3A, %swap3A_73] {strides = array<i32>} : memref<128x128xf32, #tpu.memory_space<vmem>>, vector<1x16xf32>,
      %swap3A_75 = vector.shape_cast %swap3A_74 : vector<1x16xf32> to vector<16xf32>
      %swap3A_76 = vector.shape_cast %broadcast_in_dim3A_70 : vector<16xf32> to vector<1x16xf32>
      tpu.vector_store %arg10[%swap3A, %swap3A_73], %swap3A_76 {strides = array<i32>} : memref<128x128xf32, #tpu.memory_space<vmem>>, vector<1x16xf32>,
      %scan3A_77 = arith.constant 0 : i32
      scf.yield %scan3A_77 : i32
    }
    %scan3A_6 = arith.constant 1024 : i32
    %mul3A_7 = arith.constant 640 : i32
    %mul3A_8 = arith.muli %arg1, %mul3A_7 : i32
    %add3A_9 = arith.constant 0 : i32
    %add3A_10 = arith.addi %mul3A_8, %add3A_9 : i32
    "tpu.region"() ({
      %run_scoped3A_49 = tpu.sem_alloc : memref<!tpu.dma_semaphore, #tpu.memory_space<semaphore_mem>>
      %dma_start3A_50 = arith.constant 0 : i32
      %dma_start3A_51 = tpu.memref_slice %arg5[%add3A_10, %dma_start3A_50] : memref<10240x128xf32, #tpu.memory_space<vmem_shared>> -> memref<128x128xf32, #tpu.memory_space<vmem_shared>>
      %dma_start3A_52 = arith.constant 0 : i32
      %dma_start3A_53 = tpu.memref_slice %arg5[%add3A_10, %dma_start3A_52] : memref<10240x128xf32, #tpu.memory_space<vmem_shared>> -> memref<128x128xf32, #tpu.memory_space<vmem_shared>>
      tpu.enqueue_dma source(%arg10 : memref<128x128xf32, #tpu.memory_space<vmem>>) target(%dma_start3A_53 : memref<128x128xf32, #tpu.memory_space<vmem_shared>>) target_semaphore(%run_scoped3A_49 : memref<!tpu.dma_semaphore, #tpu.memory_space<semaphore_mem>>)
      %dma_wait3A = arith.constant 0 : i32
      %dma_wait3A_54 = tpu.memref_slice %arg5[%add3A_10, %dma_wait3A] : memref<10240x128xf32, #tpu.memory_space<vmem_shared>> -> memref<128x128xf32, #tpu.memory_space<vmem_shared>>
      %dma_wait3A_55 = arith.constant 0 : i32
      %dma_wait3A_56 = tpu.memref_slice %arg5[%add3A_10, %dma_wait3A_55] : memref<10240x128xf32, #tpu.memory_space<vmem_shared>> -> memref<128x128xf32, #tpu.memory_space<vmem_shared>>
      tpu.wait_dma2 semaphore(%run_scoped3A_49 : memref<!tpu.dma_semaphore, #tpu.memory_space<semaphore_mem>>) src(%arg10 : memref<128x128xf32, #tpu.memory_space<vmem>>) dst(%dma_wait3A_56 : memref<128x128xf32, #tpu.memory_space<vmem_shared>>)
      tpu.yield
    }) : () -> ()
    %add3A_11 = arith.constant 128 : i32
    %add3A_12 = arith.addi %mul3A_8, %add3A_11 : i32
    "tpu.region"() ({
      %run_scoped3A_49 = tpu.sem_alloc : memref<!tpu.dma_semaphore, #tpu.memory_space<semaphore_mem>>
      %dma_start3A_50 = arith.constant 0 : i32
      %dma_start3A_51 = tpu.memref_slice %arg5[%add3A_12, %dma_start3A_50] : memref<10240x128xf32, #tpu.memory_space<vmem_shared>> -> memref<128x128xf32, #tpu.memory_space<vmem_shared>>
      %dma_start3A_52 = arith.constant 0 : i32
      %dma_start3A_53 = tpu.memref_slice %arg5[%add3A_12, %dma_start3A_52] : memref<10240x128xf32, #tpu.memory_space<vmem_shared>> -> memref<128x128xf32, #tpu.memory_space<vmem_shared>>
      tpu.enqueue_dma source(%arg10 : memref<128x128xf32, #tpu.memory_space<vmem>>) target(%dma_start3A_53 : memref<128x128xf32, #tpu.memory_space<vmem_shared>>) target_semaphore(%run_scoped3A_49 : memref<!tpu.dma_semaphore, #tpu.memory_space<semaphore_mem>>)
      %dma_wait3A = arith.constant 0 : i32
      %dma_wait3A_54 = tpu.memref_slice %arg5[%add3A_12, %dma_wait3A] : memref<10240x128xf32, #tpu.memory_space<vmem_shared>> -> memref<128x128xf32, #tpu.memory_space<vmem_shared>>
      %dma_wait3A_55 = arith.constant 0 : i32
      %dma_wait3A_56 = tpu.memref_slice %arg5[%add3A_12, %dma_wait3A_55] : memref<10240x128xf32, #tpu.memory_space<vmem_shared>> -> memref<128x128xf32, #tpu.memory_space<vmem_shared>>
      tpu.wait_dma2 semaphore(%run_scoped3A_49 : memref<!tpu.dma_semaphore, #tpu.memory_space<semaphore_mem>>) src(%arg10 : memref<128x128xf32, #tpu.memory_space<vmem>>) dst(%dma_wait3A_56 : memref<128x128xf32, #tpu.memory_space<vmem_shared>>)
      tpu.yield
    }) : () -> ()
    %add3A_13 = arith.constant 256 : i32
    %add3A_14 = arith.addi %mul3A_8, %add3A_13 : i32
    "tpu.region"() ({
      %run_scoped3A_49 = tpu.sem_alloc : memref<!tpu.dma_semaphore, #tpu.memory_space<semaphore_mem>>
      %dma_start3A_50 = arith.constant 0 : i32
      %dma_start3A_51 = tpu.memref_slice %arg5[%add3A_14, %dma_start3A_50] : memref<10240x128xf32, #tpu.memory_space<vmem_shared>> -> memref<128x128xf32, #tpu.memory_space<vmem_shared>>
      %dma_start3A_52 = arith.constant 0 : i32
      %dma_start3A_53 = tpu.memref_slice %arg5[%add3A_14, %dma_start3A_52] : memref<10240x128xf32, #tpu.memory_space<vmem_shared>> -> memref<128x128xf32, #tpu.memory_space<vmem_shared>>
      tpu.enqueue_dma source(%arg10 : memref<128x128xf32, #tpu.memory_space<vmem>>) target(%dma_start3A_53 : memref<128x128xf32, #tpu.memory_space<vmem_shared>>) target_semaphore(%run_scoped3A_49 : memref<!tpu.dma_semaphore, #tpu.memory_space<semaphore_mem>>)
      %dma_wait3A = arith.constant 0 : i32
      %dma_wait3A_54 = tpu.memref_slice %arg5[%add3A_14, %dma_wait3A] : memref<10240x128xf32, #tpu.memory_space<vmem_shared>> -> memref<128x128xf32, #tpu.memory_space<vmem_shared>>
      %dma_wait3A_55 = arith.constant 0 : i32
      %dma_wait3A_56 = tpu.memref_slice %arg5[%add3A_14, %dma_wait3A_55] : memref<10240x128xf32, #tpu.memory_space<vmem_shared>> -> memref<128x128xf32, #tpu.memory_space<vmem_shared>>
      tpu.wait_dma2 semaphore(%run_scoped3A_49 : memref<!tpu.dma_semaphore, #tpu.memory_space<semaphore_mem>>) src(%arg10 : memref<128x128xf32, #tpu.memory_space<vmem>>) dst(%dma_wait3A_56 : memref<128x128xf32, #tpu.memory_space<vmem_shared>>)
      tpu.yield
    }) : () -> ()
    %add3A_15 = arith.constant 384 : i32
    %add3A_16 = arith.addi %mul3A_8, %add3A_15 : i32
    "tpu.region"() ({
      %run_scoped3A_49 = tpu.sem_alloc : memref<!tpu.dma_semaphore, #tpu.memory_space<semaphore_mem>>
      %dma_start3A_50 = arith.constant 0 : i32
      %dma_start3A_51 = tpu.memref_slice %arg5[%add3A_16, %dma_start3A_50] : memref<10240x128xf32, #tpu.memory_space<vmem_shared>> -> memref<128x128xf32, #tpu.memory_space<vmem_shared>>
      %dma_start3A_52 = arith.constant 0 : i32
      %dma_start3A_53 = tpu.memref_slice %arg5[%add3A_16, %dma_start3A_52] : memref<10240x128xf32, #tpu.memory_space<vmem_shared>> -> memref<128x128xf32, #tpu.memory_space<vmem_shared>>
      tpu.enqueue_dma source(%arg10 : memref<128x128xf32, #tpu.memory_space<vmem>>) target(%dma_start3A_53 : memref<128x128xf32, #tpu.memory_space<vmem_shared>>) target_semaphore(%run_scoped3A_49 : memref<!tpu.dma_semaphore, #tpu.memory_space<semaphore_mem>>)
      %dma_wait3A = arith.constant 0 : i32
      %dma_wait3A_54 = tpu.memref_slice %arg5[%add3A_16, %dma_wait3A] : memref<10240x128xf32, #tpu.memory_space<vmem_shared>> -> memref<128x128xf32, #tpu.memory_space<vmem_shared>>
      %dma_wait3A_55 = arith.constant 0 : i32
      %dma_wait3A_56 = tpu.memref_slice %arg5[%add3A_16, %dma_wait3A_55] : memref<10240x128xf32, #tpu.memory_space<vmem_shared>> -> memref<128x128xf32, #tpu.memory_space<vmem_shared>>
      tpu.wait_dma2 semaphore(%run_scoped3A_49 : memref<!tpu.dma_semaphore, #tpu.memory_space<semaphore_mem>>) src(%arg10 : memref<128x128xf32, #tpu.memory_space<vmem>>) dst(%dma_wait3A_56 : memref<128x128xf32, #tpu.memory_space<vmem_shared>>)
      tpu.yield
    }) : () -> ()
    %add3A_17 = arith.constant 512 : i32
    %add3A_18 = arith.addi %mul3A_8, %add3A_17 : i32
    "tpu.region"() ({
      %run_scoped3A_49 = tpu.sem_alloc : memref<!tpu.dma_semaphore, #tpu.memory_space<semaphore_mem>>
      %dma_start3A_50 = arith.constant 0 : i32
      %dma_start3A_51 = tpu.memref_slice %arg5[%add3A_18, %dma_start3A_50] : memref<10240x128xf32, #tpu.memory_space<vmem_shared>> -> memref<128x128xf32, #tpu.memory_space<vmem_shared>>
      %dma_start3A_52 = arith.constant 0 : i32
      %dma_start3A_53 = tpu.memref_slice %arg5[%add3A_18, %dma_start3A_52] : memref<10240x128xf32, #tpu.memory_space<vmem_shared>> -> memref<128x128xf32, #tpu.memory_space<vmem_shared>>
      tpu.enqueue_dma source(%arg10 : memref<128x128xf32, #tpu.memory_space<vmem>>) target(%dma_start3A_53 : memref<128x128xf32, #tpu.memory_space<vmem_shared>>) target_semaphore(%run_scoped3A_49 : memref<!tpu.dma_semaphore, #tpu.memory_space<semaphore_mem>>)
      %dma_wait3A = arith.constant 0 : i32
      %dma_wait3A_54 = tpu.memref_slice %arg5[%add3A_18, %dma_wait3A] : memref<10240x128xf32, #tpu.memory_space<vmem_shared>> -> memref<128x128xf32, #tpu.memory_space<vmem_shared>>
      %dma_wait3A_55 = arith.constant 0 : i32
      %dma_wait3A_56 = tpu.memref_slice %arg5[%add3A_18, %dma_wait3A_55] : memref<10240x128xf32, #tpu.memory_space<vmem_shared>> -> memref<128x128xf32, #tpu.memory_space<vmem_shared>>
      tpu.wait_dma2 semaphore(%run_scoped3A_49 : memref<!tpu.dma_semaphore, #tpu.memory_space<semaphore_mem>>) src(%arg10 : memref<128x128xf32, #tpu.memory_space<vmem>>) dst(%dma_wait3A_56 : memref<128x128xf32, #tpu.memory_space<vmem_shared>>)
      tpu.yield
    }) : () -> ()
    %barrier3A = arith.constant 0 : index
    tpu.barrier barrier_id(%barrier3A)
    %run_scoped3A = arith.constant 0 : i32
    "tpu.region"() ({
      %run_scoped3A_49 = tpu.sem_alloc : memref<!tpu.dma_semaphore, #tpu.memory_space<semaphore_mem>>
      %dma_start3A_50 = arith.constant 0 : i32
      %dma_start3A_51 = arith.constant 0 : i32
      %dma_start3A_52 = tpu.memref_slice %arg3[%add3A, %run_scoped3A, %dma_start3A_50, %dma_start3A_51] : memref<32x80x2x128xi32, #tpu.memory_space<hbm>> -> memref<1x1x2x128xi32, #tpu.memory_space<hbm>>
      %dma_start3A_53 = tpu.memref_squeeze %dma_start3A_52 : memref<1x1x2x128xi32, #tpu.memory_space<hbm>> -> memref<2x128xi32, #tpu.memory_space<hbm>>
      %dma_start3A_54 = arith.constant 0 : i32
      %dma_start3A_55 = arith.constant 0 : i32
      %dma_start3A_56 = tpu.memref_slice %arg3[%add3A, %run_scoped3A, %dma_start3A_54, %dma_start3A_55] : memref<32x80x2x128xi32, #tpu.memory_space<hbm>> -> memref<1x1x2x128xi32, #tpu.memory_space<hbm>>
      %dma_start3A_57 = tpu.memref_squeeze %dma_start3A_56 : memref<1x1x2x128xi32, #tpu.memory_space<hbm>> -> memref<2x128xi32, #tpu.memory_space<hbm>>
      tpu.enqueue_dma source(%dma_start3A_57 : memref<2x128xi32, #tpu.memory_space<hbm>>) target(%arg6 : memref<2x128xi32, #tpu.memory_space<vmem>>) target_semaphore(%run_scoped3A_49 : memref<!tpu.dma_semaphore, #tpu.memory_space<semaphore_mem>>)
      %dma_wait3A = arith.constant 0 : i32
      %dma_wait3A_58 = arith.constant 0 : i32
      %dma_wait3A_59 = tpu.memref_slice %arg3[%add3A, %run_scoped3A, %dma_wait3A, %dma_wait3A_58] : memref<32x80x2x128xi32, #tpu.memory_space<hbm>> -> memref<1x1x2x128xi32, #tpu.memory_space<hbm>>
      %dma_wait3A_60 = tpu.memref_squeeze %dma_wait3A_59 : memref<1x1x2x128xi32, #tpu.memory_space<hbm>> -> memref<2x128xi32, #tpu.memory_space<hbm>>
      %dma_wait3A_61 = arith.constant 0 : i32
      %dma_wait3A_62 = arith.constant 0 : i32
      %dma_wait3A_63 = tpu.memref_slice %arg3[%add3A, %run_scoped3A, %dma_wait3A_61, %dma_wait3A_62] : memref<32x80x2x128xi32, #tpu.memory_space<hbm>> -> memref<1x1x2x128xi32, #tpu.memory_space<hbm>>
      %dma_wait3A_64 = tpu.memref_squeeze %dma_wait3A_63 : memref<1x1x2x128xi32, #tpu.memory_space<hbm>> -> memref<2x128xi32, #tpu.memory_space<hbm>>
      tpu.wait_dma2 semaphore(%run_scoped3A_49 : memref<!tpu.dma_semaphore, #tpu.memory_space<semaphore_mem>>) src(%dma_wait3A_64 : memref<2x128xi32, #tpu.memory_space<hbm>>) dst(%arg6 : memref<2x128xi32, #tpu.memory_space<vmem>>)
      tpu.yield
    }) : () -> ()
    %dma_start3A = arith.constant 1 : i32
    %dma_start3A_19 = arith.constant 0 : i32
    %dma_start3A_20 = arith.constant 0 : i32
    %dma_start3A_21 = tpu.memref_slice %arg3[%add3A, %dma_start3A, %dma_start3A_19, %dma_start3A_20] : memref<32x80x2x128xi32, #tpu.memory_space<hbm>> -> memref<1x1x2x128xi32, #tpu.memory_space<hbm>>
    %dma_start3A_22 = tpu.memref_squeeze %dma_start3A_21 : memref<1x1x2x128xi32, #tpu.memory_space<hbm>> -> memref<2x128xi32, #tpu.memory_space<hbm>>
    %dma_start3A_23 = arith.constant 0 : i32
    %dma_start3A_24 = arith.constant 0 : i32
    %dma_start3A_25 = tpu.memref_slice %arg3[%add3A, %dma_start3A, %dma_start3A_23, %dma_start3A_24] : memref<32x80x2x128xi32, #tpu.memory_space<hbm>> -> memref<1x1x2x128xi32, #tpu.memory_space<hbm>>
    %dma_start3A_26 = tpu.memref_squeeze %dma_start3A_25 : memref<1x1x2x128xi32, #tpu.memory_space<hbm>> -> memref<2x128xi32, #tpu.memory_space<hbm>>
    tpu.enqueue_dma source(%dma_start3A_26 : memref<2x128xi32, #tpu.memory_space<hbm>>) target(%arg7 : memref<2x128xi32, #tpu.memory_space<vmem>>) target_semaphore(%arg13 : memref<!tpu.dma_semaphore, #tpu.memory_space<semaphore_mem>>)
    %dma_start3A_27 = arith.constant 2 : i32
    %dma_start3A_28 = arith.constant 0 : i32
    %dma_start3A_29 = arith.constant 0 : i32
    %dma_start3A_30 = tpu.memref_slice %arg3[%add3A, %dma_start3A_27, %dma_start3A_28, %dma_start3A_29] : memref<32x80x2x128xi32, #tpu.memory_space<hbm>> -> memref<1x1x2x128xi32, #tpu.memory_space<hbm>>
    %dma_start3A_31 = tpu.memref_squeeze %dma_start3A_30 : memref<1x1x2x128xi32, #tpu.memory_space<hbm>> -> memref<2x128xi32, #tpu.memory_space<hbm>>
    %dma_start3A_32 = arith.constant 0 : i32
    %dma_start3A_33 = arith.constant 0 : i32
    %dma_start3A_34 = tpu.memref_slice %arg3[%add3A, %dma_start3A_27, %dma_start3A_32, %dma_start3A_33] : memref<32x80x2x128xi32, #tpu.memory_space<hbm>> -> memref<1x1x2x128xi32, #tpu.memory_space<hbm>>
    %dma_start3A_35 = tpu.memref_squeeze %dma_start3A_34 : memref<1x1x2x128xi32, #tpu.memory_space<hbm>> -> memref<2x128xi32, #tpu.memory_space<hbm>>
    tpu.enqueue_dma source(%dma_start3A_35 : memref<2x128xi32, #tpu.memory_space<hbm>>) target(%arg8 : memref<2x128xi32, #tpu.memory_space<vmem>>) target_semaphore(%arg14 : memref<!tpu.dma_semaphore, #tpu.memory_space<semaphore_mem>>)
    %dma_start3A_36 = arith.constant 0 : i32
    %dma_start3A_37 = arith.constant 0 : i32
    %dma_start3A_38 = tpu.memref_slice %arg6[%dma_start3A_36, %dma_start3A_37] : memref<2x128xi32, #tpu.memory_space<vmem>> -> memref<1x128xi32, #tpu.memory_space<vmem>>
    %dma_start3A_39 = tpu.memref_squeeze %dma_start3A_38 : memref<1x128xi32, #tpu.memory_space<vmem>> -> memref<128xi32, #tpu.memory_space<vmem>>
    %dma_start3A_40 = arith.constant 0 : i32
    %dma_start3A_41 = arith.constant 0 : i32
    %dma_start3A_42 = tpu.memref_slice %arg2[%dma_start3A_40, %dma_start3A_41] : memref<10240x128xf32, #tpu.memory_space<hbm>> -> memref<10240x128xf32, #tpu.memory_space<hbm>>
    tpu.enqueue_indirect_dma source(%dma_start3A_42 : memref<10240x128xf32, #tpu.memory_space<hbm>>) target(%arg10 : memref<128x128xf32, #tpu.memory_space<vmem>>) offsets(%dma_start3A_39 : memref<128xi32, #tpu.memory_space<vmem>>) semaphore(%arg16 : memref<!tpu.dma_semaphore, #tpu.memory_space<semaphore_mem>>)
    %scan3A_43 = arith.constant 0 : i32
    %scan3A_44 = arith.constant 20 : i32
    %scan3A_45 = arith.addi %scan3A_43, %scan3A_44 : i32
    %scan3A_46 = arith.constant 1 : i32
    scf.for %scan3A_49 = %scan3A_43 to %scan3A_45 step %scan3A_46  : i32 {
      %mul3A_50 = arith.constant 4 : i32
      %mul3A_51 = arith.muli %scan3A_49, %mul3A_50 : i32
      %add3A_52 = arith.constant 0 : i32
      %add3A_53 = arith.addi %add3A_52, %mul3A_51 : i32
      %add3A_54 = arith.constant 0 : i32
      %add3A_55 = arith.addi %add3A_53, %add3A_54 : i32
      %add3A_56 = arith.constant 1 : i32
      %add3A_57 = arith.addi %add3A_55, %add3A_56 : i32
      %lt3A = arith.constant 80 : i32
      %lt3A_58 = arith.cmpi slt, %add3A_57, %lt3A : i32
      %convert_element_type3A = arith.extui %lt3A_58 : i1 to i32
      %cond3A = arith.constant 0 : i32
      %cond3A_59 = arith.cmpi ne, %convert_element_type3A, %cond3A : i32
      scf.if %cond3A_59 {
        %add3A_146 = arith.constant 1 : i32
        %add3A_147 = arith.addi %add3A_55, %add3A_146 : i32
        %dma_wait3A_148 = arith.constant 0 : i32
        %dma_wait3A_149 = arith.constant 0 : i32
        %dma_wait3A_150 = tpu.memref_slice %arg3[%add3A, %add3A_147, %dma_wait3A_148, %dma_wait3A_149] : memref<32x80x2x128xi32, #tpu.memory_space<hbm>> -> memref<1x1x2x128xi32, #tpu.memory_space<hbm>>
        %dma_wait3A_151 = tpu.memref_squeeze %dma_wait3A_150 : memref<1x1x2x128xi32, #tpu.memory_space<hbm>> -> memref<2x128xi32, #tpu.memory_space<hbm>>
        %dma_wait3A_152 = arith.constant 0 : i32
        %dma_wait3A_153 = arith.constant 0 : i32
        %dma_wait3A_154 = tpu.memref_slice %arg3[%add3A, %add3A_147, %dma_wait3A_152, %dma_wait3A_153] : memref<32x80x2x128xi32, #tpu.memory_space<hbm>> -> memref<1x1x2x128xi32, #tpu.memory_space<hbm>>
        %dma_wait3A_155 = tpu.memref_squeeze %dma_wait3A_154 : memref<1x1x2x128xi32, #tpu.memory_space<hbm>> -> memref<2x128xi32, #tpu.memory_space<hbm>>
        tpu.wait_dma2 semaphore(%arg13 : memref<!tpu.dma_semaphore, #tpu.memory_space<semaphore_mem>>) src(%dma_wait3A_155 : memref<2x128xi32, #tpu.memory_space<hbm>>) dst(%arg7 : memref<2x128xi32, #tpu.memory_space<vmem>>)
        %dma_start3A_156 = arith.constant 0 : i32
        %dma_start3A_157 = arith.constant 0 : i32
        %dma_start3A_158 = tpu.memref_slice %arg7[%dma_start3A_156, %dma_start3A_157] : memref<2x128xi32, #tpu.memory_space<vmem>> -> memref<1x128xi32, #tpu.memory_space<vmem>>
        %dma_start3A_159 = tpu.memref_squeeze %dma_start3A_158 : memref<1x128xi32, #tpu.memory_space<vmem>> -> memref<128xi32, #tpu.memory_space<vmem>>
        %dma_start3A_160 = arith.constant 0 : i32
        %dma_start3A_161 = arith.constant 0 : i32
        %dma_start3A_162 = tpu.memref_slice %arg2[%dma_start3A_160, %dma_start3A_161] : memref<10240x128xf32, #tpu.memory_space<hbm>> -> memref<10240x128xf32, #tpu.memory_space<hbm>>
        tpu.enqueue_indirect_dma source(%dma_start3A_162 : memref<10240x128xf32, #tpu.memory_space<hbm>>) target(%arg11 : memref<128x128xf32, #tpu.memory_space<vmem>>) offsets(%dma_start3A_159 : memref<128xi32, #tpu.memory_space<vmem>>) semaphore(%arg17 : memref<!tpu.dma_semaphore, #tpu.memory_space<semaphore_mem>>)
      } else {
      }
      %dma_wait3A = arith.constant 0 : i32
      %dma_wait3A_60 = arith.constant 0 : i32
      %dma_wait3A_61 = tpu.memref_slice %arg6[%dma_wait3A, %dma_wait3A_60] : memref<2x128xi32, #tpu.memory_space<vmem>> -> memref<1x128xi32, #tpu.memory_space<vmem>>
      %dma_wait3A_62 = tpu.memref_squeeze %dma_wait3A_61 : memref<1x128xi32, #tpu.memory_space<vmem>> -> memref<128xi32, #tpu.memory_space<vmem>>
      %dma_wait3A_63 = arith.constant 0 : i32
      %dma_wait3A_64 = arith.constant 0 : i32
      %dma_wait3A_65 = tpu.memref_slice %arg2[%dma_wait3A_63, %dma_wait3A_64] : memref<10240x128xf32, #tpu.memory_space<hbm>> -> memref<10240x128xf32, #tpu.memory_space<hbm>>
      tpu.wait_indirect_dma semaphore(%arg16 : memref<!tpu.dma_semaphore, #tpu.memory_space<semaphore_mem>>) src(%dma_wait3A_65 : memref<10240x128xf32, #tpu.memory_space<hbm>>) dst(%arg10 : memref<128x128xf32, #tpu.memory_space<vmem>>)
      %run_scoped3A_66 = arith.constant 1 : i32
      "tpu.region"() ({
        %run_scoped3A_146 = tpu.sem_alloc : memref<!tpu.dma_semaphore, #tpu.memory_space<semaphore_mem>>
        %dma_start3A_147 = arith.constant 0 : i32
        %dma_start3A_148 = tpu.memref_slice %arg6[%run_scoped3A_66, %dma_start3A_147] : memref<2x128xi32, #tpu.memory_space<vmem>> -> memref<1x128xi32, #tpu.memory_space<vmem>>
        %dma_start3A_149 = tpu.memref_squeeze %dma_start3A_148 : memref<1x128xi32, #tpu.memory_space<vmem>> -> memref<128xi32, #tpu.memory_space<vmem>>
        %dma_start3A_150 = arith.constant 0 : i32
        %dma_start3A_151 = arith.constant 0 : i32
        %dma_start3A_152 = tpu.memref_slice %arg5[%dma_start3A_150, %dma_start3A_151] : memref<10240x128xf32, #tpu.memory_space<vmem_shared>> -> memref<10240x128xf32, #tpu.memory_space<vmem_shared>>
        tpu.enqueue_indirect_dma source(%arg10 : memref<128x128xf32, #tpu.memory_space<vmem>>) target(%dma_start3A_152 : memref<10240x128xf32, #tpu.memory_space<vmem_shared>>) offsets(%dma_start3A_149 : memref<128xi32, #tpu.memory_space<vmem>>) semaphore(%run_scoped3A_146 : memref<!tpu.dma_semaphore, #tpu.memory_space<semaphore_mem>>) {add = true}
        %dma_wait3A_153 = arith.constant 0 : i32
        %dma_wait3A_154 = tpu.memref_slice %arg6[%run_scoped3A_66, %dma_wait3A_153] : memref<2x128xi32, #tpu.memory_space<vmem>> -> memref<1x128xi32, #tpu.memory_space<vmem>>
        %dma_wait3A_155 = tpu.memref_squeeze %dma_wait3A_154 : memref<1x128xi32, #tpu.memory_space<vmem>> -> memref<128xi32, #tpu.memory_space<vmem>>
        %dma_wait3A_156 = arith.constant 0 : i32
        %dma_wait3A_157 = arith.constant 0 : i32
        %dma_wait3A_158 = tpu.memref_slice %arg5[%dma_wait3A_156, %dma_wait3A_157] : memref<10240x128xf32, #tpu.memory_space<vmem_shared>> -> memref<10240x128xf32, #tpu.memory_space<vmem_shared>>
        tpu.wait_indirect_dma semaphore(%run_scoped3A_146 : memref<!tpu.dma_semaphore, #tpu.memory_space<semaphore_mem>>) src(%arg10 : memref<128x128xf32, #tpu.memory_space<vmem>>) dst(%dma_wait3A_158 : memref<10240x128xf32, #tpu.memory_space<vmem_shared>>)
        tpu.yield
      }) : () -> ()
      %add3A_67 = arith.constant 3 : i32
      %add3A_68 = arith.addi %add3A_55, %add3A_67 : i32
      %lt3A_69 = arith.constant 80 : i32
      %lt3A_70 = arith.cmpi slt, %add3A_68, %lt3A_69 : i32
      %convert_element_type3A_71 = arith.extui %lt3A_70 : i1 to i32
      %cond3A_72 = arith.constant 0 : i32
      %cond3A_73 = arith.cmpi ne, %convert_element_type3A_71, %cond3A_72 : i32
      scf.if %cond3A_73 {
        %add3A_146 = arith.constant 3 : i32
        %add3A_147 = arith.addi %add3A_55, %add3A_146 : i32
        %dma_start3A_148 = arith.constant 0 : i32
        %dma_start3A_149 = arith.constant 0 : i32
        %dma_start3A_150 = tpu.memref_slice %arg3[%add3A, %add3A_147, %dma_start3A_148, %dma_start3A_149] : memref<32x80x2x128xi32, #tpu.memory_space<hbm>> -> memref<1x1x2x128xi32, #tpu.memory_space<hbm>>
        %dma_start3A_151 = tpu.memref_squeeze %dma_start3A_150 : memref<1x1x2x128xi32, #tpu.memory_space<hbm>> -> memref<2x128xi32, #tpu.memory_space<hbm>>
        %dma_start3A_152 = arith.constant 0 : i32
        %dma_start3A_153 = arith.constant 0 : i32
        %dma_start3A_154 = tpu.memref_slice %arg3[%add3A, %add3A_147, %dma_start3A_152, %dma_start3A_153] : memref<32x80x2x128xi32, #tpu.memory_space<hbm>> -> memref<1x1x2x128xi32, #tpu.memory_space<hbm>>
        %dma_start3A_155 = tpu.memref_squeeze %dma_start3A_154 : memref<1x1x2x128xi32, #tpu.memory_space<hbm>> -> memref<2x128xi32, #tpu.memory_space<hbm>>
        tpu.enqueue_dma source(%dma_start3A_155 : memref<2x128xi32, #tpu.memory_space<hbm>>) target(%arg9 : memref<2x128xi32, #tpu.memory_space<vmem>>) target_semaphore(%arg15 : memref<!tpu.dma_semaphore, #tpu.memory_space<semaphore_mem>>)
      } else {
      }
      %add3A_74 = arith.constant 1 : i32
      %add3A_75 = arith.addi %add3A_53, %add3A_74 : i32
      %add3A_76 = arith.constant 1 : i32
      %add3A_77 = arith.addi %add3A_75, %add3A_76 : i32
      %lt3A_78 = arith.constant 80 : i32
      %lt3A_79 = arith.cmpi slt, %add3A_77, %lt3A_78 : i32
      %convert_element_type3A_80 = arith.extui %lt3A_79 : i1 to i32
      %cond3A_81 = arith.constant 0 : i32
      %cond3A_82 = arith.cmpi ne, %convert_element_type3A_80, %cond3A_81 : i32
      scf.if %cond3A_82 {
        %add3A_146 = arith.constant 1 : i32
        %add3A_147 = arith.addi %add3A_75, %add3A_146 : i32
        %dma_wait3A_148 = arith.constant 0 : i32
        %dma_wait3A_149 = arith.constant 0 : i32
        %dma_wait3A_150 = tpu.memref_slice %arg3[%add3A, %add3A_147, %dma_wait3A_148, %dma_wait3A_149] : memref<32x80x2x128xi32, #tpu.memory_space<hbm>> -> memref<1x1x2x128xi32, #tpu.memory_space<hbm>>
        %dma_wait3A_151 = tpu.memref_squeeze %dma_wait3A_150 : memref<1x1x2x128xi32, #tpu.memory_space<hbm>> -> memref<2x128xi32, #tpu.memory_space<hbm>>
        %dma_wait3A_152 = arith.constant 0 : i32
        %dma_wait3A_153 = arith.constant 0 : i32
        %dma_wait3A_154 = tpu.memref_slice %arg3[%add3A, %add3A_147, %dma_wait3A_152, %dma_wait3A_153] : memref<32x80x2x128xi32, #tpu.memory_space<hbm>> -> memref<1x1x2x128xi32, #tpu.memory_space<hbm>>
        %dma_wait3A_155 = tpu.memref_squeeze %dma_wait3A_154 : memref<1x1x2x128xi32, #tpu.memory_space<hbm>> -> memref<2x128xi32, #tpu.memory_space<hbm>>
        tpu.wait_dma2 semaphore(%arg14 : memref<!tpu.dma_semaphore, #tpu.memory_space<semaphore_mem>>) src(%dma_wait3A_155 : memref<2x128xi32, #tpu.memory_space<hbm>>) dst(%arg8 : memref<2x128xi32, #tpu.memory_space<vmem>>)
        %dma_start3A_156 = arith.constant 0 : i32
        %dma_start3A_157 = arith.constant 0 : i32
        %dma_start3A_158 = tpu.memref_slice %arg8[%dma_start3A_156, %dma_start3A_157] : memref<2x128xi32, #tpu.memory_space<vmem>> -> memref<1x128xi32, #tpu.memory_space<vmem>>
        %dma_start3A_159 = tpu.memref_squeeze %dma_start3A_158 : memref<1x128xi32, #tpu.memory_space<vmem>> -> memref<128xi32, #tpu.memory_space<vmem>>
        %dma_start3A_160 = arith.constant 0 : i32
        %dma_start3A_161 = arith.constant 0 : i32
        %dma_start3A_162 = tpu.memref_slice %arg2[%dma_start3A_160, %dma_start3A_161] : memref<10240x128xf32, #tpu.memory_space<hbm>> -> memref<10240x128xf32, #tpu.memory_space<hbm>>
        tpu.enqueue_indirect_dma source(%dma_start3A_162 : memref<10240x128xf32, #tpu.memory_space<hbm>>) target(%arg10 : memref<128x128xf32, #tpu.memory_space<vmem>>) offsets(%dma_start3A_159 : memref<128xi32, #tpu.memory_space<vmem>>) semaphore(%arg16 : memref<!tpu.dma_semaphore, #tpu.memory_space<semaphore_mem>>)
      } else {
      }
      %dma_wait3A_83 = arith.constant 0 : i32
      %dma_wait3A_84 = arith.constant 0 : i32
      %dma_wait3A_85 = tpu.memref_slice %arg7[%dma_wait3A_83, %dma_wait3A_84] : memref<2x128xi32, #tpu.memory_space<vmem>> -> memref<1x128xi32, #tpu.memory_space<vmem>>
      %dma_wait3A_86 = tpu.memref_squeeze %dma_wait3A_85 : memref<1x128xi32, #tpu.memory_space<vmem>> -> memref<128xi32, #tpu.memory_space<vmem>>
      %dma_wait3A_87 = arith.constant 0 : i32
      %dma_wait3A_88 = arith.constant 0 : i32
      %dma_wait3A_89 = tpu.memref_slice %arg2[%dma_wait3A_87, %dma_wait3A_88] : memref<10240x128xf32, #tpu.memory_space<hbm>> -> memref<10240x128xf32, #tpu.memory_space<hbm>>
      tpu.wait_indirect_dma semaphore(%arg17 : memref<!tpu.dma_semaphore, #tpu.memory_space<semaphore_mem>>) src(%dma_wait3A_89 : memref<10240x128xf32, #tpu.memory_space<hbm>>) dst(%arg11 : memref<128x128xf32, #tpu.memory_space<vmem>>)
      %run_scoped3A_90 = arith.constant 1 : i32
      "tpu.region"() ({
        %run_scoped3A_146 = tpu.sem_alloc : memref<!tpu.dma_semaphore, #tpu.memory_space<semaphore_mem>>
        %dma_start3A_147 = arith.constant 0 : i32
        %dma_start3A_148 = tpu.memref_slice %arg7[%run_scoped3A_90, %dma_start3A_147] : memref<2x128xi32, #tpu.memory_space<vmem>> -> memref<1x128xi32, #tpu.memory_space<vmem>>
        %dma_start3A_149 = tpu.memref_squeeze %dma_start3A_148 : memref<1x128xi32, #tpu.memory_space<vmem>> -> memref<128xi32, #tpu.memory_space<vmem>>
        %dma_start3A_150 = arith.constant 0 : i32
        %dma_start3A_151 = arith.constant 0 : i32
        %dma_start3A_152 = tpu.memref_slice %arg5[%dma_start3A_150, %dma_start3A_151] : memref<10240x128xf32, #tpu.memory_space<vmem_shared>> -> memref<10240x128xf32, #tpu.memory_space<vmem_shared>>
        tpu.enqueue_indirect_dma source(%arg11 : memref<128x128xf32, #tpu.memory_space<vmem>>) target(%dma_start3A_152 : memref<10240x128xf32, #tpu.memory_space<vmem_shared>>) offsets(%dma_start3A_149 : memref<128xi32, #tpu.memory_space<vmem>>) semaphore(%run_scoped3A_146 : memref<!tpu.dma_semaphore, #tpu.memory_space<semaphore_mem>>) {add = true}
        %dma_wait3A_153 = arith.constant 0 : i32
        %dma_wait3A_154 = tpu.memref_slice %arg7[%run_scoped3A_90, %dma_wait3A_153] : memref<2x128xi32, #tpu.memory_space<vmem>> -> memref<1x128xi32, #tpu.memory_space<vmem>>
        %dma_wait3A_155 = tpu.memref_squeeze %dma_wait3A_154 : memref<1x128xi32, #tpu.memory_space<vmem>> -> memref<128xi32, #tpu.memory_space<vmem>>
        %dma_wait3A_156 = arith.constant 0 : i32
        %dma_wait3A_157 = arith.constant 0 : i32
        %dma_wait3A_158 = tpu.memref_slice %arg5[%dma_wait3A_156, %dma_wait3A_157] : memref<10240x128xf32, #tpu.memory_space<vmem_shared>> -> memref<10240x128xf32, #tpu.memory_space<vmem_shared>>
        tpu.wait_indirect_dma semaphore(%run_scoped3A_146 : memref<!tpu.dma_semaphore, #tpu.memory_space<semaphore_mem>>) src(%arg11 : memref<128x128xf32, #tpu.memory_space<vmem>>) dst(%dma_wait3A_158 : memref<10240x128xf32, #tpu.memory_space<vmem_shared>>)
        tpu.yield
      }) : () -> ()
      %add3A_91 = arith.constant 3 : i32
      %add3A_92 = arith.addi %add3A_75, %add3A_91 : i32
      %lt3A_93 = arith.constant 80 : i32
      %lt3A_94 = arith.cmpi slt, %add3A_92, %lt3A_93 : i32
      %convert_element_type3A_95 = arith.extui %lt3A_94 : i1 to i32
      %cond3A_96 = arith.constant 0 : i32
      %cond3A_97 = arith.cmpi ne, %convert_element_type3A_95, %cond3A_96 : i32
      scf.if %cond3A_97 {
        %add3A_146 = arith.constant 3 : i32
        %add3A_147 = arith.addi %add3A_75, %add3A_146 : i32
        %dma_start3A_148 = arith.constant 0 : i32
        %dma_start3A_149 = arith.constant 0 : i32
        %dma_start3A_150 = tpu.memref_slice %arg3[%add3A, %add3A_147, %dma_start3A_148, %dma_start3A_149] : memref<32x80x2x128xi32, #tpu.memory_space<hbm>> -> memref<1x1x2x128xi32, #tpu.memory_space<hbm>>
        %dma_start3A_151 = tpu.memref_squeeze %dma_start3A_150 : memref<1x1x2x128xi32, #tpu.memory_space<hbm>> -> memref<2x128xi32, #tpu.memory_space<hbm>>
        %dma_start3A_152 = arith.constant 0 : i32
        %dma_start3A_153 = arith.constant 0 : i32
        %dma_start3A_154 = tpu.memref_slice %arg3[%add3A, %add3A_147, %dma_start3A_152, %dma_start3A_153] : memref<32x80x2x128xi32, #tpu.memory_space<hbm>> -> memref<1x1x2x128xi32, #tpu.memory_space<hbm>>
        %dma_start3A_155 = tpu.memref_squeeze %dma_start3A_154 : memref<1x1x2x128xi32, #tpu.memory_space<hbm>> -> memref<2x128xi32, #tpu.memory_space<hbm>>
        tpu.enqueue_dma source(%dma_start3A_155 : memref<2x128xi32, #tpu.memory_space<hbm>>) target(%arg6 : memref<2x128xi32, #tpu.memory_space<vmem>>) target_semaphore(%arg12 : memref<!tpu.dma_semaphore, #tpu.memory_space<semaphore_mem>>)
      } else {
      }
      %add3A_98 = arith.constant 2 : i32
      %add3A_99 = arith.addi %add3A_53, %add3A_98 : i32
      %add3A_100 = arith.constant 1 : i32
      %add3A_101 = arith.addi %add3A_99, %add3A_100 : i32
      %lt3A_102 = arith.constant 80 : i32
      %lt3A_103 = arith.cmpi slt, %add3A_101, %lt3A_102 : i32
      %convert_element_type3A_104 = arith.extui %lt3A_103 : i1 to i32
      %cond3A_105 = arith.constant 0 : i32
      %cond3A_106 = arith.cmpi ne, %convert_element_type3A_104, %cond3A_105 : i32
      scf.if %cond3A_106 {
        %add3A_146 = arith.constant 1 : i32
        %add3A_147 = arith.addi %add3A_99, %add3A_146 : i32
        %dma_wait3A_148 = arith.constant 0 : i32
        %dma_wait3A_149 = arith.constant 0 : i32
        %dma_wait3A_150 = tpu.memref_slice %arg3[%add3A, %add3A_147, %dma_wait3A_148, %dma_wait3A_149] : memref<32x80x2x128xi32, #tpu.memory_space<hbm>> -> memref<1x1x2x128xi32, #tpu.memory_space<hbm>>
        %dma_wait3A_151 = tpu.memref_squeeze %dma_wait3A_150 : memref<1x1x2x128xi32, #tpu.memory_space<hbm>> -> memref<2x128xi32, #tpu.memory_space<hbm>>
        %dma_wait3A_152 = arith.constant 0 : i32
        %dma_wait3A_153 = arith.constant 0 : i32
        %dma_wait3A_154 = tpu.memref_slice %arg3[%add3A, %add3A_147, %dma_wait3A_152, %dma_wait3A_153] : memref<32x80x2x128xi32, #tpu.memory_space<hbm>> -> memref<1x1x2x128xi32, #tpu.memory_space<hbm>>
        %dma_wait3A_155 = tpu.memref_squeeze %dma_wait3A_154 : memref<1x1x2x128xi32, #tpu.memory_space<hbm>> -> memref<2x128xi32, #tpu.memory_space<hbm>>
        tpu.wait_dma2 semaphore(%arg15 : memref<!tpu.dma_semaphore, #tpu.memory_space<semaphore_mem>>) src(%dma_wait3A_155 : memref<2x128xi32, #tpu.memory_space<hbm>>) dst(%arg9 : memref<2x128xi32, #tpu.memory_space<vmem>>)
        %dma_start3A_156 = arith.constant 0 : i32
        %dma_start3A_157 = arith.constant 0 : i32
        %dma_start3A_158 = tpu.memref_slice %arg9[%dma_start3A_156, %dma_start3A_157] : memref<2x128xi32, #tpu.memory_space<vmem>> -> memref<1x128xi32, #tpu.memory_space<vmem>>
        %dma_start3A_159 = tpu.memref_squeeze %dma_start3A_158 : memref<1x128xi32, #tpu.memory_space<vmem>> -> memref<128xi32, #tpu.memory_space<vmem>>
        %dma_start3A_160 = arith.constant 0 : i32
        %dma_start3A_161 = arith.constant 0 : i32
        %dma_start3A_162 = tpu.memref_slice %arg2[%dma_start3A_160, %dma_start3A_161] : memref<10240x128xf32, #tpu.memory_space<hbm>> -> memref<10240x128xf32, #tpu.memory_space<hbm>>
        tpu.enqueue_indirect_dma source(%dma_start3A_162 : memref<10240x128xf32, #tpu.memory_space<hbm>>) target(%arg11 : memref<128x128xf32, #tpu.memory_space<vmem>>) offsets(%dma_start3A_159 : memref<128xi32, #tpu.memory_space<vmem>>) semaphore(%arg17 : memref<!tpu.dma_semaphore, #tpu.memory_space<semaphore_mem>>)
      } else {
      }
      %dma_wait3A_107 = arith.constant 0 : i32
      %dma_wait3A_108 = arith.constant 0 : i32
      %dma_wait3A_109 = tpu.memref_slice %arg8[%dma_wait3A_107, %dma_wait3A_108] : memref<2x128xi32, #tpu.memory_space<vmem>> -> memref<1x128xi32, #tpu.memory_space<vmem>>
      %dma_wait3A_110 = tpu.memref_squeeze %dma_wait3A_109 : memref<1x128xi32, #tpu.memory_space<vmem>> -> memref<128xi32, #tpu.memory_space<vmem>>
      %dma_wait3A_111 = arith.constant 0 : i32
      %dma_wait3A_112 = arith.constant 0 : i32
      %dma_wait3A_113 = tpu.memref_slice %arg2[%dma_wait3A_111, %dma_wait3A_112] : memref<10240x128xf32, #tpu.memory_space<hbm>> -> memref<10240x128xf32, #tpu.memory_space<hbm>>
      tpu.wait_indirect_dma semaphore(%arg16 : memref<!tpu.dma_semaphore, #tpu.memory_space<semaphore_mem>>) src(%dma_wait3A_113 : memref<10240x128xf32, #tpu.memory_space<hbm>>) dst(%arg10 : memref<128x128xf32, #tpu.memory_space<vmem>>)
      %run_scoped3A_114 = arith.constant 1 : i32
      "tpu.region"() ({
        %run_scoped3A_146 = tpu.sem_alloc : memref<!tpu.dma_semaphore, #tpu.memory_space<semaphore_mem>>
        %dma_start3A_147 = arith.constant 0 : i32
        %dma_start3A_148 = tpu.memref_slice %arg8[%run_scoped3A_114, %dma_start3A_147] : memref<2x128xi32, #tpu.memory_space<vmem>> -> memref<1x128xi32, #tpu.memory_space<vmem>>
        %dma_start3A_149 = tpu.memref_squeeze %dma_start3A_148 : memref<1x128xi32, #tpu.memory_space<vmem>> -> memref<128xi32, #tpu.memory_space<vmem>>
        %dma_start3A_150 = arith.constant 0 : i32
        %dma_start3A_151 = arith.constant 0 : i32
        %dma_start3A_152 = tpu.memref_slice %arg5[%dma_start3A_150, %dma_start3A_151] : memref<10240x128xf32, #tpu.memory_space<vmem_shared>> -> memref<10240x128xf32, #tpu.memory_space<vmem_shared>>
        tpu.enqueue_indirect_dma source(%arg10 : memref<128x128xf32, #tpu.memory_space<vmem>>) target(%dma_start3A_152 : memref<10240x128xf32, #tpu.memory_space<vmem_shared>>) offsets(%dma_start3A_149 : memref<128xi32, #tpu.memory_space<vmem>>) semaphore(%run_scoped3A_146 : memref<!tpu.dma_semaphore, #tpu.memory_space<semaphore_mem>>) {add = true}
        %dma_wait3A_153 = arith.constant 0 : i32
        %dma_wait3A_154 = tpu.memref_slice %arg8[%run_scoped3A_114, %dma_wait3A_153] : memref<2x128xi32, #tpu.memory_space<vmem>> -> memref<1x128xi32, #tpu.memory_space<vmem>>
        %dma_wait3A_155 = tpu.memref_squeeze %dma_wait3A_154 : memref<1x128xi32, #tpu.memory_space<vmem>> -> memref<128xi32, #tpu.memory_space<vmem>>
        %dma_wait3A_156 = arith.constant 0 : i32
        %dma_wait3A_157 = arith.constant 0 : i32
        %dma_wait3A_158 = tpu.memref_slice %arg5[%dma_wait3A_156, %dma_wait3A_157] : memref<10240x128xf32, #tpu.memory_space<vmem_shared>> -> memref<10240x128xf32, #tpu.memory_space<vmem_shared>>
        tpu.wait_indirect_dma semaphore(%run_scoped3A_146 : memref<!tpu.dma_semaphore, #tpu.memory_space<semaphore_mem>>) src(%arg10 : memref<128x128xf32, #tpu.memory_space<vmem>>) dst(%dma_wait3A_158 : memref<10240x128xf32, #tpu.memory_space<vmem_shared>>)
        tpu.yield
      }) : () -> ()
      %add3A_115 = arith.constant 3 : i32
      %add3A_116 = arith.addi %add3A_99, %add3A_115 : i32
      %lt3A_117 = arith.constant 80 : i32
      %lt3A_118 = arith.cmpi slt, %add3A_116, %lt3A_117 : i32
      %convert_element_type3A_119 = arith.extui %lt3A_118 : i1 to i32
      %cond3A_120 = arith.constant 0 : i32
      %cond3A_121 = arith.cmpi ne, %convert_element_type3A_119, %cond3A_120 : i32
      scf.if %cond3A_121 {
        %add3A_146 = arith.constant 3 : i32
        %add3A_147 = arith.addi %add3A_99, %add3A_146 : i32
        %dma_start3A_148 = arith.constant 0 : i32
        %dma_start3A_149 = arith.constant 0 : i32
        %dma_start3A_150 = tpu.memref_slice %arg3[%add3A, %add3A_147, %dma_start3A_148, %dma_start3A_149] : memref<32x80x2x128xi32, #tpu.memory_space<hbm>> -> memref<1x1x2x128xi32, #tpu.memory_space<hbm>>
        %dma_start3A_151 = tpu.memref_squeeze %dma_start3A_150 : memref<1x1x2x128xi32, #tpu.memory_space<hbm>> -> memref<2x128xi32, #tpu.memory_space<hbm>>
        %dma_start3A_152 = arith.constant 0 : i32
        %dma_start3A_153 = arith.constant 0 : i32
        %dma_start3A_154 = tpu.memref_slice %arg3[%add3A, %add3A_147, %dma_start3A_152, %dma_start3A_153] : memref<32x80x2x128xi32, #tpu.memory_space<hbm>> -> memref<1x1x2x128xi32, #tpu.memory_space<hbm>>
        %dma_start3A_155 = tpu.memref_squeeze %dma_start3A_154 : memref<1x1x2x128xi32, #tpu.memory_space<hbm>> -> memref<2x128xi32, #tpu.memory_space<hbm>>
        tpu.enqueue_dma source(%dma_start3A_155 : memref<2x128xi32, #tpu.memory_space<hbm>>) target(%arg7 : memref<2x128xi32, #tpu.memory_space<vmem>>) target_semaphore(%arg13 : memref<!tpu.dma_semaphore, #tpu.memory_space<semaphore_mem>>)
      } else {
      }
      %add3A_122 = arith.constant 3 : i32
      %add3A_123 = arith.addi %add3A_53, %add3A_122 : i32
      %add3A_124 = arith.constant 1 : i32
      %add3A_125 = arith.addi %add3A_123, %add3A_124 : i32
      %lt3A_126 = arith.constant 80 : i32
      %lt3A_127 = arith.cmpi slt, %add3A_125, %lt3A_126 : i32
      %convert_element_type3A_128 = arith.extui %lt3A_127 : i1 to i32
      %cond3A_129 = arith.constant 0 : i32
      %cond3A_130 = arith.cmpi ne, %convert_element_type3A_128, %cond3A_129 : i32
      scf.if %cond3A_130 {
        %add3A_146 = arith.constant 1 : i32
        %add3A_147 = arith.addi %add3A_123, %add3A_146 : i32
        %dma_wait3A_148 = arith.constant 0 : i32
        %dma_wait3A_149 = arith.constant 0 : i32
        %dma_wait3A_150 = tpu.memref_slice %arg3[%add3A, %add3A_147, %dma_wait3A_148, %dma_wait3A_149] : memref<32x80x2x128xi32, #tpu.memory_space<hbm>> -> memref<1x1x2x128xi32, #tpu.memory_space<hbm>>
        %dma_wait3A_151 = tpu.memref_squeeze %dma_wait3A_150 : memref<1x1x2x128xi32, #tpu.memory_space<hbm>> -> memref<2x128xi32, #tpu.memory_space<hbm>>
        %dma_wait3A_152 = arith.constant 0 : i32
        %dma_wait3A_153 = arith.constant 0 : i32
        %dma_wait3A_154 = tpu.memref_slice %arg3[%add3A, %add3A_147, %dma_wait3A_152, %dma_wait3A_153] : memref<32x80x2x128xi32, #tpu.memory_space<hbm>> -> memref<1x1x2x128xi32, #tpu.memory_space<hbm>>
        %dma_wait3A_155 = tpu.memref_squeeze %dma_wait3A_154 : memref<1x1x2x128xi32, #tpu.memory_space<hbm>> -> memref<2x128xi32, #tpu.memory_space<hbm>>
        tpu.wait_dma2 semaphore(%arg12 : memref<!tpu.dma_semaphore, #tpu.memory_space<semaphore_mem>>) src(%dma_wait3A_155 : memref<2x128xi32, #tpu.memory_space<hbm>>) dst(%arg6 : memref<2x128xi32, #tpu.memory_space<vmem>>)
        %dma_start3A_156 = arith.constant 0 : i32
        %dma_start3A_157 = arith.constant 0 : i32
        %dma_start3A_158 = tpu.memref_slice %arg6[%dma_start3A_156, %dma_start3A_157] : memref<2x128xi32, #tpu.memory_space<vmem>> -> memref<1x128xi32, #tpu.memory_space<vmem>>
        %dma_start3A_159 = tpu.memref_squeeze %dma_start3A_158 : memref<1x128xi32, #tpu.memory_space<vmem>> -> memref<128xi32, #tpu.memory_space<vmem>>
        %dma_start3A_160 = arith.constant 0 : i32
        %dma_start3A_161 = arith.constant 0 : i32
        %dma_start3A_162 = tpu.memref_slice %arg2[%dma_start3A_160, %dma_start3A_161] : memref<10240x128xf32, #tpu.memory_space<hbm>> -> memref<10240x128xf32, #tpu.memory_space<hbm>>
        tpu.enqueue_indirect_dma source(%dma_start3A_162 : memref<10240x128xf32, #tpu.memory_space<hbm>>) target(%arg10 : memref<128x128xf32, #tpu.memory_space<vmem>>) offsets(%dma_start3A_159 : memref<128xi32, #tpu.memory_space<vmem>>) semaphore(%arg16 : memref<!tpu.dma_semaphore, #tpu.memory_space<semaphore_mem>>)
      } else {
      }
      %dma_wait3A_131 = arith.constant 0 : i32
      %dma_wait3A_132 = arith.constant 0 : i32
      %dma_wait3A_133 = tpu.memref_slice %arg9[%dma_wait3A_131, %dma_wait3A_132] : memref<2x128xi32, #tpu.memory_space<vmem>> -> memref<1x128xi32, #tpu.memory_space<vmem>>
      %dma_wait3A_134 = tpu.memref_squeeze %dma_wait3A_133 : memref<1x128xi32, #tpu.memory_space<vmem>> -> memref<128xi32, #tpu.memory_space<vmem>>
      %dma_wait3A_135 = arith.constant 0 : i32
      %dma_wait3A_136 = arith.constant 0 : i32
      %dma_wait3A_137 = tpu.memref_slice %arg2[%dma_wait3A_135, %dma_wait3A_136] : memref<10240x128xf32, #tpu.memory_space<hbm>> -> memref<10240x128xf32, #tpu.memory_space<hbm>>
      tpu.wait_indirect_dma semaphore(%arg17 : memref<!tpu.dma_semaphore, #tpu.memory_space<semaphore_mem>>) src(%dma_wait3A_137 : memref<10240x128xf32, #tpu.memory_space<hbm>>) dst(%arg11 : memref<128x128xf32, #tpu.memory_space<vmem>>)
      %run_scoped3A_138 = arith.constant 1 : i32
      "tpu.region"() ({
        %run_scoped3A_146 = tpu.sem_alloc : memref<!tpu.dma_semaphore, #tpu.memory_space<semaphore_mem>>
        %dma_start3A_147 = arith.constant 0 : i32
        %dma_start3A_148 = tpu.memref_slice %arg9[%run_scoped3A_138, %dma_start3A_147] : memref<2x128xi32, #tpu.memory_space<vmem>> -> memref<1x128xi32, #tpu.memory_space<vmem>>
        %dma_start3A_149 = tpu.memref_squeeze %dma_start3A_148 : memref<1x128xi32, #tpu.memory_space<vmem>> -> memref<128xi32, #tpu.memory_space<vmem>>
        %dma_start3A_150 = arith.constant 0 : i32
        %dma_start3A_151 = arith.constant 0 : i32
        %dma_start3A_152 = tpu.memref_slice %arg5[%dma_start3A_150, %dma_start3A_151] : memref<10240x128xf32, #tpu.memory_space<vmem_shared>> -> memref<10240x128xf32, #tpu.memory_space<vmem_shared>>
        tpu.enqueue_indirect_dma source(%arg11 : memref<128x128xf32, #tpu.memory_space<vmem>>) target(%dma_start3A_152 : memref<10240x128xf32, #tpu.memory_space<vmem_shared>>) offsets(%dma_start3A_149 : memref<128xi32, #tpu.memory_space<vmem>>) semaphore(%run_scoped3A_146 : memref<!tpu.dma_semaphore, #tpu.memory_space<semaphore_mem>>) {add = true}
        %dma_wait3A_153 = arith.constant 0 : i32
        %dma_wait3A_154 = tpu.memref_slice %arg9[%run_scoped3A_138, %dma_wait3A_153] : memref<2x128xi32, #tpu.memory_space<vmem>> -> memref<1x128xi32, #tpu.memory_space<vmem>>
        %dma_wait3A_155 = tpu.memref_squeeze %dma_wait3A_154 : memref<1x128xi32, #tpu.memory_space<vmem>> -> memref<128xi32, #tpu.memory_space<vmem>>
        %dma_wait3A_156 = arith.constant 0 : i32
        %dma_wait3A_157 = arith.constant 0 : i32
        %dma_wait3A_158 = tpu.memref_slice %arg5[%dma_wait3A_156, %dma_wait3A_157] : memref<10240x128xf32, #tpu.memory_space<vmem_shared>> -> memref<10240x128xf32, #tpu.memory_space<vmem_shared>>
        tpu.wait_indirect_dma semaphore(%run_scoped3A_146 : memref<!tpu.dma_semaphore, #tpu.memory_space<semaphore_mem>>) src(%arg11 : memref<128x128xf32, #tpu.memory_space<vmem>>) dst(%dma_wait3A_158 : memref<10240x128xf32, #tpu.memory_space<vmem_shared>>)
        tpu.yield
      }) : () -> ()
      %add3A_139 = arith.constant 3 : i32
      %add3A_140 = arith.addi %add3A_123, %add3A_139 : i32
      %lt3A_141 = arith.constant 80 : i32
      %lt3A_142 = arith.cmpi slt, %add3A_140, %lt3A_141 : i32
      %convert_element_type3A_143 = arith.extui %lt3A_142 : i1 to i32
      %cond3A_144 = arith.constant 0 : i32
      %cond3A_145 = arith.cmpi ne, %convert_element_type3A_143, %cond3A_144 : i32
      scf.if %cond3A_145 {
        %add3A_146 = arith.constant 3 : i32
        %add3A_147 = arith.addi %add3A_123, %add3A_146 : i32
        %dma_start3A_148 = arith.constant 0 : i32
        %dma_start3A_149 = arith.constant 0 : i32
        %dma_start3A_150 = tpu.memref_slice %arg3[%add3A, %add3A_147, %dma_start3A_148, %dma_start3A_149] : memref<32x80x2x128xi32, #tpu.memory_space<hbm>> -> memref<1x1x2x128xi32, #tpu.memory_space<hbm>>
        %dma_start3A_151 = tpu.memref_squeeze %dma_start3A_150 : memref<1x1x2x128xi32, #tpu.memory_space<hbm>> -> memref<2x128xi32, #tpu.memory_space<hbm>>
        %dma_start3A_152 = arith.constant 0 : i32
        %dma_start3A_153 = arith.constant 0 : i32
        %dma_start3A_154 = tpu.memref_slice %arg3[%add3A, %add3A_147, %dma_start3A_152, %dma_start3A_153] : memref<32x80x2x128xi32, #tpu.memory_space<hbm>> -> memref<1x1x2x128xi32, #tpu.memory_space<hbm>>
        %dma_start3A_155 = tpu.memref_squeeze %dma_start3A_154 : memref<1x1x2x128xi32, #tpu.memory_space<hbm>> -> memref<2x128xi32, #tpu.memory_space<hbm>>
        tpu.enqueue_dma source(%dma_start3A_155 : memref<2x128xi32, #tpu.memory_space<hbm>>) target(%arg8 : memref<2x128xi32, #tpu.memory_space<vmem>>) target_semaphore(%arg14 : memref<!tpu.dma_semaphore, #tpu.memory_space<semaphore_mem>>)
      } else {
      }
    }
    %scan3A_47 = arith.constant 20 : i32
    %barrier3A_48 = arith.constant 0 : index
    tpu.barrier barrier_id(%barrier3A_48)
    "tpu.region"() ({
      %run_scoped3A_49 = tpu.sem_alloc : memref<!tpu.dma_semaphore, #tpu.memory_space<semaphore_mem>>
      %dma_start3A_50 = arith.constant 0 : i32
      %dma_start3A_51 = tpu.memref_slice %arg4[%arg0, %mul3A_8, %dma_start3A_50] : memref<2x10240x128xf32, #tpu.memory_space<hbm>> -> memref<1x640x128xf32, #tpu.memory_space<hbm>>
      %dma_start3A_52 = tpu.memref_squeeze %dma_start3A_51 : memref<1x640x128xf32, #tpu.memory_space<hbm>> -> memref<640x128xf32, #tpu.memory_space<hbm>>
      %dma_start3A_53 = arith.constant 0 : i32
      %dma_start3A_54 = tpu.memref_slice %arg5[%mul3A_8, %dma_start3A_53] : memref<10240x128xf32, #tpu.memory_space<vmem_shared>> -> memref<640x128xf32, #tpu.memory_space<vmem_shared>>
      tpu.enqueue_dma source(%dma_start3A_54 : memref<640x128xf32, #tpu.memory_space<vmem_shared>>) target(%dma_start3A_52 : memref<640x128xf32, #tpu.memory_space<hbm>>) target_semaphore(%run_scoped3A_49 : memref<!tpu.dma_semaphore, #tpu.memory_space<semaphore_mem>>)
      %dma_wait3A = arith.constant 0 : i32
      %dma_wait3A_55 = tpu.memref_slice %arg4[%arg0, %mul3A_8, %dma_wait3A] : memref<2x10240x128xf32, #tpu.memory_space<hbm>> -> memref<1x640x128xf32, #tpu.memory_space<hbm>>
      %dma_wait3A_56 = tpu.memref_squeeze %dma_wait3A_55 : memref<1x640x128xf32, #tpu.memory_space<hbm>> -> memref<640x128xf32, #tpu.memory_space<hbm>>
      %dma_wait3A_57 = arith.constant 0 : i32
      %dma_wait3A_58 = tpu.memref_slice %arg5[%mul3A_8, %dma_wait3A_57] : memref<10240x128xf32, #tpu.memory_space<vmem_shared>> -> memref<640x128xf32, #tpu.memory_space<vmem_shared>>
      tpu.wait_dma2 semaphore(%run_scoped3A_49 : memref<!tpu.dma_semaphore, #tpu.memory_space<semaphore_mem>>) src(%dma_wait3A_58 : memref<640x128xf32, #tpu.memory_space<vmem_shared>>) dst(%dma_wait3A_56 : memref<640x128xf32, #tpu.memory_space<hbm>>)
      tpu.yield
    }) : () -> ()
    return
  }
}

#map = affine_map<(d0, d1) -> (0, 0, 0, 0)>
#map1 = affine_map<(d0, d1) -> (0, 0, 0)>
module attributes {stable_mosaic.version = 14 : i64} {
  func.func @_deg_body(%arg0: i32, %arg1: i32, %arg2: memref<32x80x2x128xi32, #tpu.memory_space<hbm>>, %arg3: memref<2x10240x128xf32, #tpu.memory_space<hbm>>, %arg4: memref<10240x128xf32, #tpu.memory_space<vmem_shared>>, %arg5: memref<80x2x128xi32, #tpu.memory_space<vmem>>, %arg6: memref<128x128xf32, #tpu.memory_space<vmem>>, %arg7: memref<!tpu.dma_semaphore, #tpu.memory_space<semaphore_mem>>) attributes {dimension_semantics = [#tpu.dimension_semantics<core_parallel>, #tpu.dimension_semantics<subcore_parallel>], iteration_bounds = array<i64: 2, 16>, scalar_prefetch = 0 : i64, scratch_operands = 4 : i64, tpu.core_type = #tpu.core_type<sc_vector_subcore>, window_params = [{transform_indices = #map}, {transform_indices = #map1}]} {
    %mul3A = arith.constant 16 : i32
    %mul3A_0 = arith.muli %arg0, %mul3A : i32
    %add3A = arith.addi %mul3A_0, %arg1 : i32
    "tpu.region"() ({
      %run_scoped3A = tpu.sem_alloc : memref<!tpu.dma_semaphore, #tpu.memory_space<semaphore_mem>>
      %dma_start3A = arith.constant 0 : i32
      %dma_start3A_32 = arith.constant 0 : i32
      %dma_start3A_33 = arith.constant 0 : i32
      %dma_start3A_34 = tpu.memref_slice %arg2[%add3A, %dma_start3A, %dma_start3A_32, %dma_start3A_33] : memref<32x80x2x128xi32, #tpu.memory_space<hbm>> -> memref<1x80x2x128xi32, #tpu.memory_space<hbm>>
      %dma_start3A_35 = tpu.memref_squeeze %dma_start3A_34 : memref<1x80x2x128xi32, #tpu.memory_space<hbm>> -> memref<80x2x128xi32, #tpu.memory_space<hbm>>
      %dma_start3A_36 = arith.constant 0 : i32
      %dma_start3A_37 = arith.constant 0 : i32
      %dma_start3A_38 = arith.constant 0 : i32
      %dma_start3A_39 = tpu.memref_slice %arg2[%add3A, %dma_start3A_36, %dma_start3A_37, %dma_start3A_38] : memref<32x80x2x128xi32, #tpu.memory_space<hbm>> -> memref<1x80x2x128xi32, #tpu.memory_space<hbm>>
      %dma_start3A_40 = tpu.memref_squeeze %dma_start3A_39 : memref<1x80x2x128xi32, #tpu.memory_space<hbm>> -> memref<80x2x128xi32, #tpu.memory_space<hbm>>
      tpu.enqueue_dma source(%dma_start3A_40 : memref<80x2x128xi32, #tpu.memory_space<hbm>>) target(%arg5 : memref<80x2x128xi32, #tpu.memory_space<vmem>>) target_semaphore(%run_scoped3A : memref<!tpu.dma_semaphore, #tpu.memory_space<semaphore_mem>>)
      %dma_wait3A = arith.constant 0 : i32
      %dma_wait3A_41 = arith.constant 0 : i32
      %dma_wait3A_42 = arith.constant 0 : i32
      %dma_wait3A_43 = tpu.memref_slice %arg2[%add3A, %dma_wait3A, %dma_wait3A_41, %dma_wait3A_42] : memref<32x80x2x128xi32, #tpu.memory_space<hbm>> -> memref<1x80x2x128xi32, #tpu.memory_space<hbm>>
      %dma_wait3A_44 = tpu.memref_squeeze %dma_wait3A_43 : memref<1x80x2x128xi32, #tpu.memory_space<hbm>> -> memref<80x2x128xi32, #tpu.memory_space<hbm>>
      %dma_wait3A_45 = arith.constant 0 : i32
      %dma_wait3A_46 = arith.constant 0 : i32
      %dma_wait3A_47 = arith.constant 0 : i32
      %dma_wait3A_48 = tpu.memref_slice %arg2[%add3A, %dma_wait3A_45, %dma_wait3A_46, %dma_wait3A_47] : memref<32x80x2x128xi32, #tpu.memory_space<hbm>> -> memref<1x80x2x128xi32, #tpu.memory_space<hbm>>
      %dma_wait3A_49 = tpu.memref_squeeze %dma_wait3A_48 : memref<1x80x2x128xi32, #tpu.memory_space<hbm>> -> memref<80x2x128xi32, #tpu.memory_space<hbm>>
      tpu.wait_dma2 semaphore(%run_scoped3A : memref<!tpu.dma_semaphore, #tpu.memory_space<semaphore_mem>>) src(%dma_wait3A_49 : memref<80x2x128xi32, #tpu.memory_space<hbm>>) dst(%arg5 : memref<80x2x128xi32, #tpu.memory_space<vmem>>)
      tpu.yield
    }) : () -> ()
    %scan3A = arith.constant 0 : i32
    %scan3A_1 = arith.constant 0 : i32
    %scan3A_2 = arith.constant 1024 : i32
    %scan3A_3 = arith.addi %scan3A_1, %scan3A_2 : i32
    %scan3A_4 = arith.constant 1 : i32
    %scan3A_5 = scf.for %scan3A_32 = %scan3A_1 to %scan3A_3 step %scan3A_4 iter_args(%scan3A_33 = %scan3A) -> (i32)  : i32 {
      %jit3A = arith.constant 8 : i32
      %div3A = arith.divsi %scan3A_32, %jit3A : i32
      %sign3A = arith.constant 0 : i32
      %sign3A_34 = arith.cmpi sgt, %scan3A_32, %sign3A : i32
      %sign3A_35 = arith.extui %sign3A_34 : i1 to i32
      %sign3A_36 = arith.constant 0 : i32
      %sign3A_37 = arith.cmpi slt, %scan3A_32, %sign3A_36 : i32
      %sign3A_38 = arith.extui %sign3A_37 : i1 to i32
      %sign3A_39 = arith.subi %sign3A_35, %sign3A_38 : i32
      %sign3A_40 = arith.constant 0 : i32
      %sign3A_41 = arith.cmpi sgt, %jit3A, %sign3A_40 : i32
      %sign3A_42 = arith.extui %sign3A_41 : i1 to i32
      %sign3A_43 = arith.constant 0 : i32
      %sign3A_44 = arith.cmpi slt, %jit3A, %sign3A_43 : i32
      %sign3A_45 = arith.extui %sign3A_44 : i1 to i32
      %sign3A_46 = arith.subi %sign3A_42, %sign3A_45 : i32
      %ne3A = arith.cmpi ne, %sign3A_39, %sign3A_46 : i32
      %rem3A = arith.remsi %scan3A_32, %jit3A : i32
      %ne3A_47 = arith.constant 0 : i32
      %ne3A_48 = arith.cmpi ne, %rem3A, %ne3A_47 : i32
      %and3A = arith.andi %ne3A, %ne3A_48 : i1
      %sub3A = arith.constant 1 : i32
      %sub3A_49 = arith.subi %div3A, %sub3A : i32
      %select_n3A = arith.select %and3A, %sub3A_49, %div3A : i32
      %mul3A_50 = arith.constant 8 : i32
      %mul3A_51 = arith.muli %select_n3A, %mul3A_50 : i32
      %sub3A_52 = arith.subi %scan3A_32, %mul3A_51 : i32
      %broadcast_in_dim3A = arith.constant 0.000000e+00 : f32
      %broadcast_in_dim3A_53 = vector.broadcast %broadcast_in_dim3A : f32 to vector<16xf32>
      %mul3A_54 = arith.constant 16 : i32
      %mul3A_55 = arith.muli %sub3A_52, %mul3A_54 : i32
      %swap3A = arith.index_cast %select_n3A : i32 to index
      %swap3A_56 = arith.index_cast %mul3A_55 : i32 to index
      %swap3A_57 = tpu.vector_load %arg6[%swap3A, %swap3A_56] {strides = array<i32>} : memref<128x128xf32, #tpu.memory_space<vmem>>, vector<1x16xf32>,
      %swap3A_58 = vector.shape_cast %swap3A_57 : vector<1x16xf32> to vector<16xf32>
      %swap3A_59 = vector.shape_cast %broadcast_in_dim3A_53 : vector<16xf32> to vector<1x16xf32>
      tpu.vector_store %arg6[%swap3A, %swap3A_56], %swap3A_59 {strides = array<i32>} : memref<128x128xf32, #tpu.memory_space<vmem>>, vector<1x16xf32>,
      %scan3A_60 = arith.constant 0 : i32
      scf.yield %scan3A_60 : i32
    }
    %scan3A_6 = arith.constant 1024 : i32
    %mul3A_7 = arith.constant 640 : i32
    %mul3A_8 = arith.muli %arg1, %mul3A_7 : i32
    %add3A_9 = arith.constant 0 : i32
    %add3A_10 = arith.addi %mul3A_8, %add3A_9 : i32
    "tpu.region"() ({
      %run_scoped3A = tpu.sem_alloc : memref<!tpu.dma_semaphore, #tpu.memory_space<semaphore_mem>>
      %dma_start3A = arith.constant 0 : i32
      %dma_start3A_32 = tpu.memref_slice %arg4[%add3A_10, %dma_start3A] : memref<10240x128xf32, #tpu.memory_space<vmem_shared>> -> memref<128x128xf32, #tpu.memory_space<vmem_shared>>
      %dma_start3A_33 = arith.constant 0 : i32
      %dma_start3A_34 = tpu.memref_slice %arg4[%add3A_10, %dma_start3A_33] : memref<10240x128xf32, #tpu.memory_space<vmem_shared>> -> memref<128x128xf32, #tpu.memory_space<vmem_shared>>
      tpu.enqueue_dma source(%arg6 : memref<128x128xf32, #tpu.memory_space<vmem>>) target(%dma_start3A_34 : memref<128x128xf32, #tpu.memory_space<vmem_shared>>) target_semaphore(%run_scoped3A : memref<!tpu.dma_semaphore, #tpu.memory_space<semaphore_mem>>)
      %dma_wait3A = arith.constant 0 : i32
      %dma_wait3A_35 = tpu.memref_slice %arg4[%add3A_10, %dma_wait3A] : memref<10240x128xf32, #tpu.memory_space<vmem_shared>> -> memref<128x128xf32, #tpu.memory_space<vmem_shared>>
      %dma_wait3A_36 = arith.constant 0 : i32
      %dma_wait3A_37 = tpu.memref_slice %arg4[%add3A_10, %dma_wait3A_36] : memref<10240x128xf32, #tpu.memory_space<vmem_shared>> -> memref<128x128xf32, #tpu.memory_space<vmem_shared>>
      tpu.wait_dma2 semaphore(%run_scoped3A : memref<!tpu.dma_semaphore, #tpu.memory_space<semaphore_mem>>) src(%arg6 : memref<128x128xf32, #tpu.memory_space<vmem>>) dst(%dma_wait3A_37 : memref<128x128xf32, #tpu.memory_space<vmem_shared>>)
      tpu.yield
    }) : () -> ()
    %add3A_11 = arith.constant 128 : i32
    %add3A_12 = arith.addi %mul3A_8, %add3A_11 : i32
    "tpu.region"() ({
      %run_scoped3A = tpu.sem_alloc : memref<!tpu.dma_semaphore, #tpu.memory_space<semaphore_mem>>
      %dma_start3A = arith.constant 0 : i32
      %dma_start3A_32 = tpu.memref_slice %arg4[%add3A_12, %dma_start3A] : memref<10240x128xf32, #tpu.memory_space<vmem_shared>> -> memref<128x128xf32, #tpu.memory_space<vmem_shared>>
      %dma_start3A_33 = arith.constant 0 : i32
      %dma_start3A_34 = tpu.memref_slice %arg4[%add3A_12, %dma_start3A_33] : memref<10240x128xf32, #tpu.memory_space<vmem_shared>> -> memref<128x128xf32, #tpu.memory_space<vmem_shared>>
      tpu.enqueue_dma source(%arg6 : memref<128x128xf32, #tpu.memory_space<vmem>>) target(%dma_start3A_34 : memref<128x128xf32, #tpu.memory_space<vmem_shared>>) target_semaphore(%run_scoped3A : memref<!tpu.dma_semaphore, #tpu.memory_space<semaphore_mem>>)
      %dma_wait3A = arith.constant 0 : i32
      %dma_wait3A_35 = tpu.memref_slice %arg4[%add3A_12, %dma_wait3A] : memref<10240x128xf32, #tpu.memory_space<vmem_shared>> -> memref<128x128xf32, #tpu.memory_space<vmem_shared>>
      %dma_wait3A_36 = arith.constant 0 : i32
      %dma_wait3A_37 = tpu.memref_slice %arg4[%add3A_12, %dma_wait3A_36] : memref<10240x128xf32, #tpu.memory_space<vmem_shared>> -> memref<128x128xf32, #tpu.memory_space<vmem_shared>>
      tpu.wait_dma2 semaphore(%run_scoped3A : memref<!tpu.dma_semaphore, #tpu.memory_space<semaphore_mem>>) src(%arg6 : memref<128x128xf32, #tpu.memory_space<vmem>>) dst(%dma_wait3A_37 : memref<128x128xf32, #tpu.memory_space<vmem_shared>>)
      tpu.yield
    }) : () -> ()
    %add3A_13 = arith.constant 256 : i32
    %add3A_14 = arith.addi %mul3A_8, %add3A_13 : i32
    "tpu.region"() ({
      %run_scoped3A = tpu.sem_alloc : memref<!tpu.dma_semaphore, #tpu.memory_space<semaphore_mem>>
      %dma_start3A = arith.constant 0 : i32
      %dma_start3A_32 = tpu.memref_slice %arg4[%add3A_14, %dma_start3A] : memref<10240x128xf32, #tpu.memory_space<vmem_shared>> -> memref<128x128xf32, #tpu.memory_space<vmem_shared>>
      %dma_start3A_33 = arith.constant 0 : i32
      %dma_start3A_34 = tpu.memref_slice %arg4[%add3A_14, %dma_start3A_33] : memref<10240x128xf32, #tpu.memory_space<vmem_shared>> -> memref<128x128xf32, #tpu.memory_space<vmem_shared>>
      tpu.enqueue_dma source(%arg6 : memref<128x128xf32, #tpu.memory_space<vmem>>) target(%dma_start3A_34 : memref<128x128xf32, #tpu.memory_space<vmem_shared>>) target_semaphore(%run_scoped3A : memref<!tpu.dma_semaphore, #tpu.memory_space<semaphore_mem>>)
      %dma_wait3A = arith.constant 0 : i32
      %dma_wait3A_35 = tpu.memref_slice %arg4[%add3A_14, %dma_wait3A] : memref<10240x128xf32, #tpu.memory_space<vmem_shared>> -> memref<128x128xf32, #tpu.memory_space<vmem_shared>>
      %dma_wait3A_36 = arith.constant 0 : i32
      %dma_wait3A_37 = tpu.memref_slice %arg4[%add3A_14, %dma_wait3A_36] : memref<10240x128xf32, #tpu.memory_space<vmem_shared>> -> memref<128x128xf32, #tpu.memory_space<vmem_shared>>
      tpu.wait_dma2 semaphore(%run_scoped3A : memref<!tpu.dma_semaphore, #tpu.memory_space<semaphore_mem>>) src(%arg6 : memref<128x128xf32, #tpu.memory_space<vmem>>) dst(%dma_wait3A_37 : memref<128x128xf32, #tpu.memory_space<vmem_shared>>)
      tpu.yield
    }) : () -> ()
    %add3A_15 = arith.constant 384 : i32
    %add3A_16 = arith.addi %mul3A_8, %add3A_15 : i32
    "tpu.region"() ({
      %run_scoped3A = tpu.sem_alloc : memref<!tpu.dma_semaphore, #tpu.memory_space<semaphore_mem>>
      %dma_start3A = arith.constant 0 : i32
      %dma_start3A_32 = tpu.memref_slice %arg4[%add3A_16, %dma_start3A] : memref<10240x128xf32, #tpu.memory_space<vmem_shared>> -> memref<128x128xf32, #tpu.memory_space<vmem_shared>>
      %dma_start3A_33 = arith.constant 0 : i32
      %dma_start3A_34 = tpu.memref_slice %arg4[%add3A_16, %dma_start3A_33] : memref<10240x128xf32, #tpu.memory_space<vmem_shared>> -> memref<128x128xf32, #tpu.memory_space<vmem_shared>>
      tpu.enqueue_dma source(%arg6 : memref<128x128xf32, #tpu.memory_space<vmem>>) target(%dma_start3A_34 : memref<128x128xf32, #tpu.memory_space<vmem_shared>>) target_semaphore(%run_scoped3A : memref<!tpu.dma_semaphore, #tpu.memory_space<semaphore_mem>>)
      %dma_wait3A = arith.constant 0 : i32
      %dma_wait3A_35 = tpu.memref_slice %arg4[%add3A_16, %dma_wait3A] : memref<10240x128xf32, #tpu.memory_space<vmem_shared>> -> memref<128x128xf32, #tpu.memory_space<vmem_shared>>
      %dma_wait3A_36 = arith.constant 0 : i32
      %dma_wait3A_37 = tpu.memref_slice %arg4[%add3A_16, %dma_wait3A_36] : memref<10240x128xf32, #tpu.memory_space<vmem_shared>> -> memref<128x128xf32, #tpu.memory_space<vmem_shared>>
      tpu.wait_dma2 semaphore(%run_scoped3A : memref<!tpu.dma_semaphore, #tpu.memory_space<semaphore_mem>>) src(%arg6 : memref<128x128xf32, #tpu.memory_space<vmem>>) dst(%dma_wait3A_37 : memref<128x128xf32, #tpu.memory_space<vmem_shared>>)
      tpu.yield
    }) : () -> ()
    %add3A_17 = arith.constant 512 : i32
    %add3A_18 = arith.addi %mul3A_8, %add3A_17 : i32
    "tpu.region"() ({
      %run_scoped3A = tpu.sem_alloc : memref<!tpu.dma_semaphore, #tpu.memory_space<semaphore_mem>>
      %dma_start3A = arith.constant 0 : i32
      %dma_start3A_32 = tpu.memref_slice %arg4[%add3A_18, %dma_start3A] : memref<10240x128xf32, #tpu.memory_space<vmem_shared>> -> memref<128x128xf32, #tpu.memory_space<vmem_shared>>
      %dma_start3A_33 = arith.constant 0 : i32
      %dma_start3A_34 = tpu.memref_slice %arg4[%add3A_18, %dma_start3A_33] : memref<10240x128xf32, #tpu.memory_space<vmem_shared>> -> memref<128x128xf32, #tpu.memory_space<vmem_shared>>
      tpu.enqueue_dma source(%arg6 : memref<128x128xf32, #tpu.memory_space<vmem>>) target(%dma_start3A_34 : memref<128x128xf32, #tpu.memory_space<vmem_shared>>) target_semaphore(%run_scoped3A : memref<!tpu.dma_semaphore, #tpu.memory_space<semaphore_mem>>)
      %dma_wait3A = arith.constant 0 : i32
      %dma_wait3A_35 = tpu.memref_slice %arg4[%add3A_18, %dma_wait3A] : memref<10240x128xf32, #tpu.memory_space<vmem_shared>> -> memref<128x128xf32, #tpu.memory_space<vmem_shared>>
      %dma_wait3A_36 = arith.constant 0 : i32
      %dma_wait3A_37 = tpu.memref_slice %arg4[%add3A_18, %dma_wait3A_36] : memref<10240x128xf32, #tpu.memory_space<vmem_shared>> -> memref<128x128xf32, #tpu.memory_space<vmem_shared>>
      tpu.wait_dma2 semaphore(%run_scoped3A : memref<!tpu.dma_semaphore, #tpu.memory_space<semaphore_mem>>) src(%arg6 : memref<128x128xf32, #tpu.memory_space<vmem>>) dst(%dma_wait3A_37 : memref<128x128xf32, #tpu.memory_space<vmem_shared>>)
      tpu.yield
    }) : () -> ()
    %barrier3A = arith.constant 0 : index
    tpu.barrier barrier_id(%barrier3A)
    %scan3A_19 = arith.constant 0 : i32
    %scan3A_20 = arith.constant 0 : i32
    %scan3A_21 = arith.constant 1024 : i32
    %scan3A_22 = arith.addi %scan3A_20, %scan3A_21 : i32
    %scan3A_23 = arith.constant 1 : i32
    %scan3A_24 = scf.for %scan3A_32 = %scan3A_20 to %scan3A_22 step %scan3A_23 iter_args(%scan3A_33 = %scan3A_19) -> (i32)  : i32 {
      %jit3A = arith.constant 8 : i32
      %div3A = arith.divsi %scan3A_32, %jit3A : i32
      %sign3A = arith.constant 0 : i32
      %sign3A_34 = arith.cmpi sgt, %scan3A_32, %sign3A : i32
      %sign3A_35 = arith.extui %sign3A_34 : i1 to i32
      %sign3A_36 = arith.constant 0 : i32
      %sign3A_37 = arith.cmpi slt, %scan3A_32, %sign3A_36 : i32
      %sign3A_38 = arith.extui %sign3A_37 : i1 to i32
      %sign3A_39 = arith.subi %sign3A_35, %sign3A_38 : i32
      %sign3A_40 = arith.constant 0 : i32
      %sign3A_41 = arith.cmpi sgt, %jit3A, %sign3A_40 : i32
      %sign3A_42 = arith.extui %sign3A_41 : i1 to i32
      %sign3A_43 = arith.constant 0 : i32
      %sign3A_44 = arith.cmpi slt, %jit3A, %sign3A_43 : i32
      %sign3A_45 = arith.extui %sign3A_44 : i1 to i32
      %sign3A_46 = arith.subi %sign3A_42, %sign3A_45 : i32
      %ne3A = arith.cmpi ne, %sign3A_39, %sign3A_46 : i32
      %rem3A = arith.remsi %scan3A_32, %jit3A : i32
      %ne3A_47 = arith.constant 0 : i32
      %ne3A_48 = arith.cmpi ne, %rem3A, %ne3A_47 : i32
      %and3A = arith.andi %ne3A, %ne3A_48 : i1
      %sub3A = arith.constant 1 : i32
      %sub3A_49 = arith.subi %div3A, %sub3A : i32
      %select_n3A = arith.select %and3A, %sub3A_49, %div3A : i32
      %mul3A_50 = arith.constant 8 : i32
      %mul3A_51 = arith.muli %select_n3A, %mul3A_50 : i32
      %sub3A_52 = arith.subi %scan3A_32, %mul3A_51 : i32
      %broadcast_in_dim3A = arith.constant 1.000000e+00 : f32
      %broadcast_in_dim3A_53 = vector.broadcast %broadcast_in_dim3A : f32 to vector<16xf32>
      %mul3A_54 = arith.constant 16 : i32
      %mul3A_55 = arith.muli %sub3A_52, %mul3A_54 : i32
      %swap3A = arith.index_cast %select_n3A : i32 to index
      %swap3A_56 = arith.index_cast %mul3A_55 : i32 to index
      %swap3A_57 = tpu.vector_load %arg6[%swap3A, %swap3A_56] {strides = array<i32>} : memref<128x128xf32, #tpu.memory_space<vmem>>, vector<1x16xf32>,
      %swap3A_58 = vector.shape_cast %swap3A_57 : vector<1x16xf32> to vector<16xf32>
      %swap3A_59 = vector.shape_cast %broadcast_in_dim3A_53 : vector<16xf32> to vector<1x16xf32>
      tpu.vector_store %arg6[%swap3A, %swap3A_56], %swap3A_59 {strides = array<i32>} : memref<128x128xf32, #tpu.memory_space<vmem>>, vector<1x16xf32>,
      %scan3A_60 = arith.constant 0 : i32
      scf.yield %scan3A_60 : i32
    }
    %scan3A_25 = arith.constant 1024 : i32
    %scan3A_26 = arith.constant 0 : i32
    %scan3A_27 = arith.constant 20 : i32
    %scan3A_28 = arith.addi %scan3A_26, %scan3A_27 : i32
    %scan3A_29 = arith.constant 1 : i32
    scf.for %scan3A_32 = %scan3A_26 to %scan3A_28 step %scan3A_29  : i32 {
      %mul3A_33 = arith.constant 4 : i32
      %mul3A_34 = arith.muli %scan3A_32, %mul3A_33 : i32
      %add3A_35 = arith.constant 0 : i32
      %add3A_36 = arith.addi %add3A_35, %mul3A_34 : i32
      %add3A_37 = arith.constant 0 : i32
      %add3A_38 = arith.addi %add3A_36, %add3A_37 : i32
      %dma_start3A = arith.constant 1 : i32
      %dma_start3A_39 = arith.constant 0 : i32
      %dma_start3A_40 = tpu.memref_slice %arg5[%add3A_38, %dma_start3A, %dma_start3A_39] : memref<80x2x128xi32, #tpu.memory_space<vmem>> -> memref<1x1x128xi32, #tpu.memory_space<vmem>>
      %dma_start3A_41 = tpu.memref_squeeze %dma_start3A_40 : memref<1x1x128xi32, #tpu.memory_space<vmem>> -> memref<128xi32, #tpu.memory_space<vmem>>
      %dma_start3A_42 = arith.constant 0 : i32
      %dma_start3A_43 = arith.constant 0 : i32
      %dma_start3A_44 = tpu.memref_slice %arg4[%dma_start3A_42, %dma_start3A_43] : memref<10240x128xf32, #tpu.memory_space<vmem_shared>> -> memref<10240x128xf32, #tpu.memory_space<vmem_shared>>
      tpu.enqueue_indirect_dma source(%arg6 : memref<128x128xf32, #tpu.memory_space<vmem>>) target(%dma_start3A_44 : memref<10240x128xf32, #tpu.memory_space<vmem_shared>>) offsets(%dma_start3A_41 : memref<128xi32, #tpu.memory_space<vmem>>) semaphore(%arg7 : memref<!tpu.dma_semaphore, #tpu.memory_space<semaphore_mem>>) {add = true}
      %add3A_45 = arith.constant 1 : i32
      %add3A_46 = arith.addi %add3A_36, %add3A_45 : i32
      %dma_start3A_47 = arith.constant 1 : i32
      %dma_start3A_48 = arith.constant 0 : i32
      %dma_start3A_49 = tpu.memref_slice %arg5[%add3A_46, %dma_start3A_47, %dma_start3A_48] : memref<80x2x128xi32, #tpu.memory_space<vmem>> -> memref<1x1x128xi32, #tpu.memory_space<vmem>>
      %dma_start3A_50 = tpu.memref_squeeze %dma_start3A_49 : memref<1x1x128xi32, #tpu.memory_space<vmem>> -> memref<128xi32, #tpu.memory_space<vmem>>
      %dma_start3A_51 = arith.constant 0 : i32
      %dma_start3A_52 = arith.constant 0 : i32
      %dma_start3A_53 = tpu.memref_slice %arg4[%dma_start3A_51, %dma_start3A_52] : memref<10240x128xf32, #tpu.memory_space<vmem_shared>> -> memref<10240x128xf32, #tpu.memory_space<vmem_shared>>
      tpu.enqueue_indirect_dma source(%arg6 : memref<128x128xf32, #tpu.memory_space<vmem>>) target(%dma_start3A_53 : memref<10240x128xf32, #tpu.memory_space<vmem_shared>>) offsets(%dma_start3A_50 : memref<128xi32, #tpu.memory_space<vmem>>) semaphore(%arg7 : memref<!tpu.dma_semaphore, #tpu.memory_space<semaphore_mem>>) {add = true}
      %add3A_54 = arith.constant 2 : i32
      %add3A_55 = arith.addi %add3A_36, %add3A_54 : i32
      %dma_start3A_56 = arith.constant 1 : i32
      %dma_start3A_57 = arith.constant 0 : i32
      %dma_start3A_58 = tpu.memref_slice %arg5[%add3A_55, %dma_start3A_56, %dma_start3A_57] : memref<80x2x128xi32, #tpu.memory_space<vmem>> -> memref<1x1x128xi32, #tpu.memory_space<vmem>>
      %dma_start3A_59 = tpu.memref_squeeze %dma_start3A_58 : memref<1x1x128xi32, #tpu.memory_space<vmem>> -> memref<128xi32, #tpu.memory_space<vmem>>
      %dma_start3A_60 = arith.constant 0 : i32
      %dma_start3A_61 = arith.constant 0 : i32
      %dma_start3A_62 = tpu.memref_slice %arg4[%dma_start3A_60, %dma_start3A_61] : memref<10240x128xf32, #tpu.memory_space<vmem_shared>> -> memref<10240x128xf32, #tpu.memory_space<vmem_shared>>
      tpu.enqueue_indirect_dma source(%arg6 : memref<128x128xf32, #tpu.memory_space<vmem>>) target(%dma_start3A_62 : memref<10240x128xf32, #tpu.memory_space<vmem_shared>>) offsets(%dma_start3A_59 : memref<128xi32, #tpu.memory_space<vmem>>) semaphore(%arg7 : memref<!tpu.dma_semaphore, #tpu.memory_space<semaphore_mem>>) {add = true}
      %add3A_63 = arith.constant 3 : i32
      %add3A_64 = arith.addi %add3A_36, %add3A_63 : i32
      %dma_start3A_65 = arith.constant 1 : i32
      %dma_start3A_66 = arith.constant 0 : i32
      %dma_start3A_67 = tpu.memref_slice %arg5[%add3A_64, %dma_start3A_65, %dma_start3A_66] : memref<80x2x128xi32, #tpu.memory_space<vmem>> -> memref<1x1x128xi32, #tpu.memory_space<vmem>>
      %dma_start3A_68 = tpu.memref_squeeze %dma_start3A_67 : memref<1x1x128xi32, #tpu.memory_space<vmem>> -> memref<128xi32, #tpu.memory_space<vmem>>
      %dma_start3A_69 = arith.constant 0 : i32
      %dma_start3A_70 = arith.constant 0 : i32
      %dma_start3A_71 = tpu.memref_slice %arg4[%dma_start3A_69, %dma_start3A_70] : memref<10240x128xf32, #tpu.memory_space<vmem_shared>> -> memref<10240x128xf32, #tpu.memory_space<vmem_shared>>
      tpu.enqueue_indirect_dma source(%arg6 : memref<128x128xf32, #tpu.memory_space<vmem>>) target(%dma_start3A_71 : memref<10240x128xf32, #tpu.memory_space<vmem_shared>>) offsets(%dma_start3A_68 : memref<128xi32, #tpu.memory_space<vmem>>) semaphore(%arg7 : memref<!tpu.dma_semaphore, #tpu.memory_space<semaphore_mem>>) {add = true}
      %dma_wait3A = arith.constant 1 : i32
      %dma_wait3A_72 = arith.constant 0 : i32
      %dma_wait3A_73 = tpu.memref_slice %arg5[%add3A_38, %dma_wait3A, %dma_wait3A_72] : memref<80x2x128xi32, #tpu.memory_space<vmem>> -> memref<1x1x128xi32, #tpu.memory_space<vmem>>
      %dma_wait3A_74 = tpu.memref_squeeze %dma_wait3A_73 : memref<1x1x128xi32, #tpu.memory_space<vmem>> -> memref<128xi32, #tpu.memory_space<vmem>>
      %dma_wait3A_75 = arith.constant 0 : i32
      %dma_wait3A_76 = arith.constant 0 : i32
      %dma_wait3A_77 = tpu.memref_slice %arg4[%dma_wait3A_75, %dma_wait3A_76] : memref<10240x128xf32, #tpu.memory_space<vmem_shared>> -> memref<10240x128xf32, #tpu.memory_space<vmem_shared>>
      tpu.wait_indirect_dma semaphore(%arg7 : memref<!tpu.dma_semaphore, #tpu.memory_space<semaphore_mem>>) src(%arg6 : memref<128x128xf32, #tpu.memory_space<vmem>>) dst(%dma_wait3A_77 : memref<10240x128xf32, #tpu.memory_space<vmem_shared>>)
      %dma_wait3A_78 = arith.constant 1 : i32
      %dma_wait3A_79 = arith.constant 0 : i32
      %dma_wait3A_80 = tpu.memref_slice %arg5[%add3A_46, %dma_wait3A_78, %dma_wait3A_79] : memref<80x2x128xi32, #tpu.memory_space<vmem>> -> memref<1x1x128xi32, #tpu.memory_space<vmem>>
      %dma_wait3A_81 = tpu.memref_squeeze %dma_wait3A_80 : memref<1x1x128xi32, #tpu.memory_space<vmem>> -> memref<128xi32, #tpu.memory_space<vmem>>
      %dma_wait3A_82 = arith.constant 0 : i32
      %dma_wait3A_83 = arith.constant 0 : i32
      %dma_wait3A_84 = tpu.memref_slice %arg4[%dma_wait3A_82, %dma_wait3A_83] : memref<10240x128xf32, #tpu.memory_space<vmem_shared>> -> memref<10240x128xf32, #tpu.memory_space<vmem_shared>>
      tpu.wait_indirect_dma semaphore(%arg7 : memref<!tpu.dma_semaphore, #tpu.memory_space<semaphore_mem>>) src(%arg6 : memref<128x128xf32, #tpu.memory_space<vmem>>) dst(%dma_wait3A_84 : memref<10240x128xf32, #tpu.memory_space<vmem_shared>>)
      %dma_wait3A_85 = arith.constant 1 : i32
      %dma_wait3A_86 = arith.constant 0 : i32
      %dma_wait3A_87 = tpu.memref_slice %arg5[%add3A_55, %dma_wait3A_85, %dma_wait3A_86] : memref<80x2x128xi32, #tpu.memory_space<vmem>> -> memref<1x1x128xi32, #tpu.memory_space<vmem>>
      %dma_wait3A_88 = tpu.memref_squeeze %dma_wait3A_87 : memref<1x1x128xi32, #tpu.memory_space<vmem>> -> memref<128xi32, #tpu.memory_space<vmem>>
      %dma_wait3A_89 = arith.constant 0 : i32
      %dma_wait3A_90 = arith.constant 0 : i32
      %dma_wait3A_91 = tpu.memref_slice %arg4[%dma_wait3A_89, %dma_wait3A_90] : memref<10240x128xf32, #tpu.memory_space<vmem_shared>> -> memref<10240x128xf32, #tpu.memory_space<vmem_shared>>
      tpu.wait_indirect_dma semaphore(%arg7 : memref<!tpu.dma_semaphore, #tpu.memory_space<semaphore_mem>>) src(%arg6 : memref<128x128xf32, #tpu.memory_space<vmem>>) dst(%dma_wait3A_91 : memref<10240x128xf32, #tpu.memory_space<vmem_shared>>)
      %dma_wait3A_92 = arith.constant 1 : i32
      %dma_wait3A_93 = arith.constant 0 : i32
      %dma_wait3A_94 = tpu.memref_slice %arg5[%add3A_64, %dma_wait3A_92, %dma_wait3A_93] : memref<80x2x128xi32, #tpu.memory_space<vmem>> -> memref<1x1x128xi32, #tpu.memory_space<vmem>>
      %dma_wait3A_95 = tpu.memref_squeeze %dma_wait3A_94 : memref<1x1x128xi32, #tpu.memory_space<vmem>> -> memref<128xi32, #tpu.memory_space<vmem>>
      %dma_wait3A_96 = arith.constant 0 : i32
      %dma_wait3A_97 = arith.constant 0 : i32
      %dma_wait3A_98 = tpu.memref_slice %arg4[%dma_wait3A_96, %dma_wait3A_97] : memref<10240x128xf32, #tpu.memory_space<vmem_shared>> -> memref<10240x128xf32, #tpu.memory_space<vmem_shared>>
      tpu.wait_indirect_dma semaphore(%arg7 : memref<!tpu.dma_semaphore, #tpu.memory_space<semaphore_mem>>) src(%arg6 : memref<128x128xf32, #tpu.memory_space<vmem>>) dst(%dma_wait3A_98 : memref<10240x128xf32, #tpu.memory_space<vmem_shared>>)
    }
    %scan3A_30 = arith.constant 20 : i32
    %barrier3A_31 = arith.constant 0 : index
    tpu.barrier barrier_id(%barrier3A_31)
    "tpu.region"() ({
      %run_scoped3A = tpu.sem_alloc : memref<!tpu.dma_semaphore, #tpu.memory_space<semaphore_mem>>
      %dma_start3A = arith.constant 0 : i32
      %dma_start3A_32 = tpu.memref_slice %arg3[%arg0, %mul3A_8, %dma_start3A] : memref<2x10240x128xf32, #tpu.memory_space<hbm>> -> memref<1x640x128xf32, #tpu.memory_space<hbm>>
      %dma_start3A_33 = tpu.memref_squeeze %dma_start3A_32 : memref<1x640x128xf32, #tpu.memory_space<hbm>> -> memref<640x128xf32, #tpu.memory_space<hbm>>
      %dma_start3A_34 = arith.constant 0 : i32
      %dma_start3A_35 = tpu.memref_slice %arg4[%mul3A_8, %dma_start3A_34] : memref<10240x128xf32, #tpu.memory_space<vmem_shared>> -> memref<640x128xf32, #tpu.memory_space<vmem_shared>>
      tpu.enqueue_dma source(%dma_start3A_35 : memref<640x128xf32, #tpu.memory_space<vmem_shared>>) target(%dma_start3A_33 : memref<640x128xf32, #tpu.memory_space<hbm>>) target_semaphore(%run_scoped3A : memref<!tpu.dma_semaphore, #tpu.memory_space<semaphore_mem>>)
      %dma_wait3A = arith.constant 0 : i32
      %dma_wait3A_36 = tpu.memref_slice %arg3[%arg0, %mul3A_8, %dma_wait3A] : memref<2x10240x128xf32, #tpu.memory_space<hbm>> -> memref<1x640x128xf32, #tpu.memory_space<hbm>>
      %dma_wait3A_37 = tpu.memref_squeeze %dma_wait3A_36 : memref<1x640x128xf32, #tpu.memory_space<hbm>> -> memref<640x128xf32, #tpu.memory_space<hbm>>
      %dma_wait3A_38 = arith.constant 0 : i32
      %dma_wait3A_39 = tpu.memref_slice %arg4[%mul3A_8, %dma_wait3A_38] : memref<10240x128xf32, #tpu.memory_space<vmem_shared>> -> memref<640x128xf32, #tpu.memory_space<vmem_shared>>
      tpu.wait_dma2 semaphore(%run_scoped3A : memref<!tpu.dma_semaphore, #tpu.memory_space<semaphore_mem>>) src(%dma_wait3A_39 : memref<640x128xf32, #tpu.memory_space<vmem_shared>>) dst(%dma_wait3A_37 : memref<640x128xf32, #tpu.memory_space<hbm>>)
      tpu.yield
    }) : () -> ()
    return
  }
}

#map = affine_map<(d0, d1) -> (0, 0)>
#map1 = affine_map<(d0, d1) -> (0, 0, 0, 0)>
#map2 = affine_map<(d0, d1) -> (0, 0, 0)>
module attributes {stable_mosaic.version = 14 : i64} {
  func.func @_agg_body(%arg0: i32, %arg1: i32, %arg2: memref<10240x128xf32, #tpu.memory_space<hbm>>, %arg3: memref<32x80x2x128xi32, #tpu.memory_space<hbm>>, %arg4: memref<2x10240x128xf32, #tpu.memory_space<hbm>>, %arg5: memref<10240x128xf32, #tpu.memory_space<vmem_shared>>, %arg6: memref<2x128xi32, #tpu.memory_space<vmem>>, %arg7: memref<2x128xi32, #tpu.memory_space<vmem>>, %arg8: memref<2x128xi32, #tpu.memory_space<vmem>>, %arg9: memref<2x128xi32, #tpu.memory_space<vmem>>, %arg10: memref<128x128xf32, #tpu.memory_space<vmem>>, %arg11: memref<128x128xf32, #tpu.memory_space<vmem>>, %arg12: memref<!tpu.dma_semaphore, #tpu.memory_space<semaphore_mem>>, %arg13: memref<!tpu.dma_semaphore, #tpu.memory_space<semaphore_mem>>, %arg14: memref<!tpu.dma_semaphore, #tpu.memory_space<semaphore_mem>>, %arg15: memref<!tpu.dma_semaphore, #tpu.memory_space<semaphore_mem>>, %arg16: memref<!tpu.dma_semaphore, #tpu.memory_space<semaphore_mem>>, %arg17: memref<!tpu.dma_semaphore, #tpu.memory_space<semaphore_mem>>) attributes {dimension_semantics = [#tpu.dimension_semantics<core_parallel>, #tpu.dimension_semantics<subcore_parallel>], iteration_bounds = array<i64: 2, 16>, scalar_prefetch = 0 : i64, scratch_operands = 13 : i64, tpu.core_type = #tpu.core_type<sc_vector_subcore>, window_params = [{transform_indices = #map}, {transform_indices = #map1}, {transform_indices = #map2}]} {
    %mul3A = arith.constant 16 : i32
    %mul3A_0 = arith.muli %arg0, %mul3A : i32
    %add3A = arith.addi %mul3A_0, %arg1 : i32
    %scan3A = arith.constant 0 : i32
    %scan3A_1 = arith.constant 0 : i32
    %scan3A_2 = arith.constant 1024 : i32
    %scan3A_3 = arith.addi %scan3A_1, %scan3A_2 : i32
    %scan3A_4 = arith.constant 1 : i32
    %scan3A_5 = scf.for %scan3A_49 = %scan3A_1 to %scan3A_3 step %scan3A_4 iter_args(%scan3A_50 = %scan3A) -> (i32)  : i32 {
      %jit3A = arith.constant 8 : i32
      %div3A = arith.divsi %scan3A_49, %jit3A : i32
      %sign3A = arith.constant 0 : i32
      %sign3A_51 = arith.cmpi sgt, %scan3A_49, %sign3A : i32
      %sign3A_52 = arith.extui %sign3A_51 : i1 to i32
      %sign3A_53 = arith.constant 0 : i32
      %sign3A_54 = arith.cmpi slt, %scan3A_49, %sign3A_53 : i32
      %sign3A_55 = arith.extui %sign3A_54 : i1 to i32
      %sign3A_56 = arith.subi %sign3A_52, %sign3A_55 : i32
      %sign3A_57 = arith.constant 0 : i32
      %sign3A_58 = arith.cmpi sgt, %jit3A, %sign3A_57 : i32
      %sign3A_59 = arith.extui %sign3A_58 : i1 to i32
      %sign3A_60 = arith.constant 0 : i32
      %sign3A_61 = arith.cmpi slt, %jit3A, %sign3A_60 : i32
      %sign3A_62 = arith.extui %sign3A_61 : i1 to i32
      %sign3A_63 = arith.subi %sign3A_59, %sign3A_62 : i32
      %ne3A = arith.cmpi ne, %sign3A_56, %sign3A_63 : i32
      %rem3A = arith.remsi %scan3A_49, %jit3A : i32
      %ne3A_64 = arith.constant 0 : i32
      %ne3A_65 = arith.cmpi ne, %rem3A, %ne3A_64 : i32
      %and3A = arith.andi %ne3A, %ne3A_65 : i1
      %sub3A = arith.constant 1 : i32
      %sub3A_66 = arith.subi %div3A, %sub3A : i32
      %select_n3A = arith.select %and3A, %sub3A_66, %div3A : i32
      %mul3A_67 = arith.constant 8 : i32
      %mul3A_68 = arith.muli %select_n3A, %mul3A_67 : i32
      %sub3A_69 = arith.subi %scan3A_49, %mul3A_68 : i32
      %broadcast_in_dim3A = arith.constant 0.000000e+00 : f32
      %broadcast_in_dim3A_70 = vector.broadcast %broadcast_in_dim3A : f32 to vector<16xf32>
      %mul3A_71 = arith.constant 16 : i32
      %mul3A_72 = arith.muli %sub3A_69, %mul3A_71 : i32
      %swap3A = arith.index_cast %select_n3A : i32 to index
      %swap3A_73 = arith.index_cast %mul3A_72 : i32 to index
      %swap3A_74 = tpu.vector_load %arg10[%swap3A, %swap3A_73] {strides = array<i32>} : memref<128x128xf32, #tpu.memory_space<vmem>>, vector<1x16xf32>,
      %swap3A_75 = vector.shape_cast %swap3A_74 : vector<1x16xf32> to vector<16xf32>
      %swap3A_76 = vector.shape_cast %broadcast_in_dim3A_70 : vector<16xf32> to vector<1x16xf32>
      tpu.vector_store %arg10[%swap3A, %swap3A_73], %swap3A_76 {strides = array<i32>} : memref<128x128xf32, #tpu.memory_space<vmem>>, vector<1x16xf32>,
      %scan3A_77 = arith.constant 0 : i32
      scf.yield %scan3A_77 : i32
    }
    %scan3A_6 = arith.constant 1024 : i32
    %mul3A_7 = arith.constant 640 : i32
    %mul3A_8 = arith.muli %arg1, %mul3A_7 : i32
    %add3A_9 = arith.constant 0 : i32
    %add3A_10 = arith.addi %mul3A_8, %add3A_9 : i32
    "tpu.region"() ({
      %run_scoped3A_49 = tpu.sem_alloc : memref<!tpu.dma_semaphore, #tpu.memory_space<semaphore_mem>>
      %dma_start3A_50 = arith.constant 0 : i32
      %dma_start3A_51 = tpu.memref_slice %arg5[%add3A_10, %dma_start3A_50] : memref<10240x128xf32, #tpu.memory_space<vmem_shared>> -> memref<128x128xf32, #tpu.memory_space<vmem_shared>>
      %dma_start3A_52 = arith.constant 0 : i32
      %dma_start3A_53 = tpu.memref_slice %arg5[%add3A_10, %dma_start3A_52] : memref<10240x128xf32, #tpu.memory_space<vmem_shared>> -> memref<128x128xf32, #tpu.memory_space<vmem_shared>>
      tpu.enqueue_dma source(%arg10 : memref<128x128xf32, #tpu.memory_space<vmem>>) target(%dma_start3A_53 : memref<128x128xf32, #tpu.memory_space<vmem_shared>>) target_semaphore(%run_scoped3A_49 : memref<!tpu.dma_semaphore, #tpu.memory_space<semaphore_mem>>)
      %dma_wait3A = arith.constant 0 : i32
      %dma_wait3A_54 = tpu.memref_slice %arg5[%add3A_10, %dma_wait3A] : memref<10240x128xf32, #tpu.memory_space<vmem_shared>> -> memref<128x128xf32, #tpu.memory_space<vmem_shared>>
      %dma_wait3A_55 = arith.constant 0 : i32
      %dma_wait3A_56 = tpu.memref_slice %arg5[%add3A_10, %dma_wait3A_55] : memref<10240x128xf32, #tpu.memory_space<vmem_shared>> -> memref<128x128xf32, #tpu.memory_space<vmem_shared>>
      tpu.wait_dma2 semaphore(%run_scoped3A_49 : memref<!tpu.dma_semaphore, #tpu.memory_space<semaphore_mem>>) src(%arg10 : memref<128x128xf32, #tpu.memory_space<vmem>>) dst(%dma_wait3A_56 : memref<128x128xf32, #tpu.memory_space<vmem_shared>>)
      tpu.yield
    }) : () -> ()
    %add3A_11 = arith.constant 128 : i32
    %add3A_12 = arith.addi %mul3A_8, %add3A_11 : i32
    "tpu.region"() ({
      %run_scoped3A_49 = tpu.sem_alloc : memref<!tpu.dma_semaphore, #tpu.memory_space<semaphore_mem>>
      %dma_start3A_50 = arith.constant 0 : i32
      %dma_start3A_51 = tpu.memref_slice %arg5[%add3A_12, %dma_start3A_50] : memref<10240x128xf32, #tpu.memory_space<vmem_shared>> -> memref<128x128xf32, #tpu.memory_space<vmem_shared>>
      %dma_start3A_52 = arith.constant 0 : i32
      %dma_start3A_53 = tpu.memref_slice %arg5[%add3A_12, %dma_start3A_52] : memref<10240x128xf32, #tpu.memory_space<vmem_shared>> -> memref<128x128xf32, #tpu.memory_space<vmem_shared>>
      tpu.enqueue_dma source(%arg10 : memref<128x128xf32, #tpu.memory_space<vmem>>) target(%dma_start3A_53 : memref<128x128xf32, #tpu.memory_space<vmem_shared>>) target_semaphore(%run_scoped3A_49 : memref<!tpu.dma_semaphore, #tpu.memory_space<semaphore_mem>>)
      %dma_wait3A = arith.constant 0 : i32
      %dma_wait3A_54 = tpu.memref_slice %arg5[%add3A_12, %dma_wait3A] : memref<10240x128xf32, #tpu.memory_space<vmem_shared>> -> memref<128x128xf32, #tpu.memory_space<vmem_shared>>
      %dma_wait3A_55 = arith.constant 0 : i32
      %dma_wait3A_56 = tpu.memref_slice %arg5[%add3A_12, %dma_wait3A_55] : memref<10240x128xf32, #tpu.memory_space<vmem_shared>> -> memref<128x128xf32, #tpu.memory_space<vmem_shared>>
      tpu.wait_dma2 semaphore(%run_scoped3A_49 : memref<!tpu.dma_semaphore, #tpu.memory_space<semaphore_mem>>) src(%arg10 : memref<128x128xf32, #tpu.memory_space<vmem>>) dst(%dma_wait3A_56 : memref<128x128xf32, #tpu.memory_space<vmem_shared>>)
      tpu.yield
    }) : () -> ()
    %add3A_13 = arith.constant 256 : i32
    %add3A_14 = arith.addi %mul3A_8, %add3A_13 : i32
    "tpu.region"() ({
      %run_scoped3A_49 = tpu.sem_alloc : memref<!tpu.dma_semaphore, #tpu.memory_space<semaphore_mem>>
      %dma_start3A_50 = arith.constant 0 : i32
      %dma_start3A_51 = tpu.memref_slice %arg5[%add3A_14, %dma_start3A_50] : memref<10240x128xf32, #tpu.memory_space<vmem_shared>> -> memref<128x128xf32, #tpu.memory_space<vmem_shared>>
      %dma_start3A_52 = arith.constant 0 : i32
      %dma_start3A_53 = tpu.memref_slice %arg5[%add3A_14, %dma_start3A_52] : memref<10240x128xf32, #tpu.memory_space<vmem_shared>> -> memref<128x128xf32, #tpu.memory_space<vmem_shared>>
      tpu.enqueue_dma source(%arg10 : memref<128x128xf32, #tpu.memory_space<vmem>>) target(%dma_start3A_53 : memref<128x128xf32, #tpu.memory_space<vmem_shared>>) target_semaphore(%run_scoped3A_49 : memref<!tpu.dma_semaphore, #tpu.memory_space<semaphore_mem>>)
      %dma_wait3A = arith.constant 0 : i32
      %dma_wait3A_54 = tpu.memref_slice %arg5[%add3A_14, %dma_wait3A] : memref<10240x128xf32, #tpu.memory_space<vmem_shared>> -> memref<128x128xf32, #tpu.memory_space<vmem_shared>>
      %dma_wait3A_55 = arith.constant 0 : i32
      %dma_wait3A_56 = tpu.memref_slice %arg5[%add3A_14, %dma_wait3A_55] : memref<10240x128xf32, #tpu.memory_space<vmem_shared>> -> memref<128x128xf32, #tpu.memory_space<vmem_shared>>
      tpu.wait_dma2 semaphore(%run_scoped3A_49 : memref<!tpu.dma_semaphore, #tpu.memory_space<semaphore_mem>>) src(%arg10 : memref<128x128xf32, #tpu.memory_space<vmem>>) dst(%dma_wait3A_56 : memref<128x128xf32, #tpu.memory_space<vmem_shared>>)
      tpu.yield
    }) : () -> ()
    %add3A_15 = arith.constant 384 : i32
    %add3A_16 = arith.addi %mul3A_8, %add3A_15 : i32
    "tpu.region"() ({
      %run_scoped3A_49 = tpu.sem_alloc : memref<!tpu.dma_semaphore, #tpu.memory_space<semaphore_mem>>
      %dma_start3A_50 = arith.constant 0 : i32
      %dma_start3A_51 = tpu.memref_slice %arg5[%add3A_16, %dma_start3A_50] : memref<10240x128xf32, #tpu.memory_space<vmem_shared>> -> memref<128x128xf32, #tpu.memory_space<vmem_shared>>
      %dma_start3A_52 = arith.constant 0 : i32
      %dma_start3A_53 = tpu.memref_slice %arg5[%add3A_16, %dma_start3A_52] : memref<10240x128xf32, #tpu.memory_space<vmem_shared>> -> memref<128x128xf32, #tpu.memory_space<vmem_shared>>
      tpu.enqueue_dma source(%arg10 : memref<128x128xf32, #tpu.memory_space<vmem>>) target(%dma_start3A_53 : memref<128x128xf32, #tpu.memory_space<vmem_shared>>) target_semaphore(%run_scoped3A_49 : memref<!tpu.dma_semaphore, #tpu.memory_space<semaphore_mem>>)
      %dma_wait3A = arith.constant 0 : i32
      %dma_wait3A_54 = tpu.memref_slice %arg5[%add3A_16, %dma_wait3A] : memref<10240x128xf32, #tpu.memory_space<vmem_shared>> -> memref<128x128xf32, #tpu.memory_space<vmem_shared>>
      %dma_wait3A_55 = arith.constant 0 : i32
      %dma_wait3A_56 = tpu.memref_slice %arg5[%add3A_16, %dma_wait3A_55] : memref<10240x128xf32, #tpu.memory_space<vmem_shared>> -> memref<128x128xf32, #tpu.memory_space<vmem_shared>>
      tpu.wait_dma2 semaphore(%run_scoped3A_49 : memref<!tpu.dma_semaphore, #tpu.memory_space<semaphore_mem>>) src(%arg10 : memref<128x128xf32, #tpu.memory_space<vmem>>) dst(%dma_wait3A_56 : memref<128x128xf32, #tpu.memory_space<vmem_shared>>)
      tpu.yield
    }) : () -> ()
    %add3A_17 = arith.constant 512 : i32
    %add3A_18 = arith.addi %mul3A_8, %add3A_17 : i32
    "tpu.region"() ({
      %run_scoped3A_49 = tpu.sem_alloc : memref<!tpu.dma_semaphore, #tpu.memory_space<semaphore_mem>>
      %dma_start3A_50 = arith.constant 0 : i32
      %dma_start3A_51 = tpu.memref_slice %arg5[%add3A_18, %dma_start3A_50] : memref<10240x128xf32, #tpu.memory_space<vmem_shared>> -> memref<128x128xf32, #tpu.memory_space<vmem_shared>>
      %dma_start3A_52 = arith.constant 0 : i32
      %dma_start3A_53 = tpu.memref_slice %arg5[%add3A_18, %dma_start3A_52] : memref<10240x128xf32, #tpu.memory_space<vmem_shared>> -> memref<128x128xf32, #tpu.memory_space<vmem_shared>>
      tpu.enqueue_dma source(%arg10 : memref<128x128xf32, #tpu.memory_space<vmem>>) target(%dma_start3A_53 : memref<128x128xf32, #tpu.memory_space<vmem_shared>>) target_semaphore(%run_scoped3A_49 : memref<!tpu.dma_semaphore, #tpu.memory_space<semaphore_mem>>)
      %dma_wait3A = arith.constant 0 : i32
      %dma_wait3A_54 = tpu.memref_slice %arg5[%add3A_18, %dma_wait3A] : memref<10240x128xf32, #tpu.memory_space<vmem_shared>> -> memref<128x128xf32, #tpu.memory_space<vmem_shared>>
      %dma_wait3A_55 = arith.constant 0 : i32
      %dma_wait3A_56 = tpu.memref_slice %arg5[%add3A_18, %dma_wait3A_55] : memref<10240x128xf32, #tpu.memory_space<vmem_shared>> -> memref<128x128xf32, #tpu.memory_space<vmem_shared>>
      tpu.wait_dma2 semaphore(%run_scoped3A_49 : memref<!tpu.dma_semaphore, #tpu.memory_space<semaphore_mem>>) src(%arg10 : memref<128x128xf32, #tpu.memory_space<vmem>>) dst(%dma_wait3A_56 : memref<128x128xf32, #tpu.memory_space<vmem_shared>>)
      tpu.yield
    }) : () -> ()
    %barrier3A = arith.constant 0 : index
    tpu.barrier barrier_id(%barrier3A)
    %run_scoped3A = arith.constant 0 : i32
    "tpu.region"() ({
      %run_scoped3A_49 = tpu.sem_alloc : memref<!tpu.dma_semaphore, #tpu.memory_space<semaphore_mem>>
      %dma_start3A_50 = arith.constant 0 : i32
      %dma_start3A_51 = arith.constant 0 : i32
      %dma_start3A_52 = tpu.memref_slice %arg3[%add3A, %run_scoped3A, %dma_start3A_50, %dma_start3A_51] : memref<32x80x2x128xi32, #tpu.memory_space<hbm>> -> memref<1x1x2x128xi32, #tpu.memory_space<hbm>>
      %dma_start3A_53 = tpu.memref_squeeze %dma_start3A_52 : memref<1x1x2x128xi32, #tpu.memory_space<hbm>> -> memref<2x128xi32, #tpu.memory_space<hbm>>
      %dma_start3A_54 = arith.constant 0 : i32
      %dma_start3A_55 = arith.constant 0 : i32
      %dma_start3A_56 = tpu.memref_slice %arg3[%add3A, %run_scoped3A, %dma_start3A_54, %dma_start3A_55] : memref<32x80x2x128xi32, #tpu.memory_space<hbm>> -> memref<1x1x2x128xi32, #tpu.memory_space<hbm>>
      %dma_start3A_57 = tpu.memref_squeeze %dma_start3A_56 : memref<1x1x2x128xi32, #tpu.memory_space<hbm>> -> memref<2x128xi32, #tpu.memory_space<hbm>>
      tpu.enqueue_dma source(%dma_start3A_57 : memref<2x128xi32, #tpu.memory_space<hbm>>) target(%arg6 : memref<2x128xi32, #tpu.memory_space<vmem>>) target_semaphore(%run_scoped3A_49 : memref<!tpu.dma_semaphore, #tpu.memory_space<semaphore_mem>>)
      %dma_wait3A = arith.constant 0 : i32
      %dma_wait3A_58 = arith.constant 0 : i32
      %dma_wait3A_59 = tpu.memref_slice %arg3[%add3A, %run_scoped3A, %dma_wait3A, %dma_wait3A_58] : memref<32x80x2x128xi32, #tpu.memory_space<hbm>> -> memref<1x1x2x128xi32, #tpu.memory_space<hbm>>
      %dma_wait3A_60 = tpu.memref_squeeze %dma_wait3A_59 : memref<1x1x2x128xi32, #tpu.memory_space<hbm>> -> memref<2x128xi32, #tpu.memory_space<hbm>>
      %dma_wait3A_61 = arith.constant 0 : i32
      %dma_wait3A_62 = arith.constant 0 : i32
      %dma_wait3A_63 = tpu.memref_slice %arg3[%add3A, %run_scoped3A, %dma_wait3A_61, %dma_wait3A_62] : memref<32x80x2x128xi32, #tpu.memory_space<hbm>> -> memref<1x1x2x128xi32, #tpu.memory_space<hbm>>
      %dma_wait3A_64 = tpu.memref_squeeze %dma_wait3A_63 : memref<1x1x2x128xi32, #tpu.memory_space<hbm>> -> memref<2x128xi32, #tpu.memory_space<hbm>>
      tpu.wait_dma2 semaphore(%run_scoped3A_49 : memref<!tpu.dma_semaphore, #tpu.memory_space<semaphore_mem>>) src(%dma_wait3A_64 : memref<2x128xi32, #tpu.memory_space<hbm>>) dst(%arg6 : memref<2x128xi32, #tpu.memory_space<vmem>>)
      tpu.yield
    }) : () -> ()
    %dma_start3A = arith.constant 1 : i32
    %dma_start3A_19 = arith.constant 0 : i32
    %dma_start3A_20 = arith.constant 0 : i32
    %dma_start3A_21 = tpu.memref_slice %arg3[%add3A, %dma_start3A, %dma_start3A_19, %dma_start3A_20] : memref<32x80x2x128xi32, #tpu.memory_space<hbm>> -> memref<1x1x2x128xi32, #tpu.memory_space<hbm>>
    %dma_start3A_22 = tpu.memref_squeeze %dma_start3A_21 : memref<1x1x2x128xi32, #tpu.memory_space<hbm>> -> memref<2x128xi32, #tpu.memory_space<hbm>>
    %dma_start3A_23 = arith.constant 0 : i32
    %dma_start3A_24 = arith.constant 0 : i32
    %dma_start3A_25 = tpu.memref_slice %arg3[%add3A, %dma_start3A, %dma_start3A_23, %dma_start3A_24] : memref<32x80x2x128xi32, #tpu.memory_space<hbm>> -> memref<1x1x2x128xi32, #tpu.memory_space<hbm>>
    %dma_start3A_26 = tpu.memref_squeeze %dma_start3A_25 : memref<1x1x2x128xi32, #tpu.memory_space<hbm>> -> memref<2x128xi32, #tpu.memory_space<hbm>>
    tpu.enqueue_dma source(%dma_start3A_26 : memref<2x128xi32, #tpu.memory_space<hbm>>) target(%arg7 : memref<2x128xi32, #tpu.memory_space<vmem>>) target_semaphore(%arg13 : memref<!tpu.dma_semaphore, #tpu.memory_space<semaphore_mem>>)
    %dma_start3A_27 = arith.constant 2 : i32
    %dma_start3A_28 = arith.constant 0 : i32
    %dma_start3A_29 = arith.constant 0 : i32
    %dma_start3A_30 = tpu.memref_slice %arg3[%add3A, %dma_start3A_27, %dma_start3A_28, %dma_start3A_29] : memref<32x80x2x128xi32, #tpu.memory_space<hbm>> -> memref<1x1x2x128xi32, #tpu.memory_space<hbm>>
    %dma_start3A_31 = tpu.memref_squeeze %dma_start3A_30 : memref<1x1x2x128xi32, #tpu.memory_space<hbm>> -> memref<2x128xi32, #tpu.memory_space<hbm>>
    %dma_start3A_32 = arith.constant 0 : i32
    %dma_start3A_33 = arith.constant 0 : i32
    %dma_start3A_34 = tpu.memref_slice %arg3[%add3A, %dma_start3A_27, %dma_start3A_32, %dma_start3A_33] : memref<32x80x2x128xi32, #tpu.memory_space<hbm>> -> memref<1x1x2x128xi32, #tpu.memory_space<hbm>>
    %dma_start3A_35 = tpu.memref_squeeze %dma_start3A_34 : memref<1x1x2x128xi32, #tpu.memory_space<hbm>> -> memref<2x128xi32, #tpu.memory_space<hbm>>
    tpu.enqueue_dma source(%dma_start3A_35 : memref<2x128xi32, #tpu.memory_space<hbm>>) target(%arg8 : memref<2x128xi32, #tpu.memory_space<vmem>>) target_semaphore(%arg14 : memref<!tpu.dma_semaphore, #tpu.memory_space<semaphore_mem>>)
    %dma_start3A_36 = arith.constant 0 : i32
    %dma_start3A_37 = arith.constant 0 : i32
    %dma_start3A_38 = tpu.memref_slice %arg6[%dma_start3A_36, %dma_start3A_37] : memref<2x128xi32, #tpu.memory_space<vmem>> -> memref<1x128xi32, #tpu.memory_space<vmem>>
    %dma_start3A_39 = tpu.memref_squeeze %dma_start3A_38 : memref<1x128xi32, #tpu.memory_space<vmem>> -> memref<128xi32, #tpu.memory_space<vmem>>
    %dma_start3A_40 = arith.constant 0 : i32
    %dma_start3A_41 = arith.constant 0 : i32
    %dma_start3A_42 = tpu.memref_slice %arg2[%dma_start3A_40, %dma_start3A_41] : memref<10240x128xf32, #tpu.memory_space<hbm>> -> memref<10240x128xf32, #tpu.memory_space<hbm>>
    tpu.enqueue_indirect_dma source(%dma_start3A_42 : memref<10240x128xf32, #tpu.memory_space<hbm>>) target(%arg10 : memref<128x128xf32, #tpu.memory_space<vmem>>) offsets(%dma_start3A_39 : memref<128xi32, #tpu.memory_space<vmem>>) semaphore(%arg16 : memref<!tpu.dma_semaphore, #tpu.memory_space<semaphore_mem>>)
    %scan3A_43 = arith.constant 0 : i32
    %scan3A_44 = arith.constant 20 : i32
    %scan3A_45 = arith.addi %scan3A_43, %scan3A_44 : i32
    %scan3A_46 = arith.constant 1 : i32
    scf.for %scan3A_49 = %scan3A_43 to %scan3A_45 step %scan3A_46  : i32 {
      %mul3A_50 = arith.constant 4 : i32
      %mul3A_51 = arith.muli %scan3A_49, %mul3A_50 : i32
      %add3A_52 = arith.constant 0 : i32
      %add3A_53 = arith.addi %add3A_52, %mul3A_51 : i32
      %add3A_54 = arith.constant 0 : i32
      %add3A_55 = arith.addi %add3A_53, %add3A_54 : i32
      %add3A_56 = arith.constant 1 : i32
      %add3A_57 = arith.addi %add3A_55, %add3A_56 : i32
      %lt3A = arith.constant 80 : i32
      %lt3A_58 = arith.cmpi slt, %add3A_57, %lt3A : i32
      %convert_element_type3A = arith.extui %lt3A_58 : i1 to i32
      %cond3A = arith.constant 0 : i32
      %cond3A_59 = arith.cmpi ne, %convert_element_type3A, %cond3A : i32
      scf.if %cond3A_59 {
        %add3A_146 = arith.constant 1 : i32
        %add3A_147 = arith.addi %add3A_55, %add3A_146 : i32
        %dma_wait3A_148 = arith.constant 0 : i32
        %dma_wait3A_149 = arith.constant 0 : i32
        %dma_wait3A_150 = tpu.memref_slice %arg3[%add3A, %add3A_147, %dma_wait3A_148, %dma_wait3A_149] : memref<32x80x2x128xi32, #tpu.memory_space<hbm>> -> memref<1x1x2x128xi32, #tpu.memory_space<hbm>>
        %dma_wait3A_151 = tpu.memref_squeeze %dma_wait3A_150 : memref<1x1x2x128xi32, #tpu.memory_space<hbm>> -> memref<2x128xi32, #tpu.memory_space<hbm>>
        %dma_wait3A_152 = arith.constant 0 : i32
        %dma_wait3A_153 = arith.constant 0 : i32
        %dma_wait3A_154 = tpu.memref_slice %arg3[%add3A, %add3A_147, %dma_wait3A_152, %dma_wait3A_153] : memref<32x80x2x128xi32, #tpu.memory_space<hbm>> -> memref<1x1x2x128xi32, #tpu.memory_space<hbm>>
        %dma_wait3A_155 = tpu.memref_squeeze %dma_wait3A_154 : memref<1x1x2x128xi32, #tpu.memory_space<hbm>> -> memref<2x128xi32, #tpu.memory_space<hbm>>
        tpu.wait_dma2 semaphore(%arg13 : memref<!tpu.dma_semaphore, #tpu.memory_space<semaphore_mem>>) src(%dma_wait3A_155 : memref<2x128xi32, #tpu.memory_space<hbm>>) dst(%arg7 : memref<2x128xi32, #tpu.memory_space<vmem>>)
        %dma_start3A_156 = arith.constant 0 : i32
        %dma_start3A_157 = arith.constant 0 : i32
        %dma_start3A_158 = tpu.memref_slice %arg7[%dma_start3A_156, %dma_start3A_157] : memref<2x128xi32, #tpu.memory_space<vmem>> -> memref<1x128xi32, #tpu.memory_space<vmem>>
        %dma_start3A_159 = tpu.memref_squeeze %dma_start3A_158 : memref<1x128xi32, #tpu.memory_space<vmem>> -> memref<128xi32, #tpu.memory_space<vmem>>
        %dma_start3A_160 = arith.constant 0 : i32
        %dma_start3A_161 = arith.constant 0 : i32
        %dma_start3A_162 = tpu.memref_slice %arg2[%dma_start3A_160, %dma_start3A_161] : memref<10240x128xf32, #tpu.memory_space<hbm>> -> memref<10240x128xf32, #tpu.memory_space<hbm>>
        tpu.enqueue_indirect_dma source(%dma_start3A_162 : memref<10240x128xf32, #tpu.memory_space<hbm>>) target(%arg11 : memref<128x128xf32, #tpu.memory_space<vmem>>) offsets(%dma_start3A_159 : memref<128xi32, #tpu.memory_space<vmem>>) semaphore(%arg17 : memref<!tpu.dma_semaphore, #tpu.memory_space<semaphore_mem>>)
      } else {
      }
      %dma_wait3A = arith.constant 0 : i32
      %dma_wait3A_60 = arith.constant 0 : i32
      %dma_wait3A_61 = tpu.memref_slice %arg6[%dma_wait3A, %dma_wait3A_60] : memref<2x128xi32, #tpu.memory_space<vmem>> -> memref<1x128xi32, #tpu.memory_space<vmem>>
      %dma_wait3A_62 = tpu.memref_squeeze %dma_wait3A_61 : memref<1x128xi32, #tpu.memory_space<vmem>> -> memref<128xi32, #tpu.memory_space<vmem>>
      %dma_wait3A_63 = arith.constant 0 : i32
      %dma_wait3A_64 = arith.constant 0 : i32
      %dma_wait3A_65 = tpu.memref_slice %arg2[%dma_wait3A_63, %dma_wait3A_64] : memref<10240x128xf32, #tpu.memory_space<hbm>> -> memref<10240x128xf32, #tpu.memory_space<hbm>>
      tpu.wait_indirect_dma semaphore(%arg16 : memref<!tpu.dma_semaphore, #tpu.memory_space<semaphore_mem>>) src(%dma_wait3A_65 : memref<10240x128xf32, #tpu.memory_space<hbm>>) dst(%arg10 : memref<128x128xf32, #tpu.memory_space<vmem>>)
      %run_scoped3A_66 = arith.constant 1 : i32
      "tpu.region"() ({
        %run_scoped3A_146 = tpu.sem_alloc : memref<!tpu.dma_semaphore, #tpu.memory_space<semaphore_mem>>
        %dma_start3A_147 = arith.constant 0 : i32
        %dma_start3A_148 = tpu.memref_slice %arg6[%run_scoped3A_66, %dma_start3A_147] : memref<2x128xi32, #tpu.memory_space<vmem>> -> memref<1x128xi32, #tpu.memory_space<vmem>>
        %dma_start3A_149 = tpu.memref_squeeze %dma_start3A_148 : memref<1x128xi32, #tpu.memory_space<vmem>> -> memref<128xi32, #tpu.memory_space<vmem>>
        %dma_start3A_150 = arith.constant 0 : i32
        %dma_start3A_151 = arith.constant 0 : i32
        %dma_start3A_152 = tpu.memref_slice %arg5[%dma_start3A_150, %dma_start3A_151] : memref<10240x128xf32, #tpu.memory_space<vmem_shared>> -> memref<10240x128xf32, #tpu.memory_space<vmem_shared>>
        tpu.enqueue_indirect_dma source(%arg10 : memref<128x128xf32, #tpu.memory_space<vmem>>) target(%dma_start3A_152 : memref<10240x128xf32, #tpu.memory_space<vmem_shared>>) offsets(%dma_start3A_149 : memref<128xi32, #tpu.memory_space<vmem>>) semaphore(%run_scoped3A_146 : memref<!tpu.dma_semaphore, #tpu.memory_space<semaphore_mem>>) {add = true}
        %dma_wait3A_153 = arith.constant 0 : i32
        %dma_wait3A_154 = tpu.memref_slice %arg6[%run_scoped3A_66, %dma_wait3A_153] : memref<2x128xi32, #tpu.memory_space<vmem>> -> memref<1x128xi32, #tpu.memory_space<vmem>>
        %dma_wait3A_155 = tpu.memref_squeeze %dma_wait3A_154 : memref<1x128xi32, #tpu.memory_space<vmem>> -> memref<128xi32, #tpu.memory_space<vmem>>
        %dma_wait3A_156 = arith.constant 0 : i32
        %dma_wait3A_157 = arith.constant 0 : i32
        %dma_wait3A_158 = tpu.memref_slice %arg5[%dma_wait3A_156, %dma_wait3A_157] : memref<10240x128xf32, #tpu.memory_space<vmem_shared>> -> memref<10240x128xf32, #tpu.memory_space<vmem_shared>>
        tpu.wait_indirect_dma semaphore(%run_scoped3A_146 : memref<!tpu.dma_semaphore, #tpu.memory_space<semaphore_mem>>) src(%arg10 : memref<128x128xf32, #tpu.memory_space<vmem>>) dst(%dma_wait3A_158 : memref<10240x128xf32, #tpu.memory_space<vmem_shared>>)
        tpu.yield
      }) : () -> ()
      %add3A_67 = arith.constant 3 : i32
      %add3A_68 = arith.addi %add3A_55, %add3A_67 : i32
      %lt3A_69 = arith.constant 80 : i32
      %lt3A_70 = arith.cmpi slt, %add3A_68, %lt3A_69 : i32
      %convert_element_type3A_71 = arith.extui %lt3A_70 : i1 to i32
      %cond3A_72 = arith.constant 0 : i32
      %cond3A_73 = arith.cmpi ne, %convert_element_type3A_71, %cond3A_72 : i32
      scf.if %cond3A_73 {
        %add3A_146 = arith.constant 3 : i32
        %add3A_147 = arith.addi %add3A_55, %add3A_146 : i32
        %dma_start3A_148 = arith.constant 0 : i32
        %dma_start3A_149 = arith.constant 0 : i32
        %dma_start3A_150 = tpu.memref_slice %arg3[%add3A, %add3A_147, %dma_start3A_148, %dma_start3A_149] : memref<32x80x2x128xi32, #tpu.memory_space<hbm>> -> memref<1x1x2x128xi32, #tpu.memory_space<hbm>>
        %dma_start3A_151 = tpu.memref_squeeze %dma_start3A_150 : memref<1x1x2x128xi32, #tpu.memory_space<hbm>> -> memref<2x128xi32, #tpu.memory_space<hbm>>
        %dma_start3A_152 = arith.constant 0 : i32
        %dma_start3A_153 = arith.constant 0 : i32
        %dma_start3A_154 = tpu.memref_slice %arg3[%add3A, %add3A_147, %dma_start3A_152, %dma_start3A_153] : memref<32x80x2x128xi32, #tpu.memory_space<hbm>> -> memref<1x1x2x128xi32, #tpu.memory_space<hbm>>
        %dma_start3A_155 = tpu.memref_squeeze %dma_start3A_154 : memref<1x1x2x128xi32, #tpu.memory_space<hbm>> -> memref<2x128xi32, #tpu.memory_space<hbm>>
        tpu.enqueue_dma source(%dma_start3A_155 : memref<2x128xi32, #tpu.memory_space<hbm>>) target(%arg9 : memref<2x128xi32, #tpu.memory_space<vmem>>) target_semaphore(%arg15 : memref<!tpu.dma_semaphore, #tpu.memory_space<semaphore_mem>>)
      } else {
      }
      %add3A_74 = arith.constant 1 : i32
      %add3A_75 = arith.addi %add3A_53, %add3A_74 : i32
      %add3A_76 = arith.constant 1 : i32
      %add3A_77 = arith.addi %add3A_75, %add3A_76 : i32
      %lt3A_78 = arith.constant 80 : i32
      %lt3A_79 = arith.cmpi slt, %add3A_77, %lt3A_78 : i32
      %convert_element_type3A_80 = arith.extui %lt3A_79 : i1 to i32
      %cond3A_81 = arith.constant 0 : i32
      %cond3A_82 = arith.cmpi ne, %convert_element_type3A_80, %cond3A_81 : i32
      scf.if %cond3A_82 {
        %add3A_146 = arith.constant 1 : i32
        %add3A_147 = arith.addi %add3A_75, %add3A_146 : i32
        %dma_wait3A_148 = arith.constant 0 : i32
        %dma_wait3A_149 = arith.constant 0 : i32
        %dma_wait3A_150 = tpu.memref_slice %arg3[%add3A, %add3A_147, %dma_wait3A_148, %dma_wait3A_149] : memref<32x80x2x128xi32, #tpu.memory_space<hbm>> -> memref<1x1x2x128xi32, #tpu.memory_space<hbm>>
        %dma_wait3A_151 = tpu.memref_squeeze %dma_wait3A_150 : memref<1x1x2x128xi32, #tpu.memory_space<hbm>> -> memref<2x128xi32, #tpu.memory_space<hbm>>
        %dma_wait3A_152 = arith.constant 0 : i32
        %dma_wait3A_153 = arith.constant 0 : i32
        %dma_wait3A_154 = tpu.memref_slice %arg3[%add3A, %add3A_147, %dma_wait3A_152, %dma_wait3A_153] : memref<32x80x2x128xi32, #tpu.memory_space<hbm>> -> memref<1x1x2x128xi32, #tpu.memory_space<hbm>>
        %dma_wait3A_155 = tpu.memref_squeeze %dma_wait3A_154 : memref<1x1x2x128xi32, #tpu.memory_space<hbm>> -> memref<2x128xi32, #tpu.memory_space<hbm>>
        tpu.wait_dma2 semaphore(%arg14 : memref<!tpu.dma_semaphore, #tpu.memory_space<semaphore_mem>>) src(%dma_wait3A_155 : memref<2x128xi32, #tpu.memory_space<hbm>>) dst(%arg8 : memref<2x128xi32, #tpu.memory_space<vmem>>)
        %dma_start3A_156 = arith.constant 0 : i32
        %dma_start3A_157 = arith.constant 0 : i32
        %dma_start3A_158 = tpu.memref_slice %arg8[%dma_start3A_156, %dma_start3A_157] : memref<2x128xi32, #tpu.memory_space<vmem>> -> memref<1x128xi32, #tpu.memory_space<vmem>>
        %dma_start3A_159 = tpu.memref_squeeze %dma_start3A_158 : memref<1x128xi32, #tpu.memory_space<vmem>> -> memref<128xi32, #tpu.memory_space<vmem>>
        %dma_start3A_160 = arith.constant 0 : i32
        %dma_start3A_161 = arith.constant 0 : i32
        %dma_start3A_162 = tpu.memref_slice %arg2[%dma_start3A_160, %dma_start3A_161] : memref<10240x128xf32, #tpu.memory_space<hbm>> -> memref<10240x128xf32, #tpu.memory_space<hbm>>
        tpu.enqueue_indirect_dma source(%dma_start3A_162 : memref<10240x128xf32, #tpu.memory_space<hbm>>) target(%arg10 : memref<128x128xf32, #tpu.memory_space<vmem>>) offsets(%dma_start3A_159 : memref<128xi32, #tpu.memory_space<vmem>>) semaphore(%arg16 : memref<!tpu.dma_semaphore, #tpu.memory_space<semaphore_mem>>)
      } else {
      }
      %dma_wait3A_83 = arith.constant 0 : i32
      %dma_wait3A_84 = arith.constant 0 : i32
      %dma_wait3A_85 = tpu.memref_slice %arg7[%dma_wait3A_83, %dma_wait3A_84] : memref<2x128xi32, #tpu.memory_space<vmem>> -> memref<1x128xi32, #tpu.memory_space<vmem>>
      %dma_wait3A_86 = tpu.memref_squeeze %dma_wait3A_85 : memref<1x128xi32, #tpu.memory_space<vmem>> -> memref<128xi32, #tpu.memory_space<vmem>>
      %dma_wait3A_87 = arith.constant 0 : i32
      %dma_wait3A_88 = arith.constant 0 : i32
      %dma_wait3A_89 = tpu.memref_slice %arg2[%dma_wait3A_87, %dma_wait3A_88] : memref<10240x128xf32, #tpu.memory_space<hbm>> -> memref<10240x128xf32, #tpu.memory_space<hbm>>
      tpu.wait_indirect_dma semaphore(%arg17 : memref<!tpu.dma_semaphore, #tpu.memory_space<semaphore_mem>>) src(%dma_wait3A_89 : memref<10240x128xf32, #tpu.memory_space<hbm>>) dst(%arg11 : memref<128x128xf32, #tpu.memory_space<vmem>>)
      %run_scoped3A_90 = arith.constant 1 : i32
      "tpu.region"() ({
        %run_scoped3A_146 = tpu.sem_alloc : memref<!tpu.dma_semaphore, #tpu.memory_space<semaphore_mem>>
        %dma_start3A_147 = arith.constant 0 : i32
        %dma_start3A_148 = tpu.memref_slice %arg7[%run_scoped3A_90, %dma_start3A_147] : memref<2x128xi32, #tpu.memory_space<vmem>> -> memref<1x128xi32, #tpu.memory_space<vmem>>
        %dma_start3A_149 = tpu.memref_squeeze %dma_start3A_148 : memref<1x128xi32, #tpu.memory_space<vmem>> -> memref<128xi32, #tpu.memory_space<vmem>>
        %dma_start3A_150 = arith.constant 0 : i32
        %dma_start3A_151 = arith.constant 0 : i32
        %dma_start3A_152 = tpu.memref_slice %arg5[%dma_start3A_150, %dma_start3A_151] : memref<10240x128xf32, #tpu.memory_space<vmem_shared>> -> memref<10240x128xf32, #tpu.memory_space<vmem_shared>>
        tpu.enqueue_indirect_dma source(%arg11 : memref<128x128xf32, #tpu.memory_space<vmem>>) target(%dma_start3A_152 : memref<10240x128xf32, #tpu.memory_space<vmem_shared>>) offsets(%dma_start3A_149 : memref<128xi32, #tpu.memory_space<vmem>>) semaphore(%run_scoped3A_146 : memref<!tpu.dma_semaphore, #tpu.memory_space<semaphore_mem>>) {add = true}
        %dma_wait3A_153 = arith.constant 0 : i32
        %dma_wait3A_154 = tpu.memref_slice %arg7[%run_scoped3A_90, %dma_wait3A_153] : memref<2x128xi32, #tpu.memory_space<vmem>> -> memref<1x128xi32, #tpu.memory_space<vmem>>
        %dma_wait3A_155 = tpu.memref_squeeze %dma_wait3A_154 : memref<1x128xi32, #tpu.memory_space<vmem>> -> memref<128xi32, #tpu.memory_space<vmem>>
        %dma_wait3A_156 = arith.constant 0 : i32
        %dma_wait3A_157 = arith.constant 0 : i32
        %dma_wait3A_158 = tpu.memref_slice %arg5[%dma_wait3A_156, %dma_wait3A_157] : memref<10240x128xf32, #tpu.memory_space<vmem_shared>> -> memref<10240x128xf32, #tpu.memory_space<vmem_shared>>
        tpu.wait_indirect_dma semaphore(%run_scoped3A_146 : memref<!tpu.dma_semaphore, #tpu.memory_space<semaphore_mem>>) src(%arg11 : memref<128x128xf32, #tpu.memory_space<vmem>>) dst(%dma_wait3A_158 : memref<10240x128xf32, #tpu.memory_space<vmem_shared>>)
        tpu.yield
      }) : () -> ()
      %add3A_91 = arith.constant 3 : i32
      %add3A_92 = arith.addi %add3A_75, %add3A_91 : i32
      %lt3A_93 = arith.constant 80 : i32
      %lt3A_94 = arith.cmpi slt, %add3A_92, %lt3A_93 : i32
      %convert_element_type3A_95 = arith.extui %lt3A_94 : i1 to i32
      %cond3A_96 = arith.constant 0 : i32
      %cond3A_97 = arith.cmpi ne, %convert_element_type3A_95, %cond3A_96 : i32
      scf.if %cond3A_97 {
        %add3A_146 = arith.constant 3 : i32
        %add3A_147 = arith.addi %add3A_75, %add3A_146 : i32
        %dma_start3A_148 = arith.constant 0 : i32
        %dma_start3A_149 = arith.constant 0 : i32
        %dma_start3A_150 = tpu.memref_slice %arg3[%add3A, %add3A_147, %dma_start3A_148, %dma_start3A_149] : memref<32x80x2x128xi32, #tpu.memory_space<hbm>> -> memref<1x1x2x128xi32, #tpu.memory_space<hbm>>
        %dma_start3A_151 = tpu.memref_squeeze %dma_start3A_150 : memref<1x1x2x128xi32, #tpu.memory_space<hbm>> -> memref<2x128xi32, #tpu.memory_space<hbm>>
        %dma_start3A_152 = arith.constant 0 : i32
        %dma_start3A_153 = arith.constant 0 : i32
        %dma_start3A_154 = tpu.memref_slice %arg3[%add3A, %add3A_147, %dma_start3A_152, %dma_start3A_153] : memref<32x80x2x128xi32, #tpu.memory_space<hbm>> -> memref<1x1x2x128xi32, #tpu.memory_space<hbm>>
        %dma_start3A_155 = tpu.memref_squeeze %dma_start3A_154 : memref<1x1x2x128xi32, #tpu.memory_space<hbm>> -> memref<2x128xi32, #tpu.memory_space<hbm>>
        tpu.enqueue_dma source(%dma_start3A_155 : memref<2x128xi32, #tpu.memory_space<hbm>>) target(%arg6 : memref<2x128xi32, #tpu.memory_space<vmem>>) target_semaphore(%arg12 : memref<!tpu.dma_semaphore, #tpu.memory_space<semaphore_mem>>)
      } else {
      }
      %add3A_98 = arith.constant 2 : i32
      %add3A_99 = arith.addi %add3A_53, %add3A_98 : i32
      %add3A_100 = arith.constant 1 : i32
      %add3A_101 = arith.addi %add3A_99, %add3A_100 : i32
      %lt3A_102 = arith.constant 80 : i32
      %lt3A_103 = arith.cmpi slt, %add3A_101, %lt3A_102 : i32
      %convert_element_type3A_104 = arith.extui %lt3A_103 : i1 to i32
      %cond3A_105 = arith.constant 0 : i32
      %cond3A_106 = arith.cmpi ne, %convert_element_type3A_104, %cond3A_105 : i32
      scf.if %cond3A_106 {
        %add3A_146 = arith.constant 1 : i32
        %add3A_147 = arith.addi %add3A_99, %add3A_146 : i32
        %dma_wait3A_148 = arith.constant 0 : i32
        %dma_wait3A_149 = arith.constant 0 : i32
        %dma_wait3A_150 = tpu.memref_slice %arg3[%add3A, %add3A_147, %dma_wait3A_148, %dma_wait3A_149] : memref<32x80x2x128xi32, #tpu.memory_space<hbm>> -> memref<1x1x2x128xi32, #tpu.memory_space<hbm>>
        %dma_wait3A_151 = tpu.memref_squeeze %dma_wait3A_150 : memref<1x1x2x128xi32, #tpu.memory_space<hbm>> -> memref<2x128xi32, #tpu.memory_space<hbm>>
        %dma_wait3A_152 = arith.constant 0 : i32
        %dma_wait3A_153 = arith.constant 0 : i32
        %dma_wait3A_154 = tpu.memref_slice %arg3[%add3A, %add3A_147, %dma_wait3A_152, %dma_wait3A_153] : memref<32x80x2x128xi32, #tpu.memory_space<hbm>> -> memref<1x1x2x128xi32, #tpu.memory_space<hbm>>
        %dma_wait3A_155 = tpu.memref_squeeze %dma_wait3A_154 : memref<1x1x2x128xi32, #tpu.memory_space<hbm>> -> memref<2x128xi32, #tpu.memory_space<hbm>>
        tpu.wait_dma2 semaphore(%arg15 : memref<!tpu.dma_semaphore, #tpu.memory_space<semaphore_mem>>) src(%dma_wait3A_155 : memref<2x128xi32, #tpu.memory_space<hbm>>) dst(%arg9 : memref<2x128xi32, #tpu.memory_space<vmem>>)
        %dma_start3A_156 = arith.constant 0 : i32
        %dma_start3A_157 = arith.constant 0 : i32
        %dma_start3A_158 = tpu.memref_slice %arg9[%dma_start3A_156, %dma_start3A_157] : memref<2x128xi32, #tpu.memory_space<vmem>> -> memref<1x128xi32, #tpu.memory_space<vmem>>
        %dma_start3A_159 = tpu.memref_squeeze %dma_start3A_158 : memref<1x128xi32, #tpu.memory_space<vmem>> -> memref<128xi32, #tpu.memory_space<vmem>>
        %dma_start3A_160 = arith.constant 0 : i32
        %dma_start3A_161 = arith.constant 0 : i32
        %dma_start3A_162 = tpu.memref_slice %arg2[%dma_start3A_160, %dma_start3A_161] : memref<10240x128xf32, #tpu.memory_space<hbm>> -> memref<10240x128xf32, #tpu.memory_space<hbm>>
        tpu.enqueue_indirect_dma source(%dma_start3A_162 : memref<10240x128xf32, #tpu.memory_space<hbm>>) target(%arg11 : memref<128x128xf32, #tpu.memory_space<vmem>>) offsets(%dma_start3A_159 : memref<128xi32, #tpu.memory_space<vmem>>) semaphore(%arg17 : memref<!tpu.dma_semaphore, #tpu.memory_space<semaphore_mem>>)
      } else {
      }
      %dma_wait3A_107 = arith.constant 0 : i32
      %dma_wait3A_108 = arith.constant 0 : i32
      %dma_wait3A_109 = tpu.memref_slice %arg8[%dma_wait3A_107, %dma_wait3A_108] : memref<2x128xi32, #tpu.memory_space<vmem>> -> memref<1x128xi32, #tpu.memory_space<vmem>>
      %dma_wait3A_110 = tpu.memref_squeeze %dma_wait3A_109 : memref<1x128xi32, #tpu.memory_space<vmem>> -> memref<128xi32, #tpu.memory_space<vmem>>
      %dma_wait3A_111 = arith.constant 0 : i32
      %dma_wait3A_112 = arith.constant 0 : i32
      %dma_wait3A_113 = tpu.memref_slice %arg2[%dma_wait3A_111, %dma_wait3A_112] : memref<10240x128xf32, #tpu.memory_space<hbm>> -> memref<10240x128xf32, #tpu.memory_space<hbm>>
      tpu.wait_indirect_dma semaphore(%arg16 : memref<!tpu.dma_semaphore, #tpu.memory_space<semaphore_mem>>) src(%dma_wait3A_113 : memref<10240x128xf32, #tpu.memory_space<hbm>>) dst(%arg10 : memref<128x128xf32, #tpu.memory_space<vmem>>)
      %run_scoped3A_114 = arith.constant 1 : i32
      "tpu.region"() ({
        %run_scoped3A_146 = tpu.sem_alloc : memref<!tpu.dma_semaphore, #tpu.memory_space<semaphore_mem>>
        %dma_start3A_147 = arith.constant 0 : i32
        %dma_start3A_148 = tpu.memref_slice %arg8[%run_scoped3A_114, %dma_start3A_147] : memref<2x128xi32, #tpu.memory_space<vmem>> -> memref<1x128xi32, #tpu.memory_space<vmem>>
        %dma_start3A_149 = tpu.memref_squeeze %dma_start3A_148 : memref<1x128xi32, #tpu.memory_space<vmem>> -> memref<128xi32, #tpu.memory_space<vmem>>
        %dma_start3A_150 = arith.constant 0 : i32
        %dma_start3A_151 = arith.constant 0 : i32
        %dma_start3A_152 = tpu.memref_slice %arg5[%dma_start3A_150, %dma_start3A_151] : memref<10240x128xf32, #tpu.memory_space<vmem_shared>> -> memref<10240x128xf32, #tpu.memory_space<vmem_shared>>
        tpu.enqueue_indirect_dma source(%arg10 : memref<128x128xf32, #tpu.memory_space<vmem>>) target(%dma_start3A_152 : memref<10240x128xf32, #tpu.memory_space<vmem_shared>>) offsets(%dma_start3A_149 : memref<128xi32, #tpu.memory_space<vmem>>) semaphore(%run_scoped3A_146 : memref<!tpu.dma_semaphore, #tpu.memory_space<semaphore_mem>>) {add = true}
        %dma_wait3A_153 = arith.constant 0 : i32
        %dma_wait3A_154 = tpu.memref_slice %arg8[%run_scoped3A_114, %dma_wait3A_153] : memref<2x128xi32, #tpu.memory_space<vmem>> -> memref<1x128xi32, #tpu.memory_space<vmem>>
        %dma_wait3A_155 = tpu.memref_squeeze %dma_wait3A_154 : memref<1x128xi32, #tpu.memory_space<vmem>> -> memref<128xi32, #tpu.memory_space<vmem>>
        %dma_wait3A_156 = arith.constant 0 : i32
        %dma_wait3A_157 = arith.constant 0 : i32
        %dma_wait3A_158 = tpu.memref_slice %arg5[%dma_wait3A_156, %dma_wait3A_157] : memref<10240x128xf32, #tpu.memory_space<vmem_shared>> -> memref<10240x128xf32, #tpu.memory_space<vmem_shared>>
        tpu.wait_indirect_dma semaphore(%run_scoped3A_146 : memref<!tpu.dma_semaphore, #tpu.memory_space<semaphore_mem>>) src(%arg10 : memref<128x128xf32, #tpu.memory_space<vmem>>) dst(%dma_wait3A_158 : memref<10240x128xf32, #tpu.memory_space<vmem_shared>>)
        tpu.yield
      }) : () -> ()
      %add3A_115 = arith.constant 3 : i32
      %add3A_116 = arith.addi %add3A_99, %add3A_115 : i32
      %lt3A_117 = arith.constant 80 : i32
      %lt3A_118 = arith.cmpi slt, %add3A_116, %lt3A_117 : i32
      %convert_element_type3A_119 = arith.extui %lt3A_118 : i1 to i32
      %cond3A_120 = arith.constant 0 : i32
      %cond3A_121 = arith.cmpi ne, %convert_element_type3A_119, %cond3A_120 : i32
      scf.if %cond3A_121 {
        %add3A_146 = arith.constant 3 : i32
        %add3A_147 = arith.addi %add3A_99, %add3A_146 : i32
        %dma_start3A_148 = arith.constant 0 : i32
        %dma_start3A_149 = arith.constant 0 : i32
        %dma_start3A_150 = tpu.memref_slice %arg3[%add3A, %add3A_147, %dma_start3A_148, %dma_start3A_149] : memref<32x80x2x128xi32, #tpu.memory_space<hbm>> -> memref<1x1x2x128xi32, #tpu.memory_space<hbm>>
        %dma_start3A_151 = tpu.memref_squeeze %dma_start3A_150 : memref<1x1x2x128xi32, #tpu.memory_space<hbm>> -> memref<2x128xi32, #tpu.memory_space<hbm>>
        %dma_start3A_152 = arith.constant 0 : i32
        %dma_start3A_153 = arith.constant 0 : i32
        %dma_start3A_154 = tpu.memref_slice %arg3[%add3A, %add3A_147, %dma_start3A_152, %dma_start3A_153] : memref<32x80x2x128xi32, #tpu.memory_space<hbm>> -> memref<1x1x2x128xi32, #tpu.memory_space<hbm>>
        %dma_start3A_155 = tpu.memref_squeeze %dma_start3A_154 : memref<1x1x2x128xi32, #tpu.memory_space<hbm>> -> memref<2x128xi32, #tpu.memory_space<hbm>>
        tpu.enqueue_dma source(%dma_start3A_155 : memref<2x128xi32, #tpu.memory_space<hbm>>) target(%arg7 : memref<2x128xi32, #tpu.memory_space<vmem>>) target_semaphore(%arg13 : memref<!tpu.dma_semaphore, #tpu.memory_space<semaphore_mem>>)
      } else {
      }
      %add3A_122 = arith.constant 3 : i32
      %add3A_123 = arith.addi %add3A_53, %add3A_122 : i32
      %add3A_124 = arith.constant 1 : i32
      %add3A_125 = arith.addi %add3A_123, %add3A_124 : i32
      %lt3A_126 = arith.constant 80 : i32
      %lt3A_127 = arith.cmpi slt, %add3A_125, %lt3A_126 : i32
      %convert_element_type3A_128 = arith.extui %lt3A_127 : i1 to i32
      %cond3A_129 = arith.constant 0 : i32
      %cond3A_130 = arith.cmpi ne, %convert_element_type3A_128, %cond3A_129 : i32
      scf.if %cond3A_130 {
        %add3A_146 = arith.constant 1 : i32
        %add3A_147 = arith.addi %add3A_123, %add3A_146 : i32
        %dma_wait3A_148 = arith.constant 0 : i32
        %dma_wait3A_149 = arith.constant 0 : i32
        %dma_wait3A_150 = tpu.memref_slice %arg3[%add3A, %add3A_147, %dma_wait3A_148, %dma_wait3A_149] : memref<32x80x2x128xi32, #tpu.memory_space<hbm>> -> memref<1x1x2x128xi32, #tpu.memory_space<hbm>>
        %dma_wait3A_151 = tpu.memref_squeeze %dma_wait3A_150 : memref<1x1x2x128xi32, #tpu.memory_space<hbm>> -> memref<2x128xi32, #tpu.memory_space<hbm>>
        %dma_wait3A_152 = arith.constant 0 : i32
        %dma_wait3A_153 = arith.constant 0 : i32
        %dma_wait3A_154 = tpu.memref_slice %arg3[%add3A, %add3A_147, %dma_wait3A_152, %dma_wait3A_153] : memref<32x80x2x128xi32, #tpu.memory_space<hbm>> -> memref<1x1x2x128xi32, #tpu.memory_space<hbm>>
        %dma_wait3A_155 = tpu.memref_squeeze %dma_wait3A_154 : memref<1x1x2x128xi32, #tpu.memory_space<hbm>> -> memref<2x128xi32, #tpu.memory_space<hbm>>
        tpu.wait_dma2 semaphore(%arg12 : memref<!tpu.dma_semaphore, #tpu.memory_space<semaphore_mem>>) src(%dma_wait3A_155 : memref<2x128xi32, #tpu.memory_space<hbm>>) dst(%arg6 : memref<2x128xi32, #tpu.memory_space<vmem>>)
        %dma_start3A_156 = arith.constant 0 : i32
        %dma_start3A_157 = arith.constant 0 : i32
        %dma_start3A_158 = tpu.memref_slice %arg6[%dma_start3A_156, %dma_start3A_157] : memref<2x128xi32, #tpu.memory_space<vmem>> -> memref<1x128xi32, #tpu.memory_space<vmem>>
        %dma_start3A_159 = tpu.memref_squeeze %dma_start3A_158 : memref<1x128xi32, #tpu.memory_space<vmem>> -> memref<128xi32, #tpu.memory_space<vmem>>
        %dma_start3A_160 = arith.constant 0 : i32
        %dma_start3A_161 = arith.constant 0 : i32
        %dma_start3A_162 = tpu.memref_slice %arg2[%dma_start3A_160, %dma_start3A_161] : memref<10240x128xf32, #tpu.memory_space<hbm>> -> memref<10240x128xf32, #tpu.memory_space<hbm>>
        tpu.enqueue_indirect_dma source(%dma_start3A_162 : memref<10240x128xf32, #tpu.memory_space<hbm>>) target(%arg10 : memref<128x128xf32, #tpu.memory_space<vmem>>) offsets(%dma_start3A_159 : memref<128xi32, #tpu.memory_space<vmem>>) semaphore(%arg16 : memref<!tpu.dma_semaphore, #tpu.memory_space<semaphore_mem>>)
      } else {
      }
      %dma_wait3A_131 = arith.constant 0 : i32
      %dma_wait3A_132 = arith.constant 0 : i32
      %dma_wait3A_133 = tpu.memref_slice %arg9[%dma_wait3A_131, %dma_wait3A_132] : memref<2x128xi32, #tpu.memory_space<vmem>> -> memref<1x128xi32, #tpu.memory_space<vmem>>
      %dma_wait3A_134 = tpu.memref_squeeze %dma_wait3A_133 : memref<1x128xi32, #tpu.memory_space<vmem>> -> memref<128xi32, #tpu.memory_space<vmem>>
      %dma_wait3A_135 = arith.constant 0 : i32
      %dma_wait3A_136 = arith.constant 0 : i32
      %dma_wait3A_137 = tpu.memref_slice %arg2[%dma_wait3A_135, %dma_wait3A_136] : memref<10240x128xf32, #tpu.memory_space<hbm>> -> memref<10240x128xf32, #tpu.memory_space<hbm>>
      tpu.wait_indirect_dma semaphore(%arg17 : memref<!tpu.dma_semaphore, #tpu.memory_space<semaphore_mem>>) src(%dma_wait3A_137 : memref<10240x128xf32, #tpu.memory_space<hbm>>) dst(%arg11 : memref<128x128xf32, #tpu.memory_space<vmem>>)
      %run_scoped3A_138 = arith.constant 1 : i32
      "tpu.region"() ({
        %run_scoped3A_146 = tpu.sem_alloc : memref<!tpu.dma_semaphore, #tpu.memory_space<semaphore_mem>>
        %dma_start3A_147 = arith.constant 0 : i32
        %dma_start3A_148 = tpu.memref_slice %arg9[%run_scoped3A_138, %dma_start3A_147] : memref<2x128xi32, #tpu.memory_space<vmem>> -> memref<1x128xi32, #tpu.memory_space<vmem>>
        %dma_start3A_149 = tpu.memref_squeeze %dma_start3A_148 : memref<1x128xi32, #tpu.memory_space<vmem>> -> memref<128xi32, #tpu.memory_space<vmem>>
        %dma_start3A_150 = arith.constant 0 : i32
        %dma_start3A_151 = arith.constant 0 : i32
        %dma_start3A_152 = tpu.memref_slice %arg5[%dma_start3A_150, %dma_start3A_151] : memref<10240x128xf32, #tpu.memory_space<vmem_shared>> -> memref<10240x128xf32, #tpu.memory_space<vmem_shared>>
        tpu.enqueue_indirect_dma source(%arg11 : memref<128x128xf32, #tpu.memory_space<vmem>>) target(%dma_start3A_152 : memref<10240x128xf32, #tpu.memory_space<vmem_shared>>) offsets(%dma_start3A_149 : memref<128xi32, #tpu.memory_space<vmem>>) semaphore(%run_scoped3A_146 : memref<!tpu.dma_semaphore, #tpu.memory_space<semaphore_mem>>) {add = true}
        %dma_wait3A_153 = arith.constant 0 : i32
        %dma_wait3A_154 = tpu.memref_slice %arg9[%run_scoped3A_138, %dma_wait3A_153] : memref<2x128xi32, #tpu.memory_space<vmem>> -> memref<1x128xi32, #tpu.memory_space<vmem>>
        %dma_wait3A_155 = tpu.memref_squeeze %dma_wait3A_154 : memref<1x128xi32, #tpu.memory_space<vmem>> -> memref<128xi32, #tpu.memory_space<vmem>>
        %dma_wait3A_156 = arith.constant 0 : i32
        %dma_wait3A_157 = arith.constant 0 : i32
        %dma_wait3A_158 = tpu.memref_slice %arg5[%dma_wait3A_156, %dma_wait3A_157] : memref<10240x128xf32, #tpu.memory_space<vmem_shared>> -> memref<10240x128xf32, #tpu.memory_space<vmem_shared>>
        tpu.wait_indirect_dma semaphore(%run_scoped3A_146 : memref<!tpu.dma_semaphore, #tpu.memory_space<semaphore_mem>>) src(%arg11 : memref<128x128xf32, #tpu.memory_space<vmem>>) dst(%dma_wait3A_158 : memref<10240x128xf32, #tpu.memory_space<vmem_shared>>)
        tpu.yield
      }) : () -> ()
      %add3A_139 = arith.constant 3 : i32
      %add3A_140 = arith.addi %add3A_123, %add3A_139 : i32
      %lt3A_141 = arith.constant 80 : i32
      %lt3A_142 = arith.cmpi slt, %add3A_140, %lt3A_141 : i32
      %convert_element_type3A_143 = arith.extui %lt3A_142 : i1 to i32
      %cond3A_144 = arith.constant 0 : i32
      %cond3A_145 = arith.cmpi ne, %convert_element_type3A_143, %cond3A_144 : i32
      scf.if %cond3A_145 {
        %add3A_146 = arith.constant 3 : i32
        %add3A_147 = arith.addi %add3A_123, %add3A_146 : i32
        %dma_start3A_148 = arith.constant 0 : i32
        %dma_start3A_149 = arith.constant 0 : i32
        %dma_start3A_150 = tpu.memref_slice %arg3[%add3A, %add3A_147, %dma_start3A_148, %dma_start3A_149] : memref<32x80x2x128xi32, #tpu.memory_space<hbm>> -> memref<1x1x2x128xi32, #tpu.memory_space<hbm>>
        %dma_start3A_151 = tpu.memref_squeeze %dma_start3A_150 : memref<1x1x2x128xi32, #tpu.memory_space<hbm>> -> memref<2x128xi32, #tpu.memory_space<hbm>>
        %dma_start3A_152 = arith.constant 0 : i32
        %dma_start3A_153 = arith.constant 0 : i32
        %dma_start3A_154 = tpu.memref_slice %arg3[%add3A, %add3A_147, %dma_start3A_152, %dma_start3A_153] : memref<32x80x2x128xi32, #tpu.memory_space<hbm>> -> memref<1x1x2x128xi32, #tpu.memory_space<hbm>>
        %dma_start3A_155 = tpu.memref_squeeze %dma_start3A_154 : memref<1x1x2x128xi32, #tpu.memory_space<hbm>> -> memref<2x128xi32, #tpu.memory_space<hbm>>
        tpu.enqueue_dma source(%dma_start3A_155 : memref<2x128xi32, #tpu.memory_space<hbm>>) target(%arg8 : memref<2x128xi32, #tpu.memory_space<vmem>>) target_semaphore(%arg14 : memref<!tpu.dma_semaphore, #tpu.memory_space<semaphore_mem>>)
      } else {
      }
    }
    %scan3A_47 = arith.constant 20 : i32
    %barrier3A_48 = arith.constant 0 : index
    tpu.barrier barrier_id(%barrier3A_48)
    "tpu.region"() ({
      %run_scoped3A_49 = tpu.sem_alloc : memref<!tpu.dma_semaphore, #tpu.memory_space<semaphore_mem>>
      %dma_start3A_50 = arith.constant 0 : i32
      %dma_start3A_51 = tpu.memref_slice %arg4[%arg0, %mul3A_8, %dma_start3A_50] : memref<2x10240x128xf32, #tpu.memory_space<hbm>> -> memref<1x640x128xf32, #tpu.memory_space<hbm>>
      %dma_start3A_52 = tpu.memref_squeeze %dma_start3A_51 : memref<1x640x128xf32, #tpu.memory_space<hbm>> -> memref<640x128xf32, #tpu.memory_space<hbm>>
      %dma_start3A_53 = arith.constant 0 : i32
      %dma_start3A_54 = tpu.memref_slice %arg5[%mul3A_8, %dma_start3A_53] : memref<10240x128xf32, #tpu.memory_space<vmem_shared>> -> memref<640x128xf32, #tpu.memory_space<vmem_shared>>
      tpu.enqueue_dma source(%dma_start3A_54 : memref<640x128xf32, #tpu.memory_space<vmem_shared>>) target(%dma_start3A_52 : memref<640x128xf32, #tpu.memory_space<hbm>>) target_semaphore(%run_scoped3A_49 : memref<!tpu.dma_semaphore, #tpu.memory_space<semaphore_mem>>)
      %dma_wait3A = arith.constant 0 : i32
      %dma_wait3A_55 = tpu.memref_slice %arg4[%arg0, %mul3A_8, %dma_wait3A] : memref<2x10240x128xf32, #tpu.memory_space<hbm>> -> memref<1x640x128xf32, #tpu.memory_space<hbm>>
      %dma_wait3A_56 = tpu.memref_squeeze %dma_wait3A_55 : memref<1x640x128xf32, #tpu.memory_space<hbm>> -> memref<640x128xf32, #tpu.memory_space<hbm>>
      %dma_wait3A_57 = arith.constant 0 : i32
      %dma_wait3A_58 = tpu.memref_slice %arg5[%mul3A_8, %dma_wait3A_57] : memref<10240x128xf32, #tpu.memory_space<vmem_shared>> -> memref<640x128xf32, #tpu.memory_space<vmem_shared>>
      tpu.wait_dma2 semaphore(%run_scoped3A_49 : memref<!tpu.dma_semaphore, #tpu.memory_space<semaphore_mem>>) src(%dma_wait3A_58 : memref<640x128xf32, #tpu.memory_space<vmem_shared>>) dst(%dma_wait3A_56 : memref<640x128xf32, #tpu.memory_space<hbm>>)
      tpu.yield
    }) : () -> ()
    return
  }
}

#map = affine_map<(d0, d1) -> (0, 0)>
#map1 = affine_map<(d0, d1) -> (0, 0, 0, 0)>
#map2 = affine_map<(d0, d1) -> (0, 0, 0)>
module attributes {stable_mosaic.version = 14 : i64} {
  func.func @_agg_body(%arg0: i32, %arg1: i32, %arg2: memref<10240x128xf32, #tpu.memory_space<hbm>>, %arg3: memref<32x80x2x128xi32, #tpu.memory_space<hbm>>, %arg4: memref<2x10240x128xf32, #tpu.memory_space<hbm>>, %arg5: memref<10240x128xf32, #tpu.memory_space<vmem_shared>>, %arg6: memref<2x128xi32, #tpu.memory_space<vmem>>, %arg7: memref<2x128xi32, #tpu.memory_space<vmem>>, %arg8: memref<2x128xi32, #tpu.memory_space<vmem>>, %arg9: memref<2x128xi32, #tpu.memory_space<vmem>>, %arg10: memref<128x128xf32, #tpu.memory_space<vmem>>, %arg11: memref<128x128xf32, #tpu.memory_space<vmem>>, %arg12: memref<!tpu.dma_semaphore, #tpu.memory_space<semaphore_mem>>, %arg13: memref<!tpu.dma_semaphore, #tpu.memory_space<semaphore_mem>>, %arg14: memref<!tpu.dma_semaphore, #tpu.memory_space<semaphore_mem>>, %arg15: memref<!tpu.dma_semaphore, #tpu.memory_space<semaphore_mem>>, %arg16: memref<!tpu.dma_semaphore, #tpu.memory_space<semaphore_mem>>, %arg17: memref<!tpu.dma_semaphore, #tpu.memory_space<semaphore_mem>>) attributes {dimension_semantics = [#tpu.dimension_semantics<core_parallel>, #tpu.dimension_semantics<subcore_parallel>], iteration_bounds = array<i64: 2, 16>, scalar_prefetch = 0 : i64, scratch_operands = 13 : i64, tpu.core_type = #tpu.core_type<sc_vector_subcore>, window_params = [{transform_indices = #map}, {transform_indices = #map1}, {transform_indices = #map2}]} {
    %mul3A = arith.constant 16 : i32
    %mul3A_0 = arith.muli %arg0, %mul3A : i32
    %add3A = arith.addi %mul3A_0, %arg1 : i32
    %scan3A = arith.constant 0 : i32
    %scan3A_1 = arith.constant 0 : i32
    %scan3A_2 = arith.constant 1024 : i32
    %scan3A_3 = arith.addi %scan3A_1, %scan3A_2 : i32
    %scan3A_4 = arith.constant 1 : i32
    %scan3A_5 = scf.for %scan3A_49 = %scan3A_1 to %scan3A_3 step %scan3A_4 iter_args(%scan3A_50 = %scan3A) -> (i32)  : i32 {
      %jit3A = arith.constant 8 : i32
      %div3A = arith.divsi %scan3A_49, %jit3A : i32
      %sign3A = arith.constant 0 : i32
      %sign3A_51 = arith.cmpi sgt, %scan3A_49, %sign3A : i32
      %sign3A_52 = arith.extui %sign3A_51 : i1 to i32
      %sign3A_53 = arith.constant 0 : i32
      %sign3A_54 = arith.cmpi slt, %scan3A_49, %sign3A_53 : i32
      %sign3A_55 = arith.extui %sign3A_54 : i1 to i32
      %sign3A_56 = arith.subi %sign3A_52, %sign3A_55 : i32
      %sign3A_57 = arith.constant 0 : i32
      %sign3A_58 = arith.cmpi sgt, %jit3A, %sign3A_57 : i32
      %sign3A_59 = arith.extui %sign3A_58 : i1 to i32
      %sign3A_60 = arith.constant 0 : i32
      %sign3A_61 = arith.cmpi slt, %jit3A, %sign3A_60 : i32
      %sign3A_62 = arith.extui %sign3A_61 : i1 to i32
      %sign3A_63 = arith.subi %sign3A_59, %sign3A_62 : i32
      %ne3A = arith.cmpi ne, %sign3A_56, %sign3A_63 : i32
      %rem3A = arith.remsi %scan3A_49, %jit3A : i32
      %ne3A_64 = arith.constant 0 : i32
      %ne3A_65 = arith.cmpi ne, %rem3A, %ne3A_64 : i32
      %and3A = arith.andi %ne3A, %ne3A_65 : i1
      %sub3A = arith.constant 1 : i32
      %sub3A_66 = arith.subi %div3A, %sub3A : i32
      %select_n3A = arith.select %and3A, %sub3A_66, %div3A : i32
      %mul3A_67 = arith.constant 8 : i32
      %mul3A_68 = arith.muli %select_n3A, %mul3A_67 : i32
      %sub3A_69 = arith.subi %scan3A_49, %mul3A_68 : i32
      %broadcast_in_dim3A = arith.constant 0.000000e+00 : f32
      %broadcast_in_dim3A_70 = vector.broadcast %broadcast_in_dim3A : f32 to vector<16xf32>
      %mul3A_71 = arith.constant 16 : i32
      %mul3A_72 = arith.muli %sub3A_69, %mul3A_71 : i32
      %swap3A = arith.index_cast %select_n3A : i32 to index
      %swap3A_73 = arith.index_cast %mul3A_72 : i32 to index
      %swap3A_74 = tpu.vector_load %arg10[%swap3A, %swap3A_73] {strides = array<i32>} : memref<128x128xf32, #tpu.memory_space<vmem>>, vector<1x16xf32>,
      %swap3A_75 = vector.shape_cast %swap3A_74 : vector<1x16xf32> to vector<16xf32>
      %swap3A_76 = vector.shape_cast %broadcast_in_dim3A_70 : vector<16xf32> to vector<1x16xf32>
      tpu.vector_store %arg10[%swap3A, %swap3A_73], %swap3A_76 {strides = array<i32>} : memref<128x128xf32, #tpu.memory_space<vmem>>, vector<1x16xf32>,
      %scan3A_77 = arith.constant 0 : i32
      scf.yield %scan3A_77 : i32
    }
    %scan3A_6 = arith.constant 1024 : i32
    %mul3A_7 = arith.constant 640 : i32
    %mul3A_8 = arith.muli %arg1, %mul3A_7 : i32
    %add3A_9 = arith.constant 0 : i32
    %add3A_10 = arith.addi %mul3A_8, %add3A_9 : i32
    "tpu.region"() ({
      %run_scoped3A_49 = tpu.sem_alloc : memref<!tpu.dma_semaphore, #tpu.memory_space<semaphore_mem>>
      %dma_start3A_50 = arith.constant 0 : i32
      %dma_start3A_51 = tpu.memref_slice %arg5[%add3A_10, %dma_start3A_50] : memref<10240x128xf32, #tpu.memory_space<vmem_shared>> -> memref<128x128xf32, #tpu.memory_space<vmem_shared>>
      %dma_start3A_52 = arith.constant 0 : i32
      %dma_start3A_53 = tpu.memref_slice %arg5[%add3A_10, %dma_start3A_52] : memref<10240x128xf32, #tpu.memory_space<vmem_shared>> -> memref<128x128xf32, #tpu.memory_space<vmem_shared>>
      tpu.enqueue_dma source(%arg10 : memref<128x128xf32, #tpu.memory_space<vmem>>) target(%dma_start3A_53 : memref<128x128xf32, #tpu.memory_space<vmem_shared>>) target_semaphore(%run_scoped3A_49 : memref<!tpu.dma_semaphore, #tpu.memory_space<semaphore_mem>>)
      %dma_wait3A = arith.constant 0 : i32
      %dma_wait3A_54 = tpu.memref_slice %arg5[%add3A_10, %dma_wait3A] : memref<10240x128xf32, #tpu.memory_space<vmem_shared>> -> memref<128x128xf32, #tpu.memory_space<vmem_shared>>
      %dma_wait3A_55 = arith.constant 0 : i32
      %dma_wait3A_56 = tpu.memref_slice %arg5[%add3A_10, %dma_wait3A_55] : memref<10240x128xf32, #tpu.memory_space<vmem_shared>> -> memref<128x128xf32, #tpu.memory_space<vmem_shared>>
      tpu.wait_dma2 semaphore(%run_scoped3A_49 : memref<!tpu.dma_semaphore, #tpu.memory_space<semaphore_mem>>) src(%arg10 : memref<128x128xf32, #tpu.memory_space<vmem>>) dst(%dma_wait3A_56 : memref<128x128xf32, #tpu.memory_space<vmem_shared>>)
      tpu.yield
    }) : () -> ()
    %add3A_11 = arith.constant 128 : i32
    %add3A_12 = arith.addi %mul3A_8, %add3A_11 : i32
    "tpu.region"() ({
      %run_scoped3A_49 = tpu.sem_alloc : memref<!tpu.dma_semaphore, #tpu.memory_space<semaphore_mem>>
      %dma_start3A_50 = arith.constant 0 : i32
      %dma_start3A_51 = tpu.memref_slice %arg5[%add3A_12, %dma_start3A_50] : memref<10240x128xf32, #tpu.memory_space<vmem_shared>> -> memref<128x128xf32, #tpu.memory_space<vmem_shared>>
      %dma_start3A_52 = arith.constant 0 : i32
      %dma_start3A_53 = tpu.memref_slice %arg5[%add3A_12, %dma_start3A_52] : memref<10240x128xf32, #tpu.memory_space<vmem_shared>> -> memref<128x128xf32, #tpu.memory_space<vmem_shared>>
      tpu.enqueue_dma source(%arg10 : memref<128x128xf32, #tpu.memory_space<vmem>>) target(%dma_start3A_53 : memref<128x128xf32, #tpu.memory_space<vmem_shared>>) target_semaphore(%run_scoped3A_49 : memref<!tpu.dma_semaphore, #tpu.memory_space<semaphore_mem>>)
      %dma_wait3A = arith.constant 0 : i32
      %dma_wait3A_54 = tpu.memref_slice %arg5[%add3A_12, %dma_wait3A] : memref<10240x128xf32, #tpu.memory_space<vmem_shared>> -> memref<128x128xf32, #tpu.memory_space<vmem_shared>>
      %dma_wait3A_55 = arith.constant 0 : i32
      %dma_wait3A_56 = tpu.memref_slice %arg5[%add3A_12, %dma_wait3A_55] : memref<10240x128xf32, #tpu.memory_space<vmem_shared>> -> memref<128x128xf32, #tpu.memory_space<vmem_shared>>
      tpu.wait_dma2 semaphore(%run_scoped3A_49 : memref<!tpu.dma_semaphore, #tpu.memory_space<semaphore_mem>>) src(%arg10 : memref<128x128xf32, #tpu.memory_space<vmem>>) dst(%dma_wait3A_56 : memref<128x128xf32, #tpu.memory_space<vmem_shared>>)
      tpu.yield
    }) : () -> ()
    %add3A_13 = arith.constant 256 : i32
    %add3A_14 = arith.addi %mul3A_8, %add3A_13 : i32
    "tpu.region"() ({
      %run_scoped3A_49 = tpu.sem_alloc : memref<!tpu.dma_semaphore, #tpu.memory_space<semaphore_mem>>
      %dma_start3A_50 = arith.constant 0 : i32
      %dma_start3A_51 = tpu.memref_slice %arg5[%add3A_14, %dma_start3A_50] : memref<10240x128xf32, #tpu.memory_space<vmem_shared>> -> memref<128x128xf32, #tpu.memory_space<vmem_shared>>
      %dma_start3A_52 = arith.constant 0 : i32
      %dma_start3A_53 = tpu.memref_slice %arg5[%add3A_14, %dma_start3A_52] : memref<10240x128xf32, #tpu.memory_space<vmem_shared>> -> memref<128x128xf32, #tpu.memory_space<vmem_shared>>
      tpu.enqueue_dma source(%arg10 : memref<128x128xf32, #tpu.memory_space<vmem>>) target(%dma_start3A_53 : memref<128x128xf32, #tpu.memory_space<vmem_shared>>) target_semaphore(%run_scoped3A_49 : memref<!tpu.dma_semaphore, #tpu.memory_space<semaphore_mem>>)
      %dma_wait3A = arith.constant 0 : i32
      %dma_wait3A_54 = tpu.memref_slice %arg5[%add3A_14, %dma_wait3A] : memref<10240x128xf32, #tpu.memory_space<vmem_shared>> -> memref<128x128xf32, #tpu.memory_space<vmem_shared>>
      %dma_wait3A_55 = arith.constant 0 : i32
      %dma_wait3A_56 = tpu.memref_slice %arg5[%add3A_14, %dma_wait3A_55] : memref<10240x128xf32, #tpu.memory_space<vmem_shared>> -> memref<128x128xf32, #tpu.memory_space<vmem_shared>>
      tpu.wait_dma2 semaphore(%run_scoped3A_49 : memref<!tpu.dma_semaphore, #tpu.memory_space<semaphore_mem>>) src(%arg10 : memref<128x128xf32, #tpu.memory_space<vmem>>) dst(%dma_wait3A_56 : memref<128x128xf32, #tpu.memory_space<vmem_shared>>)
      tpu.yield
    }) : () -> ()
    %add3A_15 = arith.constant 384 : i32
    %add3A_16 = arith.addi %mul3A_8, %add3A_15 : i32
    "tpu.region"() ({
      %run_scoped3A_49 = tpu.sem_alloc : memref<!tpu.dma_semaphore, #tpu.memory_space<semaphore_mem>>
      %dma_start3A_50 = arith.constant 0 : i32
      %dma_start3A_51 = tpu.memref_slice %arg5[%add3A_16, %dma_start3A_50] : memref<10240x128xf32, #tpu.memory_space<vmem_shared>> -> memref<128x128xf32, #tpu.memory_space<vmem_shared>>
      %dma_start3A_52 = arith.constant 0 : i32
      %dma_start3A_53 = tpu.memref_slice %arg5[%add3A_16, %dma_start3A_52] : memref<10240x128xf32, #tpu.memory_space<vmem_shared>> -> memref<128x128xf32, #tpu.memory_space<vmem_shared>>
      tpu.enqueue_dma source(%arg10 : memref<128x128xf32, #tpu.memory_space<vmem>>) target(%dma_start3A_53 : memref<128x128xf32, #tpu.memory_space<vmem_shared>>) target_semaphore(%run_scoped3A_49 : memref<!tpu.dma_semaphore, #tpu.memory_space<semaphore_mem>>)
      %dma_wait3A = arith.constant 0 : i32
      %dma_wait3A_54 = tpu.memref_slice %arg5[%add3A_16, %dma_wait3A] : memref<10240x128xf32, #tpu.memory_space<vmem_shared>> -> memref<128x128xf32, #tpu.memory_space<vmem_shared>>
      %dma_wait3A_55 = arith.constant 0 : i32
      %dma_wait3A_56 = tpu.memref_slice %arg5[%add3A_16, %dma_wait3A_55] : memref<10240x128xf32, #tpu.memory_space<vmem_shared>> -> memref<128x128xf32, #tpu.memory_space<vmem_shared>>
      tpu.wait_dma2 semaphore(%run_scoped3A_49 : memref<!tpu.dma_semaphore, #tpu.memory_space<semaphore_mem>>) src(%arg10 : memref<128x128xf32, #tpu.memory_space<vmem>>) dst(%dma_wait3A_56 : memref<128x128xf32, #tpu.memory_space<vmem_shared>>)
      tpu.yield
    }) : () -> ()
    %add3A_17 = arith.constant 512 : i32
    %add3A_18 = arith.addi %mul3A_8, %add3A_17 : i32
    "tpu.region"() ({
      %run_scoped3A_49 = tpu.sem_alloc : memref<!tpu.dma_semaphore, #tpu.memory_space<semaphore_mem>>
      %dma_start3A_50 = arith.constant 0 : i32
      %dma_start3A_51 = tpu.memref_slice %arg5[%add3A_18, %dma_start3A_50] : memref<10240x128xf32, #tpu.memory_space<vmem_shared>> -> memref<128x128xf32, #tpu.memory_space<vmem_shared>>
      %dma_start3A_52 = arith.constant 0 : i32
      %dma_start3A_53 = tpu.memref_slice %arg5[%add3A_18, %dma_start3A_52] : memref<10240x128xf32, #tpu.memory_space<vmem_shared>> -> memref<128x128xf32, #tpu.memory_space<vmem_shared>>
      tpu.enqueue_dma source(%arg10 : memref<128x128xf32, #tpu.memory_space<vmem>>) target(%dma_start3A_53 : memref<128x128xf32, #tpu.memory_space<vmem_shared>>) target_semaphore(%run_scoped3A_49 : memref<!tpu.dma_semaphore, #tpu.memory_space<semaphore_mem>>)
      %dma_wait3A = arith.constant 0 : i32
      %dma_wait3A_54 = tpu.memref_slice %arg5[%add3A_18, %dma_wait3A] : memref<10240x128xf32, #tpu.memory_space<vmem_shared>> -> memref<128x128xf32, #tpu.memory_space<vmem_shared>>
      %dma_wait3A_55 = arith.constant 0 : i32
      %dma_wait3A_56 = tpu.memref_slice %arg5[%add3A_18, %dma_wait3A_55] : memref<10240x128xf32, #tpu.memory_space<vmem_shared>> -> memref<128x128xf32, #tpu.memory_space<vmem_shared>>
      tpu.wait_dma2 semaphore(%run_scoped3A_49 : memref<!tpu.dma_semaphore, #tpu.memory_space<semaphore_mem>>) src(%arg10 : memref<128x128xf32, #tpu.memory_space<vmem>>) dst(%dma_wait3A_56 : memref<128x128xf32, #tpu.memory_space<vmem_shared>>)
      tpu.yield
    }) : () -> ()
    %barrier3A = arith.constant 0 : index
    tpu.barrier barrier_id(%barrier3A)
    %run_scoped3A = arith.constant 0 : i32
    "tpu.region"() ({
      %run_scoped3A_49 = tpu.sem_alloc : memref<!tpu.dma_semaphore, #tpu.memory_space<semaphore_mem>>
      %dma_start3A_50 = arith.constant 0 : i32
      %dma_start3A_51 = arith.constant 0 : i32
      %dma_start3A_52 = tpu.memref_slice %arg3[%add3A, %run_scoped3A, %dma_start3A_50, %dma_start3A_51] : memref<32x80x2x128xi32, #tpu.memory_space<hbm>> -> memref<1x1x2x128xi32, #tpu.memory_space<hbm>>
      %dma_start3A_53 = tpu.memref_squeeze %dma_start3A_52 : memref<1x1x2x128xi32, #tpu.memory_space<hbm>> -> memref<2x128xi32, #tpu.memory_space<hbm>>
      %dma_start3A_54 = arith.constant 0 : i32
      %dma_start3A_55 = arith.constant 0 : i32
      %dma_start3A_56 = tpu.memref_slice %arg3[%add3A, %run_scoped3A, %dma_start3A_54, %dma_start3A_55] : memref<32x80x2x128xi32, #tpu.memory_space<hbm>> -> memref<1x1x2x128xi32, #tpu.memory_space<hbm>>
      %dma_start3A_57 = tpu.memref_squeeze %dma_start3A_56 : memref<1x1x2x128xi32, #tpu.memory_space<hbm>> -> memref<2x128xi32, #tpu.memory_space<hbm>>
      tpu.enqueue_dma source(%dma_start3A_57 : memref<2x128xi32, #tpu.memory_space<hbm>>) target(%arg6 : memref<2x128xi32, #tpu.memory_space<vmem>>) target_semaphore(%run_scoped3A_49 : memref<!tpu.dma_semaphore, #tpu.memory_space<semaphore_mem>>)
      %dma_wait3A = arith.constant 0 : i32
      %dma_wait3A_58 = arith.constant 0 : i32
      %dma_wait3A_59 = tpu.memref_slice %arg3[%add3A, %run_scoped3A, %dma_wait3A, %dma_wait3A_58] : memref<32x80x2x128xi32, #tpu.memory_space<hbm>> -> memref<1x1x2x128xi32, #tpu.memory_space<hbm>>
      %dma_wait3A_60 = tpu.memref_squeeze %dma_wait3A_59 : memref<1x1x2x128xi32, #tpu.memory_space<hbm>> -> memref<2x128xi32, #tpu.memory_space<hbm>>
      %dma_wait3A_61 = arith.constant 0 : i32
      %dma_wait3A_62 = arith.constant 0 : i32
      %dma_wait3A_63 = tpu.memref_slice %arg3[%add3A, %run_scoped3A, %dma_wait3A_61, %dma_wait3A_62] : memref<32x80x2x128xi32, #tpu.memory_space<hbm>> -> memref<1x1x2x128xi32, #tpu.memory_space<hbm>>
      %dma_wait3A_64 = tpu.memref_squeeze %dma_wait3A_63 : memref<1x1x2x128xi32, #tpu.memory_space<hbm>> -> memref<2x128xi32, #tpu.memory_space<hbm>>
      tpu.wait_dma2 semaphore(%run_scoped3A_49 : memref<!tpu.dma_semaphore, #tpu.memory_space<semaphore_mem>>) src(%dma_wait3A_64 : memref<2x128xi32, #tpu.memory_space<hbm>>) dst(%arg6 : memref<2x128xi32, #tpu.memory_space<vmem>>)
      tpu.yield
    }) : () -> ()
    %dma_start3A = arith.constant 1 : i32
    %dma_start3A_19 = arith.constant 0 : i32
    %dma_start3A_20 = arith.constant 0 : i32
    %dma_start3A_21 = tpu.memref_slice %arg3[%add3A, %dma_start3A, %dma_start3A_19, %dma_start3A_20] : memref<32x80x2x128xi32, #tpu.memory_space<hbm>> -> memref<1x1x2x128xi32, #tpu.memory_space<hbm>>
    %dma_start3A_22 = tpu.memref_squeeze %dma_start3A_21 : memref<1x1x2x128xi32, #tpu.memory_space<hbm>> -> memref<2x128xi32, #tpu.memory_space<hbm>>
    %dma_start3A_23 = arith.constant 0 : i32
    %dma_start3A_24 = arith.constant 0 : i32
    %dma_start3A_25 = tpu.memref_slice %arg3[%add3A, %dma_start3A, %dma_start3A_23, %dma_start3A_24] : memref<32x80x2x128xi32, #tpu.memory_space<hbm>> -> memref<1x1x2x128xi32, #tpu.memory_space<hbm>>
    %dma_start3A_26 = tpu.memref_squeeze %dma_start3A_25 : memref<1x1x2x128xi32, #tpu.memory_space<hbm>> -> memref<2x128xi32, #tpu.memory_space<hbm>>
    tpu.enqueue_dma source(%dma_start3A_26 : memref<2x128xi32, #tpu.memory_space<hbm>>) target(%arg7 : memref<2x128xi32, #tpu.memory_space<vmem>>) target_semaphore(%arg13 : memref<!tpu.dma_semaphore, #tpu.memory_space<semaphore_mem>>)
    %dma_start3A_27 = arith.constant 2 : i32
    %dma_start3A_28 = arith.constant 0 : i32
    %dma_start3A_29 = arith.constant 0 : i32
    %dma_start3A_30 = tpu.memref_slice %arg3[%add3A, %dma_start3A_27, %dma_start3A_28, %dma_start3A_29] : memref<32x80x2x128xi32, #tpu.memory_space<hbm>> -> memref<1x1x2x128xi32, #tpu.memory_space<hbm>>
    %dma_start3A_31 = tpu.memref_squeeze %dma_start3A_30 : memref<1x1x2x128xi32, #tpu.memory_space<hbm>> -> memref<2x128xi32, #tpu.memory_space<hbm>>
    %dma_start3A_32 = arith.constant 0 : i32
    %dma_start3A_33 = arith.constant 0 : i32
    %dma_start3A_34 = tpu.memref_slice %arg3[%add3A, %dma_start3A_27, %dma_start3A_32, %dma_start3A_33] : memref<32x80x2x128xi32, #tpu.memory_space<hbm>> -> memref<1x1x2x128xi32, #tpu.memory_space<hbm>>
    %dma_start3A_35 = tpu.memref_squeeze %dma_start3A_34 : memref<1x1x2x128xi32, #tpu.memory_space<hbm>> -> memref<2x128xi32, #tpu.memory_space<hbm>>
    tpu.enqueue_dma source(%dma_start3A_35 : memref<2x128xi32, #tpu.memory_space<hbm>>) target(%arg8 : memref<2x128xi32, #tpu.memory_space<vmem>>) target_semaphore(%arg14 : memref<!tpu.dma_semaphore, #tpu.memory_space<semaphore_mem>>)
    %dma_start3A_36 = arith.constant 0 : i32
    %dma_start3A_37 = arith.constant 0 : i32
    %dma_start3A_38 = tpu.memref_slice %arg6[%dma_start3A_36, %dma_start3A_37] : memref<2x128xi32, #tpu.memory_space<vmem>> -> memref<1x128xi32, #tpu.memory_space<vmem>>
    %dma_start3A_39 = tpu.memref_squeeze %dma_start3A_38 : memref<1x128xi32, #tpu.memory_space<vmem>> -> memref<128xi32, #tpu.memory_space<vmem>>
    %dma_start3A_40 = arith.constant 0 : i32
    %dma_start3A_41 = arith.constant 0 : i32
    %dma_start3A_42 = tpu.memref_slice %arg2[%dma_start3A_40, %dma_start3A_41] : memref<10240x128xf32, #tpu.memory_space<hbm>> -> memref<10240x128xf32, #tpu.memory_space<hbm>>
    tpu.enqueue_indirect_dma source(%dma_start3A_42 : memref<10240x128xf32, #tpu.memory_space<hbm>>) target(%arg10 : memref<128x128xf32, #tpu.memory_space<vmem>>) offsets(%dma_start3A_39 : memref<128xi32, #tpu.memory_space<vmem>>) semaphore(%arg16 : memref<!tpu.dma_semaphore, #tpu.memory_space<semaphore_mem>>)
    %scan3A_43 = arith.constant 0 : i32
    %scan3A_44 = arith.constant 20 : i32
    %scan3A_45 = arith.addi %scan3A_43, %scan3A_44 : i32
    %scan3A_46 = arith.constant 1 : i32
    scf.for %scan3A_49 = %scan3A_43 to %scan3A_45 step %scan3A_46  : i32 {
      %mul3A_50 = arith.constant 4 : i32
      %mul3A_51 = arith.muli %scan3A_49, %mul3A_50 : i32
      %add3A_52 = arith.constant 0 : i32
      %add3A_53 = arith.addi %add3A_52, %mul3A_51 : i32
      %add3A_54 = arith.constant 0 : i32
      %add3A_55 = arith.addi %add3A_53, %add3A_54 : i32
      %add3A_56 = arith.constant 1 : i32
      %add3A_57 = arith.addi %add3A_55, %add3A_56 : i32
      %lt3A = arith.constant 80 : i32
      %lt3A_58 = arith.cmpi slt, %add3A_57, %lt3A : i32
      %convert_element_type3A = arith.extui %lt3A_58 : i1 to i32
      %cond3A = arith.constant 0 : i32
      %cond3A_59 = arith.cmpi ne, %convert_element_type3A, %cond3A : i32
      scf.if %cond3A_59 {
        %add3A_146 = arith.constant 1 : i32
        %add3A_147 = arith.addi %add3A_55, %add3A_146 : i32
        %dma_wait3A_148 = arith.constant 0 : i32
        %dma_wait3A_149 = arith.constant 0 : i32
        %dma_wait3A_150 = tpu.memref_slice %arg3[%add3A, %add3A_147, %dma_wait3A_148, %dma_wait3A_149] : memref<32x80x2x128xi32, #tpu.memory_space<hbm>> -> memref<1x1x2x128xi32, #tpu.memory_space<hbm>>
        %dma_wait3A_151 = tpu.memref_squeeze %dma_wait3A_150 : memref<1x1x2x128xi32, #tpu.memory_space<hbm>> -> memref<2x128xi32, #tpu.memory_space<hbm>>
        %dma_wait3A_152 = arith.constant 0 : i32
        %dma_wait3A_153 = arith.constant 0 : i32
        %dma_wait3A_154 = tpu.memref_slice %arg3[%add3A, %add3A_147, %dma_wait3A_152, %dma_wait3A_153] : memref<32x80x2x128xi32, #tpu.memory_space<hbm>> -> memref<1x1x2x128xi32, #tpu.memory_space<hbm>>
        %dma_wait3A_155 = tpu.memref_squeeze %dma_wait3A_154 : memref<1x1x2x128xi32, #tpu.memory_space<hbm>> -> memref<2x128xi32, #tpu.memory_space<hbm>>
        tpu.wait_dma2 semaphore(%arg13 : memref<!tpu.dma_semaphore, #tpu.memory_space<semaphore_mem>>) src(%dma_wait3A_155 : memref<2x128xi32, #tpu.memory_space<hbm>>) dst(%arg7 : memref<2x128xi32, #tpu.memory_space<vmem>>)
        %dma_start3A_156 = arith.constant 0 : i32
        %dma_start3A_157 = arith.constant 0 : i32
        %dma_start3A_158 = tpu.memref_slice %arg7[%dma_start3A_156, %dma_start3A_157] : memref<2x128xi32, #tpu.memory_space<vmem>> -> memref<1x128xi32, #tpu.memory_space<vmem>>
        %dma_start3A_159 = tpu.memref_squeeze %dma_start3A_158 : memref<1x128xi32, #tpu.memory_space<vmem>> -> memref<128xi32, #tpu.memory_space<vmem>>
        %dma_start3A_160 = arith.constant 0 : i32
        %dma_start3A_161 = arith.constant 0 : i32
        %dma_start3A_162 = tpu.memref_slice %arg2[%dma_start3A_160, %dma_start3A_161] : memref<10240x128xf32, #tpu.memory_space<hbm>> -> memref<10240x128xf32, #tpu.memory_space<hbm>>
        tpu.enqueue_indirect_dma source(%dma_start3A_162 : memref<10240x128xf32, #tpu.memory_space<hbm>>) target(%arg11 : memref<128x128xf32, #tpu.memory_space<vmem>>) offsets(%dma_start3A_159 : memref<128xi32, #tpu.memory_space<vmem>>) semaphore(%arg17 : memref<!tpu.dma_semaphore, #tpu.memory_space<semaphore_mem>>)
      } else {
      }
      %dma_wait3A = arith.constant 0 : i32
      %dma_wait3A_60 = arith.constant 0 : i32
      %dma_wait3A_61 = tpu.memref_slice %arg6[%dma_wait3A, %dma_wait3A_60] : memref<2x128xi32, #tpu.memory_space<vmem>> -> memref<1x128xi32, #tpu.memory_space<vmem>>
      %dma_wait3A_62 = tpu.memref_squeeze %dma_wait3A_61 : memref<1x128xi32, #tpu.memory_space<vmem>> -> memref<128xi32, #tpu.memory_space<vmem>>
      %dma_wait3A_63 = arith.constant 0 : i32
      %dma_wait3A_64 = arith.constant 0 : i32
      %dma_wait3A_65 = tpu.memref_slice %arg2[%dma_wait3A_63, %dma_wait3A_64] : memref<10240x128xf32, #tpu.memory_space<hbm>> -> memref<10240x128xf32, #tpu.memory_space<hbm>>
      tpu.wait_indirect_dma semaphore(%arg16 : memref<!tpu.dma_semaphore, #tpu.memory_space<semaphore_mem>>) src(%dma_wait3A_65 : memref<10240x128xf32, #tpu.memory_space<hbm>>) dst(%arg10 : memref<128x128xf32, #tpu.memory_space<vmem>>)
      %run_scoped3A_66 = arith.constant 1 : i32
      "tpu.region"() ({
        %run_scoped3A_146 = tpu.sem_alloc : memref<!tpu.dma_semaphore, #tpu.memory_space<semaphore_mem>>
        %dma_start3A_147 = arith.constant 0 : i32
        %dma_start3A_148 = tpu.memref_slice %arg6[%run_scoped3A_66, %dma_start3A_147] : memref<2x128xi32, #tpu.memory_space<vmem>> -> memref<1x128xi32, #tpu.memory_space<vmem>>
        %dma_start3A_149 = tpu.memref_squeeze %dma_start3A_148 : memref<1x128xi32, #tpu.memory_space<vmem>> -> memref<128xi32, #tpu.memory_space<vmem>>
        %dma_start3A_150 = arith.constant 0 : i32
        %dma_start3A_151 = arith.constant 0 : i32
        %dma_start3A_152 = tpu.memref_slice %arg5[%dma_start3A_150, %dma_start3A_151] : memref<10240x128xf32, #tpu.memory_space<vmem_shared>> -> memref<10240x128xf32, #tpu.memory_space<vmem_shared>>
        tpu.enqueue_indirect_dma source(%arg10 : memref<128x128xf32, #tpu.memory_space<vmem>>) target(%dma_start3A_152 : memref<10240x128xf32, #tpu.memory_space<vmem_shared>>) offsets(%dma_start3A_149 : memref<128xi32, #tpu.memory_space<vmem>>) semaphore(%run_scoped3A_146 : memref<!tpu.dma_semaphore, #tpu.memory_space<semaphore_mem>>) {add = true}
        %dma_wait3A_153 = arith.constant 0 : i32
        %dma_wait3A_154 = tpu.memref_slice %arg6[%run_scoped3A_66, %dma_wait3A_153] : memref<2x128xi32, #tpu.memory_space<vmem>> -> memref<1x128xi32, #tpu.memory_space<vmem>>
        %dma_wait3A_155 = tpu.memref_squeeze %dma_wait3A_154 : memref<1x128xi32, #tpu.memory_space<vmem>> -> memref<128xi32, #tpu.memory_space<vmem>>
        %dma_wait3A_156 = arith.constant 0 : i32
        %dma_wait3A_157 = arith.constant 0 : i32
        %dma_wait3A_158 = tpu.memref_slice %arg5[%dma_wait3A_156, %dma_wait3A_157] : memref<10240x128xf32, #tpu.memory_space<vmem_shared>> -> memref<10240x128xf32, #tpu.memory_space<vmem_shared>>
        tpu.wait_indirect_dma semaphore(%run_scoped3A_146 : memref<!tpu.dma_semaphore, #tpu.memory_space<semaphore_mem>>) src(%arg10 : memref<128x128xf32, #tpu.memory_space<vmem>>) dst(%dma_wait3A_158 : memref<10240x128xf32, #tpu.memory_space<vmem_shared>>)
        tpu.yield
      }) : () -> ()
      %add3A_67 = arith.constant 3 : i32
      %add3A_68 = arith.addi %add3A_55, %add3A_67 : i32
      %lt3A_69 = arith.constant 80 : i32
      %lt3A_70 = arith.cmpi slt, %add3A_68, %lt3A_69 : i32
      %convert_element_type3A_71 = arith.extui %lt3A_70 : i1 to i32
      %cond3A_72 = arith.constant 0 : i32
      %cond3A_73 = arith.cmpi ne, %convert_element_type3A_71, %cond3A_72 : i32
      scf.if %cond3A_73 {
        %add3A_146 = arith.constant 3 : i32
        %add3A_147 = arith.addi %add3A_55, %add3A_146 : i32
        %dma_start3A_148 = arith.constant 0 : i32
        %dma_start3A_149 = arith.constant 0 : i32
        %dma_start3A_150 = tpu.memref_slice %arg3[%add3A, %add3A_147, %dma_start3A_148, %dma_start3A_149] : memref<32x80x2x128xi32, #tpu.memory_space<hbm>> -> memref<1x1x2x128xi32, #tpu.memory_space<hbm>>
        %dma_start3A_151 = tpu.memref_squeeze %dma_start3A_150 : memref<1x1x2x128xi32, #tpu.memory_space<hbm>> -> memref<2x128xi32, #tpu.memory_space<hbm>>
        %dma_start3A_152 = arith.constant 0 : i32
        %dma_start3A_153 = arith.constant 0 : i32
        %dma_start3A_154 = tpu.memref_slice %arg3[%add3A, %add3A_147, %dma_start3A_152, %dma_start3A_153] : memref<32x80x2x128xi32, #tpu.memory_space<hbm>> -> memref<1x1x2x128xi32, #tpu.memory_space<hbm>>
        %dma_start3A_155 = tpu.memref_squeeze %dma_start3A_154 : memref<1x1x2x128xi32, #tpu.memory_space<hbm>> -> memref<2x128xi32, #tpu.memory_space<hbm>>
        tpu.enqueue_dma source(%dma_start3A_155 : memref<2x128xi32, #tpu.memory_space<hbm>>) target(%arg9 : memref<2x128xi32, #tpu.memory_space<vmem>>) target_semaphore(%arg15 : memref<!tpu.dma_semaphore, #tpu.memory_space<semaphore_mem>>)
      } else {
      }
      %add3A_74 = arith.constant 1 : i32
      %add3A_75 = arith.addi %add3A_53, %add3A_74 : i32
      %add3A_76 = arith.constant 1 : i32
      %add3A_77 = arith.addi %add3A_75, %add3A_76 : i32
      %lt3A_78 = arith.constant 80 : i32
      %lt3A_79 = arith.cmpi slt, %add3A_77, %lt3A_78 : i32
      %convert_element_type3A_80 = arith.extui %lt3A_79 : i1 to i32
      %cond3A_81 = arith.constant 0 : i32
      %cond3A_82 = arith.cmpi ne, %convert_element_type3A_80, %cond3A_81 : i32
      scf.if %cond3A_82 {
        %add3A_146 = arith.constant 1 : i32
        %add3A_147 = arith.addi %add3A_75, %add3A_146 : i32
        %dma_wait3A_148 = arith.constant 0 : i32
        %dma_wait3A_149 = arith.constant 0 : i32
        %dma_wait3A_150 = tpu.memref_slice %arg3[%add3A, %add3A_147, %dma_wait3A_148, %dma_wait3A_149] : memref<32x80x2x128xi32, #tpu.memory_space<hbm>> -> memref<1x1x2x128xi32, #tpu.memory_space<hbm>>
        %dma_wait3A_151 = tpu.memref_squeeze %dma_wait3A_150 : memref<1x1x2x128xi32, #tpu.memory_space<hbm>> -> memref<2x128xi32, #tpu.memory_space<hbm>>
        %dma_wait3A_152 = arith.constant 0 : i32
        %dma_wait3A_153 = arith.constant 0 : i32
        %dma_wait3A_154 = tpu.memref_slice %arg3[%add3A, %add3A_147, %dma_wait3A_152, %dma_wait3A_153] : memref<32x80x2x128xi32, #tpu.memory_space<hbm>> -> memref<1x1x2x128xi32, #tpu.memory_space<hbm>>
        %dma_wait3A_155 = tpu.memref_squeeze %dma_wait3A_154 : memref<1x1x2x128xi32, #tpu.memory_space<hbm>> -> memref<2x128xi32, #tpu.memory_space<hbm>>
        tpu.wait_dma2 semaphore(%arg14 : memref<!tpu.dma_semaphore, #tpu.memory_space<semaphore_mem>>) src(%dma_wait3A_155 : memref<2x128xi32, #tpu.memory_space<hbm>>) dst(%arg8 : memref<2x128xi32, #tpu.memory_space<vmem>>)
        %dma_start3A_156 = arith.constant 0 : i32
        %dma_start3A_157 = arith.constant 0 : i32
        %dma_start3A_158 = tpu.memref_slice %arg8[%dma_start3A_156, %dma_start3A_157] : memref<2x128xi32, #tpu.memory_space<vmem>> -> memref<1x128xi32, #tpu.memory_space<vmem>>
        %dma_start3A_159 = tpu.memref_squeeze %dma_start3A_158 : memref<1x128xi32, #tpu.memory_space<vmem>> -> memref<128xi32, #tpu.memory_space<vmem>>
        %dma_start3A_160 = arith.constant 0 : i32
        %dma_start3A_161 = arith.constant 0 : i32
        %dma_start3A_162 = tpu.memref_slice %arg2[%dma_start3A_160, %dma_start3A_161] : memref<10240x128xf32, #tpu.memory_space<hbm>> -> memref<10240x128xf32, #tpu.memory_space<hbm>>
        tpu.enqueue_indirect_dma source(%dma_start3A_162 : memref<10240x128xf32, #tpu.memory_space<hbm>>) target(%arg10 : memref<128x128xf32, #tpu.memory_space<vmem>>) offsets(%dma_start3A_159 : memref<128xi32, #tpu.memory_space<vmem>>) semaphore(%arg16 : memref<!tpu.dma_semaphore, #tpu.memory_space<semaphore_mem>>)
      } else {
      }
      %dma_wait3A_83 = arith.constant 0 : i32
      %dma_wait3A_84 = arith.constant 0 : i32
      %dma_wait3A_85 = tpu.memref_slice %arg7[%dma_wait3A_83, %dma_wait3A_84] : memref<2x128xi32, #tpu.memory_space<vmem>> -> memref<1x128xi32, #tpu.memory_space<vmem>>
      %dma_wait3A_86 = tpu.memref_squeeze %dma_wait3A_85 : memref<1x128xi32, #tpu.memory_space<vmem>> -> memref<128xi32, #tpu.memory_space<vmem>>
      %dma_wait3A_87 = arith.constant 0 : i32
      %dma_wait3A_88 = arith.constant 0 : i32
      %dma_wait3A_89 = tpu.memref_slice %arg2[%dma_wait3A_87, %dma_wait3A_88] : memref<10240x128xf32, #tpu.memory_space<hbm>> -> memref<10240x128xf32, #tpu.memory_space<hbm>>
      tpu.wait_indirect_dma semaphore(%arg17 : memref<!tpu.dma_semaphore, #tpu.memory_space<semaphore_mem>>) src(%dma_wait3A_89 : memref<10240x128xf32, #tpu.memory_space<hbm>>) dst(%arg11 : memref<128x128xf32, #tpu.memory_space<vmem>>)
      %run_scoped3A_90 = arith.constant 1 : i32
      "tpu.region"() ({
        %run_scoped3A_146 = tpu.sem_alloc : memref<!tpu.dma_semaphore, #tpu.memory_space<semaphore_mem>>
        %dma_start3A_147 = arith.constant 0 : i32
        %dma_start3A_148 = tpu.memref_slice %arg7[%run_scoped3A_90, %dma_start3A_147] : memref<2x128xi32, #tpu.memory_space<vmem>> -> memref<1x128xi32, #tpu.memory_space<vmem>>
        %dma_start3A_149 = tpu.memref_squeeze %dma_start3A_148 : memref<1x128xi32, #tpu.memory_space<vmem>> -> memref<128xi32, #tpu.memory_space<vmem>>
        %dma_start3A_150 = arith.constant 0 : i32
        %dma_start3A_151 = arith.constant 0 : i32
        %dma_start3A_152 = tpu.memref_slice %arg5[%dma_start3A_150, %dma_start3A_151] : memref<10240x128xf32, #tpu.memory_space<vmem_shared>> -> memref<10240x128xf32, #tpu.memory_space<vmem_shared>>
        tpu.enqueue_indirect_dma source(%arg11 : memref<128x128xf32, #tpu.memory_space<vmem>>) target(%dma_start3A_152 : memref<10240x128xf32, #tpu.memory_space<vmem_shared>>) offsets(%dma_start3A_149 : memref<128xi32, #tpu.memory_space<vmem>>) semaphore(%run_scoped3A_146 : memref<!tpu.dma_semaphore, #tpu.memory_space<semaphore_mem>>) {add = true}
        %dma_wait3A_153 = arith.constant 0 : i32
        %dma_wait3A_154 = tpu.memref_slice %arg7[%run_scoped3A_90, %dma_wait3A_153] : memref<2x128xi32, #tpu.memory_space<vmem>> -> memref<1x128xi32, #tpu.memory_space<vmem>>
        %dma_wait3A_155 = tpu.memref_squeeze %dma_wait3A_154 : memref<1x128xi32, #tpu.memory_space<vmem>> -> memref<128xi32, #tpu.memory_space<vmem>>
        %dma_wait3A_156 = arith.constant 0 : i32
        %dma_wait3A_157 = arith.constant 0 : i32
        %dma_wait3A_158 = tpu.memref_slice %arg5[%dma_wait3A_156, %dma_wait3A_157] : memref<10240x128xf32, #tpu.memory_space<vmem_shared>> -> memref<10240x128xf32, #tpu.memory_space<vmem_shared>>
        tpu.wait_indirect_dma semaphore(%run_scoped3A_146 : memref<!tpu.dma_semaphore, #tpu.memory_space<semaphore_mem>>) src(%arg11 : memref<128x128xf32, #tpu.memory_space<vmem>>) dst(%dma_wait3A_158 : memref<10240x128xf32, #tpu.memory_space<vmem_shared>>)
        tpu.yield
      }) : () -> ()
      %add3A_91 = arith.constant 3 : i32
      %add3A_92 = arith.addi %add3A_75, %add3A_91 : i32
      %lt3A_93 = arith.constant 80 : i32
      %lt3A_94 = arith.cmpi slt, %add3A_92, %lt3A_93 : i32
      %convert_element_type3A_95 = arith.extui %lt3A_94 : i1 to i32
      %cond3A_96 = arith.constant 0 : i32
      %cond3A_97 = arith.cmpi ne, %convert_element_type3A_95, %cond3A_96 : i32
      scf.if %cond3A_97 {
        %add3A_146 = arith.constant 3 : i32
        %add3A_147 = arith.addi %add3A_75, %add3A_146 : i32
        %dma_start3A_148 = arith.constant 0 : i32
        %dma_start3A_149 = arith.constant 0 : i32
        %dma_start3A_150 = tpu.memref_slice %arg3[%add3A, %add3A_147, %dma_start3A_148, %dma_start3A_149] : memref<32x80x2x128xi32, #tpu.memory_space<hbm>> -> memref<1x1x2x128xi32, #tpu.memory_space<hbm>>
        %dma_start3A_151 = tpu.memref_squeeze %dma_start3A_150 : memref<1x1x2x128xi32, #tpu.memory_space<hbm>> -> memref<2x128xi32, #tpu.memory_space<hbm>>
        %dma_start3A_152 = arith.constant 0 : i32
        %dma_start3A_153 = arith.constant 0 : i32
        %dma_start3A_154 = tpu.memref_slice %arg3[%add3A, %add3A_147, %dma_start3A_152, %dma_start3A_153] : memref<32x80x2x128xi32, #tpu.memory_space<hbm>> -> memref<1x1x2x128xi32, #tpu.memory_space<hbm>>
        %dma_start3A_155 = tpu.memref_squeeze %dma_start3A_154 : memref<1x1x2x128xi32, #tpu.memory_space<hbm>> -> memref<2x128xi32, #tpu.memory_space<hbm>>
        tpu.enqueue_dma source(%dma_start3A_155 : memref<2x128xi32, #tpu.memory_space<hbm>>) target(%arg6 : memref<2x128xi32, #tpu.memory_space<vmem>>) target_semaphore(%arg12 : memref<!tpu.dma_semaphore, #tpu.memory_space<semaphore_mem>>)
      } else {
      }
      %add3A_98 = arith.constant 2 : i32
      %add3A_99 = arith.addi %add3A_53, %add3A_98 : i32
      %add3A_100 = arith.constant 1 : i32
      %add3A_101 = arith.addi %add3A_99, %add3A_100 : i32
      %lt3A_102 = arith.constant 80 : i32
      %lt3A_103 = arith.cmpi slt, %add3A_101, %lt3A_102 : i32
      %convert_element_type3A_104 = arith.extui %lt3A_103 : i1 to i32
      %cond3A_105 = arith.constant 0 : i32
      %cond3A_106 = arith.cmpi ne, %convert_element_type3A_104, %cond3A_105 : i32
      scf.if %cond3A_106 {
        %add3A_146 = arith.constant 1 : i32
        %add3A_147 = arith.addi %add3A_99, %add3A_146 : i32
        %dma_wait3A_148 = arith.constant 0 : i32
        %dma_wait3A_149 = arith.constant 0 : i32
        %dma_wait3A_150 = tpu.memref_slice %arg3[%add3A, %add3A_147, %dma_wait3A_148, %dma_wait3A_149] : memref<32x80x2x128xi32, #tpu.memory_space<hbm>> -> memref<1x1x2x128xi32, #tpu.memory_space<hbm>>
        %dma_wait3A_151 = tpu.memref_squeeze %dma_wait3A_150 : memref<1x1x2x128xi32, #tpu.memory_space<hbm>> -> memref<2x128xi32, #tpu.memory_space<hbm>>
        %dma_wait3A_152 = arith.constant 0 : i32
        %dma_wait3A_153 = arith.constant 0 : i32
        %dma_wait3A_154 = tpu.memref_slice %arg3[%add3A, %add3A_147, %dma_wait3A_152, %dma_wait3A_153] : memref<32x80x2x128xi32, #tpu.memory_space<hbm>> -> memref<1x1x2x128xi32, #tpu.memory_space<hbm>>
        %dma_wait3A_155 = tpu.memref_squeeze %dma_wait3A_154 : memref<1x1x2x128xi32, #tpu.memory_space<hbm>> -> memref<2x128xi32, #tpu.memory_space<hbm>>
        tpu.wait_dma2 semaphore(%arg15 : memref<!tpu.dma_semaphore, #tpu.memory_space<semaphore_mem>>) src(%dma_wait3A_155 : memref<2x128xi32, #tpu.memory_space<hbm>>) dst(%arg9 : memref<2x128xi32, #tpu.memory_space<vmem>>)
        %dma_start3A_156 = arith.constant 0 : i32
        %dma_start3A_157 = arith.constant 0 : i32
        %dma_start3A_158 = tpu.memref_slice %arg9[%dma_start3A_156, %dma_start3A_157] : memref<2x128xi32, #tpu.memory_space<vmem>> -> memref<1x128xi32, #tpu.memory_space<vmem>>
        %dma_start3A_159 = tpu.memref_squeeze %dma_start3A_158 : memref<1x128xi32, #tpu.memory_space<vmem>> -> memref<128xi32, #tpu.memory_space<vmem>>
        %dma_start3A_160 = arith.constant 0 : i32
        %dma_start3A_161 = arith.constant 0 : i32
        %dma_start3A_162 = tpu.memref_slice %arg2[%dma_start3A_160, %dma_start3A_161] : memref<10240x128xf32, #tpu.memory_space<hbm>> -> memref<10240x128xf32, #tpu.memory_space<hbm>>
        tpu.enqueue_indirect_dma source(%dma_start3A_162 : memref<10240x128xf32, #tpu.memory_space<hbm>>) target(%arg11 : memref<128x128xf32, #tpu.memory_space<vmem>>) offsets(%dma_start3A_159 : memref<128xi32, #tpu.memory_space<vmem>>) semaphore(%arg17 : memref<!tpu.dma_semaphore, #tpu.memory_space<semaphore_mem>>)
      } else {
      }
      %dma_wait3A_107 = arith.constant 0 : i32
      %dma_wait3A_108 = arith.constant 0 : i32
      %dma_wait3A_109 = tpu.memref_slice %arg8[%dma_wait3A_107, %dma_wait3A_108] : memref<2x128xi32, #tpu.memory_space<vmem>> -> memref<1x128xi32, #tpu.memory_space<vmem>>
      %dma_wait3A_110 = tpu.memref_squeeze %dma_wait3A_109 : memref<1x128xi32, #tpu.memory_space<vmem>> -> memref<128xi32, #tpu.memory_space<vmem>>
      %dma_wait3A_111 = arith.constant 0 : i32
      %dma_wait3A_112 = arith.constant 0 : i32
      %dma_wait3A_113 = tpu.memref_slice %arg2[%dma_wait3A_111, %dma_wait3A_112] : memref<10240x128xf32, #tpu.memory_space<hbm>> -> memref<10240x128xf32, #tpu.memory_space<hbm>>
      tpu.wait_indirect_dma semaphore(%arg16 : memref<!tpu.dma_semaphore, #tpu.memory_space<semaphore_mem>>) src(%dma_wait3A_113 : memref<10240x128xf32, #tpu.memory_space<hbm>>) dst(%arg10 : memref<128x128xf32, #tpu.memory_space<vmem>>)
      %run_scoped3A_114 = arith.constant 1 : i32
      "tpu.region"() ({
        %run_scoped3A_146 = tpu.sem_alloc : memref<!tpu.dma_semaphore, #tpu.memory_space<semaphore_mem>>
        %dma_start3A_147 = arith.constant 0 : i32
        %dma_start3A_148 = tpu.memref_slice %arg8[%run_scoped3A_114, %dma_start3A_147] : memref<2x128xi32, #tpu.memory_space<vmem>> -> memref<1x128xi32, #tpu.memory_space<vmem>>
        %dma_start3A_149 = tpu.memref_squeeze %dma_start3A_148 : memref<1x128xi32, #tpu.memory_space<vmem>> -> memref<128xi32, #tpu.memory_space<vmem>>
        %dma_start3A_150 = arith.constant 0 : i32
        %dma_start3A_151 = arith.constant 0 : i32
        %dma_start3A_152 = tpu.memref_slice %arg5[%dma_start3A_150, %dma_start3A_151] : memref<10240x128xf32, #tpu.memory_space<vmem_shared>> -> memref<10240x128xf32, #tpu.memory_space<vmem_shared>>
        tpu.enqueue_indirect_dma source(%arg10 : memref<128x128xf32, #tpu.memory_space<vmem>>) target(%dma_start3A_152 : memref<10240x128xf32, #tpu.memory_space<vmem_shared>>) offsets(%dma_start3A_149 : memref<128xi32, #tpu.memory_space<vmem>>) semaphore(%run_scoped3A_146 : memref<!tpu.dma_semaphore, #tpu.memory_space<semaphore_mem>>) {add = true}
        %dma_wait3A_153 = arith.constant 0 : i32
        %dma_wait3A_154 = tpu.memref_slice %arg8[%run_scoped3A_114, %dma_wait3A_153] : memref<2x128xi32, #tpu.memory_space<vmem>> -> memref<1x128xi32, #tpu.memory_space<vmem>>
        %dma_wait3A_155 = tpu.memref_squeeze %dma_wait3A_154 : memref<1x128xi32, #tpu.memory_space<vmem>> -> memref<128xi32, #tpu.memory_space<vmem>>
        %dma_wait3A_156 = arith.constant 0 : i32
        %dma_wait3A_157 = arith.constant 0 : i32
        %dma_wait3A_158 = tpu.memref_slice %arg5[%dma_wait3A_156, %dma_wait3A_157] : memref<10240x128xf32, #tpu.memory_space<vmem_shared>> -> memref<10240x128xf32, #tpu.memory_space<vmem_shared>>
        tpu.wait_indirect_dma semaphore(%run_scoped3A_146 : memref<!tpu.dma_semaphore, #tpu.memory_space<semaphore_mem>>) src(%arg10 : memref<128x128xf32, #tpu.memory_space<vmem>>) dst(%dma_wait3A_158 : memref<10240x128xf32, #tpu.memory_space<vmem_shared>>)
        tpu.yield
      }) : () -> ()
      %add3A_115 = arith.constant 3 : i32
      %add3A_116 = arith.addi %add3A_99, %add3A_115 : i32
      %lt3A_117 = arith.constant 80 : i32
      %lt3A_118 = arith.cmpi slt, %add3A_116, %lt3A_117 : i32
      %convert_element_type3A_119 = arith.extui %lt3A_118 : i1 to i32
      %cond3A_120 = arith.constant 0 : i32
      %cond3A_121 = arith.cmpi ne, %convert_element_type3A_119, %cond3A_120 : i32
      scf.if %cond3A_121 {
        %add3A_146 = arith.constant 3 : i32
        %add3A_147 = arith.addi %add3A_99, %add3A_146 : i32
        %dma_start3A_148 = arith.constant 0 : i32
        %dma_start3A_149 = arith.constant 0 : i32
        %dma_start3A_150 = tpu.memref_slice %arg3[%add3A, %add3A_147, %dma_start3A_148, %dma_start3A_149] : memref<32x80x2x128xi32, #tpu.memory_space<hbm>> -> memref<1x1x2x128xi32, #tpu.memory_space<hbm>>
        %dma_start3A_151 = tpu.memref_squeeze %dma_start3A_150 : memref<1x1x2x128xi32, #tpu.memory_space<hbm>> -> memref<2x128xi32, #tpu.memory_space<hbm>>
        %dma_start3A_152 = arith.constant 0 : i32
        %dma_start3A_153 = arith.constant 0 : i32
        %dma_start3A_154 = tpu.memref_slice %arg3[%add3A, %add3A_147, %dma_start3A_152, %dma_start3A_153] : memref<32x80x2x128xi32, #tpu.memory_space<hbm>> -> memref<1x1x2x128xi32, #tpu.memory_space<hbm>>
        %dma_start3A_155 = tpu.memref_squeeze %dma_start3A_154 : memref<1x1x2x128xi32, #tpu.memory_space<hbm>> -> memref<2x128xi32, #tpu.memory_space<hbm>>
        tpu.enqueue_dma source(%dma_start3A_155 : memref<2x128xi32, #tpu.memory_space<hbm>>) target(%arg7 : memref<2x128xi32, #tpu.memory_space<vmem>>) target_semaphore(%arg13 : memref<!tpu.dma_semaphore, #tpu.memory_space<semaphore_mem>>)
      } else {
      }
      %add3A_122 = arith.constant 3 : i32
      %add3A_123 = arith.addi %add3A_53, %add3A_122 : i32
      %add3A_124 = arith.constant 1 : i32
      %add3A_125 = arith.addi %add3A_123, %add3A_124 : i32
      %lt3A_126 = arith.constant 80 : i32
      %lt3A_127 = arith.cmpi slt, %add3A_125, %lt3A_126 : i32
      %convert_element_type3A_128 = arith.extui %lt3A_127 : i1 to i32
      %cond3A_129 = arith.constant 0 : i32
      %cond3A_130 = arith.cmpi ne, %convert_element_type3A_128, %cond3A_129 : i32
      scf.if %cond3A_130 {
        %add3A_146 = arith.constant 1 : i32
        %add3A_147 = arith.addi %add3A_123, %add3A_146 : i32
        %dma_wait3A_148 = arith.constant 0 : i32
        %dma_wait3A_149 = arith.constant 0 : i32
        %dma_wait3A_150 = tpu.memref_slice %arg3[%add3A, %add3A_147, %dma_wait3A_148, %dma_wait3A_149] : memref<32x80x2x128xi32, #tpu.memory_space<hbm>> -> memref<1x1x2x128xi32, #tpu.memory_space<hbm>>
        %dma_wait3A_151 = tpu.memref_squeeze %dma_wait3A_150 : memref<1x1x2x128xi32, #tpu.memory_space<hbm>> -> memref<2x128xi32, #tpu.memory_space<hbm>>
        %dma_wait3A_152 = arith.constant 0 : i32
        %dma_wait3A_153 = arith.constant 0 : i32
        %dma_wait3A_154 = tpu.memref_slice %arg3[%add3A, %add3A_147, %dma_wait3A_152, %dma_wait3A_153] : memref<32x80x2x128xi32, #tpu.memory_space<hbm>> -> memref<1x1x2x128xi32, #tpu.memory_space<hbm>>
        %dma_wait3A_155 = tpu.memref_squeeze %dma_wait3A_154 : memref<1x1x2x128xi32, #tpu.memory_space<hbm>> -> memref<2x128xi32, #tpu.memory_space<hbm>>
        tpu.wait_dma2 semaphore(%arg12 : memref<!tpu.dma_semaphore, #tpu.memory_space<semaphore_mem>>) src(%dma_wait3A_155 : memref<2x128xi32, #tpu.memory_space<hbm>>) dst(%arg6 : memref<2x128xi32, #tpu.memory_space<vmem>>)
        %dma_start3A_156 = arith.constant 0 : i32
        %dma_start3A_157 = arith.constant 0 : i32
        %dma_start3A_158 = tpu.memref_slice %arg6[%dma_start3A_156, %dma_start3A_157] : memref<2x128xi32, #tpu.memory_space<vmem>> -> memref<1x128xi32, #tpu.memory_space<vmem>>
        %dma_start3A_159 = tpu.memref_squeeze %dma_start3A_158 : memref<1x128xi32, #tpu.memory_space<vmem>> -> memref<128xi32, #tpu.memory_space<vmem>>
        %dma_start3A_160 = arith.constant 0 : i32
        %dma_start3A_161 = arith.constant 0 : i32
        %dma_start3A_162 = tpu.memref_slice %arg2[%dma_start3A_160, %dma_start3A_161] : memref<10240x128xf32, #tpu.memory_space<hbm>> -> memref<10240x128xf32, #tpu.memory_space<hbm>>
        tpu.enqueue_indirect_dma source(%dma_start3A_162 : memref<10240x128xf32, #tpu.memory_space<hbm>>) target(%arg10 : memref<128x128xf32, #tpu.memory_space<vmem>>) offsets(%dma_start3A_159 : memref<128xi32, #tpu.memory_space<vmem>>) semaphore(%arg16 : memref<!tpu.dma_semaphore, #tpu.memory_space<semaphore_mem>>)
      } else {
      }
      %dma_wait3A_131 = arith.constant 0 : i32
      %dma_wait3A_132 = arith.constant 0 : i32
      %dma_wait3A_133 = tpu.memref_slice %arg9[%dma_wait3A_131, %dma_wait3A_132] : memref<2x128xi32, #tpu.memory_space<vmem>> -> memref<1x128xi32, #tpu.memory_space<vmem>>
      %dma_wait3A_134 = tpu.memref_squeeze %dma_wait3A_133 : memref<1x128xi32, #tpu.memory_space<vmem>> -> memref<128xi32, #tpu.memory_space<vmem>>
      %dma_wait3A_135 = arith.constant 0 : i32
      %dma_wait3A_136 = arith.constant 0 : i32
      %dma_wait3A_137 = tpu.memref_slice %arg2[%dma_wait3A_135, %dma_wait3A_136] : memref<10240x128xf32, #tpu.memory_space<hbm>> -> memref<10240x128xf32, #tpu.memory_space<hbm>>
      tpu.wait_indirect_dma semaphore(%arg17 : memref<!tpu.dma_semaphore, #tpu.memory_space<semaphore_mem>>) src(%dma_wait3A_137 : memref<10240x128xf32, #tpu.memory_space<hbm>>) dst(%arg11 : memref<128x128xf32, #tpu.memory_space<vmem>>)
      %run_scoped3A_138 = arith.constant 1 : i32
      "tpu.region"() ({
        %run_scoped3A_146 = tpu.sem_alloc : memref<!tpu.dma_semaphore, #tpu.memory_space<semaphore_mem>>
        %dma_start3A_147 = arith.constant 0 : i32
        %dma_start3A_148 = tpu.memref_slice %arg9[%run_scoped3A_138, %dma_start3A_147] : memref<2x128xi32, #tpu.memory_space<vmem>> -> memref<1x128xi32, #tpu.memory_space<vmem>>
        %dma_start3A_149 = tpu.memref_squeeze %dma_start3A_148 : memref<1x128xi32, #tpu.memory_space<vmem>> -> memref<128xi32, #tpu.memory_space<vmem>>
        %dma_start3A_150 = arith.constant 0 : i32
        %dma_start3A_151 = arith.constant 0 : i32
        %dma_start3A_152 = tpu.memref_slice %arg5[%dma_start3A_150, %dma_start3A_151] : memref<10240x128xf32, #tpu.memory_space<vmem_shared>> -> memref<10240x128xf32, #tpu.memory_space<vmem_shared>>
        tpu.enqueue_indirect_dma source(%arg11 : memref<128x128xf32, #tpu.memory_space<vmem>>) target(%dma_start3A_152 : memref<10240x128xf32, #tpu.memory_space<vmem_shared>>) offsets(%dma_start3A_149 : memref<128xi32, #tpu.memory_space<vmem>>) semaphore(%run_scoped3A_146 : memref<!tpu.dma_semaphore, #tpu.memory_space<semaphore_mem>>) {add = true}
        %dma_wait3A_153 = arith.constant 0 : i32
        %dma_wait3A_154 = tpu.memref_slice %arg9[%run_scoped3A_138, %dma_wait3A_153] : memref<2x128xi32, #tpu.memory_space<vmem>> -> memref<1x128xi32, #tpu.memory_space<vmem>>
        %dma_wait3A_155 = tpu.memref_squeeze %dma_wait3A_154 : memref<1x128xi32, #tpu.memory_space<vmem>> -> memref<128xi32, #tpu.memory_space<vmem>>
        %dma_wait3A_156 = arith.constant 0 : i32
        %dma_wait3A_157 = arith.constant 0 : i32
        %dma_wait3A_158 = tpu.memref_slice %arg5[%dma_wait3A_156, %dma_wait3A_157] : memref<10240x128xf32, #tpu.memory_space<vmem_shared>> -> memref<10240x128xf32, #tpu.memory_space<vmem_shared>>
        tpu.wait_indirect_dma semaphore(%run_scoped3A_146 : memref<!tpu.dma_semaphore, #tpu.memory_space<semaphore_mem>>) src(%arg11 : memref<128x128xf32, #tpu.memory_space<vmem>>) dst(%dma_wait3A_158 : memref<10240x128xf32, #tpu.memory_space<vmem_shared>>)
        tpu.yield
      }) : () -> ()
      %add3A_139 = arith.constant 3 : i32
      %add3A_140 = arith.addi %add3A_123, %add3A_139 : i32
      %lt3A_141 = arith.constant 80 : i32
      %lt3A_142 = arith.cmpi slt, %add3A_140, %lt3A_141 : i32
      %convert_element_type3A_143 = arith.extui %lt3A_142 : i1 to i32
      %cond3A_144 = arith.constant 0 : i32
      %cond3A_145 = arith.cmpi ne, %convert_element_type3A_143, %cond3A_144 : i32
      scf.if %cond3A_145 {
        %add3A_146 = arith.constant 3 : i32
        %add3A_147 = arith.addi %add3A_123, %add3A_146 : i32
        %dma_start3A_148 = arith.constant 0 : i32
        %dma_start3A_149 = arith.constant 0 : i32
        %dma_start3A_150 = tpu.memref_slice %arg3[%add3A, %add3A_147, %dma_start3A_148, %dma_start3A_149] : memref<32x80x2x128xi32, #tpu.memory_space<hbm>> -> memref<1x1x2x128xi32, #tpu.memory_space<hbm>>
        %dma_start3A_151 = tpu.memref_squeeze %dma_start3A_150 : memref<1x1x2x128xi32, #tpu.memory_space<hbm>> -> memref<2x128xi32, #tpu.memory_space<hbm>>
        %dma_start3A_152 = arith.constant 0 : i32
        %dma_start3A_153 = arith.constant 0 : i32
        %dma_start3A_154 = tpu.memref_slice %arg3[%add3A, %add3A_147, %dma_start3A_152, %dma_start3A_153] : memref<32x80x2x128xi32, #tpu.memory_space<hbm>> -> memref<1x1x2x128xi32, #tpu.memory_space<hbm>>
        %dma_start3A_155 = tpu.memref_squeeze %dma_start3A_154 : memref<1x1x2x128xi32, #tpu.memory_space<hbm>> -> memref<2x128xi32, #tpu.memory_space<hbm>>
        tpu.enqueue_dma source(%dma_start3A_155 : memref<2x128xi32, #tpu.memory_space<hbm>>) target(%arg8 : memref<2x128xi32, #tpu.memory_space<vmem>>) target_semaphore(%arg14 : memref<!tpu.dma_semaphore, #tpu.memory_space<semaphore_mem>>)
      } else {
      }
    }
    %scan3A_47 = arith.constant 20 : i32
    %barrier3A_48 = arith.constant 0 : index
    tpu.barrier barrier_id(%barrier3A_48)
    "tpu.region"() ({
      %run_scoped3A_49 = tpu.sem_alloc : memref<!tpu.dma_semaphore, #tpu.memory_space<semaphore_mem>>
      %dma_start3A_50 = arith.constant 0 : i32
      %dma_start3A_51 = tpu.memref_slice %arg4[%arg0, %mul3A_8, %dma_start3A_50] : memref<2x10240x128xf32, #tpu.memory_space<hbm>> -> memref<1x640x128xf32, #tpu.memory_space<hbm>>
      %dma_start3A_52 = tpu.memref_squeeze %dma_start3A_51 : memref<1x640x128xf32, #tpu.memory_space<hbm>> -> memref<640x128xf32, #tpu.memory_space<hbm>>
      %dma_start3A_53 = arith.constant 0 : i32
      %dma_start3A_54 = tpu.memref_slice %arg5[%mul3A_8, %dma_start3A_53] : memref<10240x128xf32, #tpu.memory_space<vmem_shared>> -> memref<640x128xf32, #tpu.memory_space<vmem_shared>>
      tpu.enqueue_dma source(%dma_start3A_54 : memref<640x128xf32, #tpu.memory_space<vmem_shared>>) target(%dma_start3A_52 : memref<640x128xf32, #tpu.memory_space<hbm>>) target_semaphore(%run_scoped3A_49 : memref<!tpu.dma_semaphore, #tpu.memory_space<semaphore_mem>>)
      %dma_wait3A = arith.constant 0 : i32
      %dma_wait3A_55 = tpu.memref_slice %arg4[%arg0, %mul3A_8, %dma_wait3A] : memref<2x10240x128xf32, #tpu.memory_space<hbm>> -> memref<1x640x128xf32, #tpu.memory_space<hbm>>
      %dma_wait3A_56 = tpu.memref_squeeze %dma_wait3A_55 : memref<1x640x128xf32, #tpu.memory_space<hbm>> -> memref<640x128xf32, #tpu.memory_space<hbm>>
      %dma_wait3A_57 = arith.constant 0 : i32
      %dma_wait3A_58 = tpu.memref_slice %arg5[%mul3A_8, %dma_wait3A_57] : memref<10240x128xf32, #tpu.memory_space<vmem_shared>> -> memref<640x128xf32, #tpu.memory_space<vmem_shared>>
      tpu.wait_dma2 semaphore(%run_scoped3A_49 : memref<!tpu.dma_semaphore, #tpu.memory_space<semaphore_mem>>) src(%dma_wait3A_58 : memref<640x128xf32, #tpu.memory_space<vmem_shared>>) dst(%dma_wait3A_56 : memref<640x128xf32, #tpu.memory_space<hbm>>)
      tpu.yield
    }) : () -> ()
    return
  }
}

module attributes {stable_mosaic.version = 14 : i64} {
  func.func @_h1_body(%arg0: i32, %arg1: memref<2048x128xf32, #tpu.memory_space<vmem>>, %arg2: memref<128x128xf32, #tpu.memory_space<vmem>>, %arg3: memref<2x2048x128xf32, #tpu.memory_space<vmem>>, %arg4: memref<2048x128xf32, #tpu.memory_space<vmem>>, %arg5: memref<2048x16xf32, #tpu.memory_space<vmem>>) attributes {dimension_semantics = [#tpu.dimension_semantics<arbitrary>], iteration_bounds = array<i64: 5>, scalar_prefetch = 0 : i64, scratch_operands = 0 : i64, tpu.core_type = #tpu.core_type<tc>, window_params = [{transform_indices = @transform_0, window_bounds = array<i64: 2048, 128>}, {pipeline_mode = #tpu.pipeline_mode<synchronous>, transform_indices = @transform_1, window_bounds = array<i64: 128, 128>}, {transform_indices = @transform_2, window_bounds = array<i64: 2, 2048, 128>}, {transform_indices = @transform_3, window_bounds = array<i64: 2048, 128>}, {transform_indices = @transform_4, window_bounds = array<i64: 2048, 16>}]} {
    %get3A = arith.constant 0 : index
    %get3A_0 = arith.constant 0 : index
    %get3A_1 = arith.constant 0 : index
    %get3A_2 = vector.load %arg3[%get3A, %get3A_0, %get3A_1] : memref<2x2048x128xf32, #tpu.memory_space<vmem>>, vector<1x2048x1xf32>
    %get3A_3 = vector.shape_cast %get3A_2 : vector<1x2048x1xf32> to vector<2048x1xf32>
    %get3A_4 = arith.constant 1 : index
    %get3A_5 = arith.constant 0 : index
    %get3A_6 = arith.constant 0 : index
    %get3A_7 = vector.load %arg3[%get3A_4, %get3A_5, %get3A_6] : memref<2x2048x128xf32, #tpu.memory_space<vmem>>, vector<1x2048x1xf32>
    %get3A_8 = vector.shape_cast %get3A_7 : vector<1x2048x1xf32> to vector<2048x1xf32>
    %add3A = arith.addf %get3A_3, %get3A_8 : vector<2048x1xf32>
    %add3A_9 = arith.constant 1.000000e+00 : f32
    %add3A_10 = vector.broadcast %add3A_9 : f32 to vector<2048x1xf32>
    %add3A_11 = arith.addf %add3A, %add3A_10 : vector<2048x1xf32>
    %rsqrt3A = math.rsqrt %add3A_11 : vector<2048x1xf32>
    %broadcast_in_dim3A = vector.shape_cast %rsqrt3A : vector<2048x1xf32> to vector<2048x1xf32>
    %broadcast_in_dim3A_12 = vector.broadcast %broadcast_in_dim3A : vector<2048x1xf32> to vector<2048x16xf32>
    %swap3A = arith.constant 0 : index
    %swap3A_13 = arith.constant 0 : index
    %swap3A_14 = vector.load %arg5[%swap3A, %swap3A_13] : memref<2048x16xf32, #tpu.memory_space<vmem>>, vector<2048x16xf32>
    tpu.vector_store %arg5[%swap3A, %swap3A_13], %broadcast_in_dim3A_12 {strides = array<i32>} : memref<2048x16xf32, #tpu.memory_space<vmem>>, vector<2048x16xf32>,
    %get3A_15 = arith.constant 0 : index
    %get3A_16 = arith.constant 0 : index
    %get3A_17 = vector.load %arg1[%get3A_15, %get3A_16] : memref<2048x128xf32, #tpu.memory_space<vmem>>, vector<2048x128xf32>
    %get3A_18 = arith.constant 0 : index
    %get3A_19 = arith.constant 0 : index
    %get3A_20 = vector.load %arg2[%get3A_18, %get3A_19] : memref<128x128xf32, #tpu.memory_space<vmem>>, vector<128x128xf32>
    %dot_general3A = arith.constant dense<0.000000e+00> : vector<2048x128xf32>
    %dot_general3A_21 = tpu.matmul %get3A_17, %get3A_20, %dot_general3A {dimension_numbers = #tpu.dot_dimension_numbers<[1], [0], [0], [1], [0, 0, 1, 1], [], []>, transpose_lhs_hint = false} : vector<2048x128xf32>, vector<128x128xf32>, vector<2048x128xf32> -> vector<2048x128xf32>
    %mul3A = vector.broadcast %rsqrt3A : vector<2048x1xf32> to vector<2048x128xf32>
    %mul3A_22 = arith.mulf %dot_general3A_21, %mul3A : vector<2048x128xf32>
    %swap3A_23 = arith.constant 0 : index
    %swap3A_24 = arith.constant 0 : index
    %swap3A_25 = vector.load %arg4[%swap3A_23, %swap3A_24] : memref<2048x128xf32, #tpu.memory_space<vmem>>, vector<2048x128xf32>
    tpu.vector_store %arg4[%swap3A_23, %swap3A_24], %mul3A_22 {strides = array<i32>} : memref<2048x128xf32, #tpu.memory_space<vmem>>, vector<2048x128xf32>,
    return
  }
  func.func @transform_0(%arg0: i32) -> (i32, i32) {
    %c0_i32 = arith.constant 0 : i32
    %c0_i32_0 = arith.constant 0 : i32
    return %arg0, %c0_i32 : i32, i32
  }
  func.func @transform_1(%arg0: i32) -> (i32, i32) {
    %c0_i32 = arith.constant 0 : i32
    %c0_i32_0 = arith.constant 0 : i32
    %c0_i32_1 = arith.constant 0 : i32
    return %c0_i32, %c0_i32_0 : i32, i32
  }
  func.func @transform_2(%arg0: i32) -> (i32, i32, i32) {
    %c0_i32 = arith.constant 0 : i32
    %c0_i32_0 = arith.constant 0 : i32
    %c0_i32_1 = arith.constant 0 : i32
    return %c0_i32, %arg0, %c0_i32_0 : i32, i32, i32
  }
  func.func @transform_3(%arg0: i32) -> (i32, i32) {
    %c0_i32 = arith.constant 0 : i32
    %c0_i32_0 = arith.constant 0 : i32
    return %arg0, %c0_i32 : i32, i32
  }
  func.func @transform_4(%arg0: i32) -> (i32, i32) {
    %c0_i32 = arith.constant 0 : i32
    %c0_i32_0 = arith.constant 0 : i32
    return %arg0, %c0_i32 : i32, i32
  }
}

module attributes {stable_mosaic.version = 14 : i64} {
  func.func @_stage_body(%arg0: i32, %arg1: memref<2x2048x128xf32, #tpu.memory_space<vmem>>, %arg2: memref<2048x128xf32, #tpu.memory_space<vmem>>, %arg3: memref<2048x16xf32, #tpu.memory_space<vmem>>, %arg4: memref<1x128xf32, #tpu.memory_space<vmem>>, %arg5: memref<128x128xf32, #tpu.memory_space<vmem>>, %arg6: memref<2048x128xf32, #tpu.memory_space<vmem>>) attributes {dimension_semantics = [#tpu.dimension_semantics<arbitrary>], iteration_bounds = array<i64: 5>, scalar_prefetch = 0 : i64, scratch_operands = 0 : i64, tpu.core_type = #tpu.core_type<tc>, window_params = [{transform_indices = @transform_0, window_bounds = array<i64: 2, 2048, 128>}, {transform_indices = @transform_1, window_bounds = array<i64: 2048, 128>}, {transform_indices = @transform_2, window_bounds = array<i64: 2048, 16>}, {pipeline_mode = #tpu.pipeline_mode<synchronous>, transform_indices = @transform_3, window_bounds = array<i64: 1, 128>}, {pipeline_mode = #tpu.pipeline_mode<synchronous>, transform_indices = @transform_4, window_bounds = array<i64: 128, 128>}, {transform_indices = @transform_5, window_bounds = array<i64: 2048, 128>}]} {
    %get3A = arith.constant 0 : index
    %get3A_0 = arith.constant 0 : index
    %get3A_1 = vector.load %arg3[%get3A, %get3A_0] : memref<2048x16xf32, #tpu.memory_space<vmem>>, vector<2048x1xf32>
    %get3A_2 = arith.constant 0 : index
    %get3A_3 = arith.constant 0 : index
    %get3A_4 = arith.constant 0 : index
    %get3A_5 = vector.load %arg1[%get3A_2, %get3A_3, %get3A_4] : memref<2x2048x128xf32, #tpu.memory_space<vmem>>, vector<1x2048x128xf32>
    %get3A_6 = vector.shape_cast %get3A_5 : vector<1x2048x128xf32> to vector<2048x128xf32>
    %get3A_7 = arith.constant 1 : index
    %get3A_8 = arith.constant 0 : index
    %get3A_9 = arith.constant 0 : index
    %get3A_10 = vector.load %arg1[%get3A_7, %get3A_8, %get3A_9] : memref<2x2048x128xf32, #tpu.memory_space<vmem>>, vector<1x2048x128xf32>
    %get3A_11 = vector.shape_cast %get3A_10 : vector<1x2048x128xf32> to vector<2048x128xf32>
    %add3A = arith.addf %get3A_6, %get3A_11 : vector<2048x128xf32>
    %get3A_12 = arith.constant 0 : index
    %get3A_13 = arith.constant 0 : index
    %get3A_14 = vector.load %arg2[%get3A_12, %get3A_13] : memref<2048x128xf32, #tpu.memory_space<vmem>>, vector<2048x128xf32>
    %add3A_15 = arith.addf %add3A, %get3A_14 : vector<2048x128xf32>
    %mul3A = vector.broadcast %get3A_1 : vector<2048x1xf32> to vector<2048x128xf32>
    %mul3A_16 = arith.mulf %add3A_15, %mul3A : vector<2048x128xf32>
    %get3A_17 = arith.constant 0 : index
    %get3A_18 = arith.constant 0 : index
    %get3A_19 = vector.load %arg4[%get3A_17, %get3A_18] : memref<1x128xf32, #tpu.memory_space<vmem>>, vector<1x128xf32>
    %add3A_20 = vector.broadcast %get3A_19 : vector<1x128xf32> to vector<2048x128xf32>
    %add3A_21 = arith.addf %mul3A_16, %add3A_20 : vector<2048x128xf32>
    %max3A = arith.constant 0.000000e+00 : f32
    %max3A_22 = vector.broadcast %max3A : f32 to vector<2048x128xf32>
    %max3A_23 = arith.maximumf %add3A_21, %max3A_22 : vector<2048x128xf32>
    %get3A_24 = arith.constant 0 : index
    %get3A_25 = arith.constant 0 : index
    %get3A_26 = vector.load %arg5[%get3A_24, %get3A_25] : memref<128x128xf32, #tpu.memory_space<vmem>>, vector<128x128xf32>
    %dot_general3A = arith.constant dense<0.000000e+00> : vector<2048x128xf32>
    %dot_general3A_27 = tpu.matmul %max3A_23, %get3A_26, %dot_general3A {dimension_numbers = #tpu.dot_dimension_numbers<[1], [0], [0], [1], [0, 0, 1, 1], [], []>, transpose_lhs_hint = false} : vector<2048x128xf32>, vector<128x128xf32>, vector<2048x128xf32> -> vector<2048x128xf32>
    %mul3A_28 = vector.broadcast %get3A_1 : vector<2048x1xf32> to vector<2048x128xf32>
    %mul3A_29 = arith.mulf %dot_general3A_27, %mul3A_28 : vector<2048x128xf32>
    %swap3A = arith.constant 0 : index
    %swap3A_30 = arith.constant 0 : index
    %swap3A_31 = vector.load %arg6[%swap3A, %swap3A_30] : memref<2048x128xf32, #tpu.memory_space<vmem>>, vector<2048x128xf32>
    tpu.vector_store %arg6[%swap3A, %swap3A_30], %mul3A_29 {strides = array<i32>} : memref<2048x128xf32, #tpu.memory_space<vmem>>, vector<2048x128xf32>,
    return
  }
  func.func @transform_0(%arg0: i32) -> (i32, i32, i32) {
    %c0_i32 = arith.constant 0 : i32
    %c0_i32_0 = arith.constant 0 : i32
    %c0_i32_1 = arith.constant 0 : i32
    return %c0_i32, %arg0, %c0_i32_0 : i32, i32, i32
  }
  func.func @transform_1(%arg0: i32) -> (i32, i32) {
    %c0_i32 = arith.constant 0 : i32
    %c0_i32_0 = arith.constant 0 : i32
    return %arg0, %c0_i32 : i32, i32
  }
  func.func @transform_2(%arg0: i32) -> (i32, i32) {
    %c0_i32 = arith.constant 0 : i32
    %c0_i32_0 = arith.constant 0 : i32
    return %arg0, %c0_i32 : i32, i32
  }
  func.func @transform_3(%arg0: i32) -> (i32, i32) {
    %c0_i32 = arith.constant 0 : i32
    %c0_i32_0 = arith.constant 0 : i32
    %c0_i32_1 = arith.constant 0 : i32
    return %c0_i32, %c0_i32_0 : i32, i32
  }
  func.func @transform_4(%arg0: i32) -> (i32, i32) {
    %c0_i32 = arith.constant 0 : i32
    %c0_i32_0 = arith.constant 0 : i32
    %c0_i32_1 = arith.constant 0 : i32
    return %c0_i32, %c0_i32_0 : i32, i32
  }
  func.func @transform_5(%arg0: i32) -> (i32, i32) {
    %c0_i32 = arith.constant 0 : i32
    %c0_i32_0 = arith.constant 0 : i32
    return %arg0, %c0_i32 : i32, i32
  }
}

module attributes {stable_mosaic.version = 14 : i64} {
  func.func @_pool_body(%arg0: i32, %arg1: memref<2x2048x128xf32, #tpu.memory_space<vmem>>, %arg2: memref<2048x128xf32, #tpu.memory_space<vmem>>, %arg3: memref<2048x16xf32, #tpu.memory_space<vmem>>, %arg4: memref<1x128xf32, #tpu.memory_space<vmem>>, %arg5: memref<1x1x2048xi32, #tpu.memory_space<vmem>>, %arg6: memref<128x128xf32, #tpu.memory_space<vmem>>, %arg7: memref<1x128xf32, #tpu.memory_space<vmem>>, %arg8: memref<16x128xf32, #tpu.memory_space<vmem>>, %arg9: memref<16x128xf32, #tpu.memory_space<vmem>>, %arg10: memref<16x128xf32, #tpu.memory_space<vmem>>) attributes {dimension_semantics = [#tpu.dimension_semantics<arbitrary>], iteration_bounds = array<i64: 5>, scalar_prefetch = 0 : i64, scratch_operands = 2 : i64, tpu.core_type = #tpu.core_type<tc>, window_params = [{transform_indices = @transform_0, window_bounds = array<i64: 2, 2048, 128>}, {transform_indices = @transform_1, window_bounds = array<i64: 2048, 128>}, {transform_indices = @transform_2, window_bounds = array<i64: 2048, 16>}, {pipeline_mode = #tpu.pipeline_mode<synchronous>, transform_indices = @transform_3, window_bounds = array<i64: 1, 128>}, {transform_indices = @transform_4, window_bounds = array<i64: 1, 1, 2048>}, {pipeline_mode = #tpu.pipeline_mode<synchronous>, transform_indices = @transform_5, window_bounds = array<i64: 128, 128>}, {pipeline_mode = #tpu.pipeline_mode<synchronous>, transform_indices = @transform_6, window_bounds = array<i64: 1, 128>}, {pipeline_mode = #tpu.pipeline_mode<synchronous>, transform_indices = @transform_7, window_bounds = array<i64: 16, 128>}]} {
    %eq3A = arith.constant 0 : i32
    %eq3A_0 = arith.cmpi eq, %arg0, %eq3A : i32
    %convert_element_type3A = arith.extui %eq3A_0 : i1 to i32
    %cond3A = arith.constant 0 : i32
    %cond3A_1 = arith.cmpi ne, %convert_element_type3A, %cond3A : i32
    scf.if %cond3A_1 {
      %broadcast_in_dim3A_56 = arith.constant 0.000000e+00 : f32
      %broadcast_in_dim3A_57 = vector.broadcast %broadcast_in_dim3A_56 : f32 to vector<16x128xf32>
      %swap3A_58 = arith.constant 0 : index
      %swap3A_59 = arith.constant 0 : index
      %swap3A_60 = vector.load %arg9[%swap3A_58, %swap3A_59] : memref<16x128xf32, #tpu.memory_space<vmem>>, vector<16x128xf32>
      tpu.vector_store %arg9[%swap3A_58, %swap3A_59], %broadcast_in_dim3A_57 {strides = array<i32>} : memref<16x128xf32, #tpu.memory_space<vmem>>, vector<16x128xf32>,
      %broadcast_in_dim3A_61 = arith.constant 0.000000e+00 : f32
      %broadcast_in_dim3A_62 = vector.broadcast %broadcast_in_dim3A_61 : f32 to vector<16x128xf32>
      %swap3A_63 = arith.constant 0 : index
      %swap3A_64 = arith.constant 0 : index
      %swap3A_65 = vector.load %arg10[%swap3A_63, %swap3A_64] : memref<16x128xf32, #tpu.memory_space<vmem>>, vector<16x128xf32>
      tpu.vector_store %arg10[%swap3A_63, %swap3A_64], %broadcast_in_dim3A_62 {strides = array<i32>} : memref<16x128xf32, #tpu.memory_space<vmem>>, vector<16x128xf32>,
    } else {
    }
    %get3A = arith.constant 0 : index
    %get3A_2 = arith.constant 0 : index
    %get3A_3 = vector.load %arg3[%get3A, %get3A_2] : memref<2048x16xf32, #tpu.memory_space<vmem>>, vector<2048x1xf32>
    %get3A_4 = arith.constant 0 : index
    %get3A_5 = arith.constant 0 : index
    %get3A_6 = arith.constant 0 : index
    %get3A_7 = vector.load %arg1[%get3A_4, %get3A_5, %get3A_6] : memref<2x2048x128xf32, #tpu.memory_space<vmem>>, vector<1x2048x128xf32>
    %get3A_8 = vector.shape_cast %get3A_7 : vector<1x2048x128xf32> to vector<2048x128xf32>
    %get3A_9 = arith.constant 1 : index
    %get3A_10 = arith.constant 0 : index
    %get3A_11 = arith.constant 0 : index
    %get3A_12 = vector.load %arg1[%get3A_9, %get3A_10, %get3A_11] : memref<2x2048x128xf32, #tpu.memory_space<vmem>>, vector<1x2048x128xf32>
    %get3A_13 = vector.shape_cast %get3A_12 : vector<1x2048x128xf32> to vector<2048x128xf32>
    %add3A = arith.addf %get3A_8, %get3A_13 : vector<2048x128xf32>
    %get3A_14 = arith.constant 0 : index
    %get3A_15 = arith.constant 0 : index
    %get3A_16 = vector.load %arg2[%get3A_14, %get3A_15] : memref<2048x128xf32, #tpu.memory_space<vmem>>, vector<2048x128xf32>
    %add3A_17 = arith.addf %add3A, %get3A_16 : vector<2048x128xf32>
    %mul3A = vector.broadcast %get3A_3 : vector<2048x1xf32> to vector<2048x128xf32>
    %mul3A_18 = arith.mulf %add3A_17, %mul3A : vector<2048x128xf32>
    %get3A_19 = arith.constant 0 : index
    %get3A_20 = arith.constant 0 : index
    %get3A_21 = vector.load %arg4[%get3A_19, %get3A_20] : memref<1x128xf32, #tpu.memory_space<vmem>>, vector<1x128xf32>
    %add3A_22 = vector.broadcast %get3A_21 : vector<1x128xf32> to vector<2048x128xf32>
    %add3A_23 = arith.addf %mul3A_18, %add3A_22 : vector<2048x128xf32>
    %max3A = arith.constant 0.000000e+00 : f32
    %max3A_24 = vector.broadcast %max3A : f32 to vector<2048x128xf32>
    %max3A_25 = arith.maximumf %add3A_23, %max3A_24 : vector<2048x128xf32>
    %get3A_26 = arith.constant 0 : index
    %get3A_27 = arith.constant 0 : index
    %get3A_28 = arith.constant 0 : index
    %get3A_29 = vector.load %arg5[%get3A_26, %get3A_27, %get3A_28] : memref<1x1x2048xi32, #tpu.memory_space<vmem>>, vector<1x1x2048xi32>
    %get3A_30 = vector.shape_cast %get3A_29 : vector<1x1x2048xi32> to vector<1x2048xi32>
    %iota3A = tpu.iota {dimensions = array<i32: 0>} : vector<16x2048xi32>
    %eq3A_31 = vector.broadcast %get3A_30 : vector<1x2048xi32> to vector<16x2048xi32>
    %eq3A_32 = arith.cmpi eq, %eq3A_31, %iota3A : vector<16x2048xi32>
    %convert_element_type3A_33 = arith.extui %eq3A_32 : vector<16x2048xi1> to vector<16x2048xi32>
    %convert_element_type3A_34 = arith.sitofp %convert_element_type3A_33 : vector<16x2048xi32> to vector<16x2048xf32>
    %get3A_35 = arith.constant 0 : index
    %get3A_36 = arith.constant 0 : index
    %get3A_37 = vector.load %arg9[%get3A_35, %get3A_36] : memref<16x128xf32, #tpu.memory_space<vmem>>, vector<16x128xf32>
    %dot_general3A = arith.constant dense<0.000000e+00> : vector<16x128xf32>
    %dot_general3A_38 = tpu.matmul %convert_element_type3A_34, %max3A_25, %dot_general3A {dimension_numbers = #tpu.dot_dimension_numbers<[1], [0], [0], [1], [0, 0, 1, 1], [], []>, transpose_lhs_hint = false} : vector<16x2048xf32>, vector<2048x128xf32>, vector<16x128xf32> -> vector<16x128xf32>
    %add3A_39 = arith.addf %get3A_37, %dot_general3A_38 : vector<16x128xf32>
    %swap3A = arith.constant 0 : index
    %swap3A_40 = arith.constant 0 : index
    %swap3A_41 = vector.load %arg9[%swap3A, %swap3A_40] : memref<16x128xf32, #tpu.memory_space<vmem>>, vector<16x128xf32>
    tpu.vector_store %arg9[%swap3A, %swap3A_40], %add3A_39 {strides = array<i32>} : memref<16x128xf32, #tpu.memory_space<vmem>>, vector<16x128xf32>,
    %get3A_42 = arith.constant 0 : index
    %get3A_43 = arith.constant 0 : index
    %get3A_44 = vector.load %arg10[%get3A_42, %get3A_43] : memref<16x128xf32, #tpu.memory_space<vmem>>, vector<16x128xf32>
    %reduce_sum3A = arith.constant dense<0.000000e+00> : vector<16xf32>
    %reduce_sum3A_45 = vector.multi_reduction <add>, %convert_element_type3A_34, %reduce_sum3A [1] : vector<16x2048xf32> to vector<16xf32>
    %broadcast_in_dim3A = vector.shape_cast %reduce_sum3A_45 : vector<16xf32> to vector<16x1xf32>
    %add3A_46 = vector.broadcast %broadcast_in_dim3A : vector<16x1xf32> to vector<16x128xf32>
    %add3A_47 = arith.addf %get3A_44, %add3A_46 : vector<16x128xf32>
    %swap3A_48 = arith.constant 0 : index
    %swap3A_49 = arith.constant 0 : index
    %swap3A_50 = vector.load %arg10[%swap3A_48, %swap3A_49] : memref<16x128xf32, #tpu.memory_space<vmem>>, vector<16x128xf32>
    tpu.vector_store %arg10[%swap3A_48, %swap3A_49], %add3A_47 {strides = array<i32>} : memref<16x128xf32, #tpu.memory_space<vmem>>, vector<16x128xf32>,
    %eq3A_51 = arith.constant 4 : i32
    %eq3A_52 = arith.cmpi eq, %arg0, %eq3A_51 : i32
    %convert_element_type3A_53 = arith.extui %eq3A_52 : i1 to i32
    %cond3A_54 = arith.constant 0 : i32
    %cond3A_55 = arith.cmpi ne, %convert_element_type3A_53, %cond3A_54 : i32
    scf.if %cond3A_55 {
      %get3A_56 = arith.constant 0 : index
      %get3A_57 = arith.constant 0 : index
      %get3A_58 = vector.load %arg9[%get3A_56, %get3A_57] : memref<16x128xf32, #tpu.memory_space<vmem>>, vector<16x128xf32>
      %get3A_59 = arith.constant 0 : index
      %get3A_60 = arith.constant 0 : index
      %get3A_61 = vector.load %arg10[%get3A_59, %get3A_60] : memref<16x128xf32, #tpu.memory_space<vmem>>, vector<16x128xf32>
      %max3A_62 = arith.constant 1.000000e+00 : f32
      %max3A_63 = vector.broadcast %max3A_62 : f32 to vector<16x128xf32>
      %max3A_64 = arith.maximumf %get3A_61, %max3A_63 : vector<16x128xf32>
      %div3A = arith.divf %get3A_58, %max3A_64 : vector<16x128xf32>
      %get3A_65 = arith.constant 0 : index
      %get3A_66 = arith.constant 0 : index
      %get3A_67 = vector.load %arg6[%get3A_65, %get3A_66] : memref<128x128xf32, #tpu.memory_space<vmem>>, vector<128x128xf32>
      %dot_general3A_68 = arith.constant dense<0.000000e+00> : vector<16x128xf32>
      %dot_general3A_69 = tpu.matmul %div3A, %get3A_67, %dot_general3A_68 {dimension_numbers = #tpu.dot_dimension_numbers<[1], [0], [0], [1], [0, 0, 1, 1], [], []>, transpose_lhs_hint = false} : vector<16x128xf32>, vector<128x128xf32>, vector<16x128xf32> -> vector<16x128xf32>
      %get3A_70 = arith.constant 0 : index
      %get3A_71 = arith.constant 0 : index
      %get3A_72 = vector.load %arg7[%get3A_70, %get3A_71] : memref<1x128xf32, #tpu.memory_space<vmem>>, vector<1x128xf32>
      %add3A_73 = vector.broadcast %get3A_72 : vector<1x128xf32> to vector<16x128xf32>
      %add3A_74 = arith.addf %dot_general3A_69, %add3A_73 : vector<16x128xf32>
      %swap3A_75 = arith.constant 0 : index
      %swap3A_76 = arith.constant 0 : index
      %swap3A_77 = vector.load %arg8[%swap3A_75, %swap3A_76] : memref<16x128xf32, #tpu.memory_space<vmem>>, vector<16x128xf32>
      tpu.vector_store %arg8[%swap3A_75, %swap3A_76], %add3A_74 {strides = array<i32>} : memref<16x128xf32, #tpu.memory_space<vmem>>, vector<16x128xf32>,
    } else {
    }
    return
  }
  func.func @transform_0(%arg0: i32) -> (i32, i32, i32) {
    %c0_i32 = arith.constant 0 : i32
    %c0_i32_0 = arith.constant 0 : i32
    %c0_i32_1 = arith.constant 0 : i32
    return %c0_i32, %arg0, %c0_i32_0 : i32, i32, i32
  }
  func.func @transform_1(%arg0: i32) -> (i32, i32) {
    %c0_i32 = arith.constant 0 : i32
    %c0_i32_0 = arith.constant 0 : i32
    return %arg0, %c0_i32 : i32, i32
  }
  func.func @transform_2(%arg0: i32) -> (i32, i32) {
    %c0_i32 = arith.constant 0 : i32
    %c0_i32_0 = arith.constant 0 : i32
    return %arg0, %c0_i32 : i32, i32
  }
  func.func @transform_3(%arg0: i32) -> (i32, i32) {
    %c0_i32 = arith.constant 0 : i32
    %c0_i32_0 = arith.constant 0 : i32
    %c0_i32_1 = arith.constant 0 : i32
    return %c0_i32, %c0_i32_0 : i32, i32
  }
  func.func @transform_4(%arg0: i32) -> (i32, i32, i32) {
    %c0_i32 = arith.constant 0 : i32
    %c0_i32_0 = arith.constant 0 : i32
    %c0_i32_1 = arith.constant 0 : i32
    return %arg0, %c0_i32, %c0_i32_0 : i32, i32, i32
  }
  func.func @transform_5(%arg0: i32) -> (i32, i32) {
    %c0_i32 = arith.constant 0 : i32
    %c0_i32_0 = arith.constant 0 : i32
    %c0_i32_1 = arith.constant 0 : i32
    return %c0_i32, %c0_i32_0 : i32, i32
  }
  func.func @transform_6(%arg0: i32) -> (i32, i32) {
    %c0_i32 = arith.constant 0 : i32
    %c0_i32_0 = arith.constant 0 : i32
    %c0_i32_1 = arith.constant 0 : i32
    return %c0_i32, %c0_i32_0 : i32, i32
  }
  func.func @transform_7(%arg0: i32) -> (i32, i32) {
    %c0_i32 = arith.constant 0 : i32
    %c0_i32_0 = arith.constant 0 : i32
    %c0_i32_1 = arith.constant 0 : i32
    return %c0_i32, %c0_i32_0 : i32, i32
  }
}

</mosaic_0001>

<sc_bundles>
// kernel: kernel.10.cloned.1.call-start
scs
__scs_entry_jumppad:
0x0: {  	(pc) =	sbr.rel $0x88, $3  }
0x1: {  	(tag) =	ssettag $0x0;
	lr =	simm.s32 $0x1  }
0x2: {  	[smem:$0x3F96] =	sst lr;
	_ =	strace $0xD0000000  }
0x3: {  	_ = 	snop  }
0x4: {  	_ = 	snop  }
0x5: {  	_ = 	snop  }
0x6: {  	_ = 	snop  }
0x7: {  	_ = 	snop  }
__scs_overlays_trampoline_lowered:
0x8: {  	[smem:$0x3FA5] =	sst s0  }
0x9: {  	[smem:$0x3FA6] =	sst s1  }
0xa: {  	[smem:$0x3FA7] =	sst s2  }
0xb: {  	[smem:$0x3FA8] =	sst s3  }
0xc: {  	[smem:$0x3FA9] =	sst s4  }
0xd: {  	[smem:$0x3FAA] =	sst s5  }
0xe: {  	[smem:$0x3FAB] =	sst s6  }
0xf: {  	[smem:$0x3FAC] =	sst s7  }
0x10: {  	[smem:$0x3FAD] =	sst s8  }
0x11: {  	[smem:$0x3FAE] =	sst s9;
	s0 =	simm.s32 @!p0 $0x0  }
0x12: {  	s1 =	sld [smem:$0x3F94];
	s0 =	simm.s32 @p0 $0x1  }
0x13: {  	[smem:$0x3FAF] =	sst s0;
	s0 =	simm.s32 @!p1 $0x0  }
0x14: {  	s2 =	sld [smem:$0x3F93];
	s0 =	simm.s32 @p1 $0x1  }
0x15: {  	[smem:$0x3FB0] =	sst s0;
	s0 =	simm.s32 @!p2 $0x0  }
0x16: {  	s3 =	sld [smem:$0x3FDB];
	s0 =	simm.s32 @p2 $0x1  }
0x17: {  	s4 =	simm.s32 $0x1BF5;
	[smem:$0x3FB2] =	sst s0  }
0x18: {  	s0 =	sld [smem:$0x3F95];
	_ =	swait.ge [sflag:s4], $0x0  }
0x19: {  	s7 =	sld [smem:$0x3F96]  }
0x1a: {  	s8 =	sadd.s32 $0xFFFFE003, lr  }
0x1b: {  	s9 =	sadd.s32 $0xFFFFFEF7, lr;
	s5 =	simm.s32 $0xFFFFFFFF;
	p2 =	slt.u32 s8, $0xFFFFF086  }
0x1c: {  	p1 =	slt.u32 s9, $0xF7A;
	s5 =	simm.s32 @!p2 $0x0  }
0x1d: {  	s5 =	simm.s32 @p1 $0x1;
	p0 =	seq.s32 s7, s2  }
0x1e: {  	s7 =	smul.u32 @!p0 $0xF7A, s2;
	p2 =	seq.s32 @!p0 s5, $0x0  }
0x1f: {  	s9 =	smul.u32 $0xF7A, s1;
	s8 =	simm.s32 @!p0 $0x1BF5;
	p2 =	por !p2, p0  }
0x20: {  	[sflag:s8] =	ssyncset.s32 @!p0 $0xFFFFF086;
	s6 =	sadd.s32 @!p0 s3, s7;
	s7 =	simm.s32 @!p0 $0x108  }
0x21: {  	s3 =	sadd.s32 s3, s9;
	s6 =	sadd.s32 @!p0 $0x88, s6;
	s7 =	simm.s32 @p2 $0x1082  }
0x22: {  	[simem:s7], [sflag:s8] =	dma.local @!p0 [hbm:s6], $0xF7A  }
0x23: {  	s9 =	sor.u32 $0xD0000000, s2;
	s6 =	simm.s32 $0x108;
	_ =	swait.ge @!p0 [sflag:s8], $0x0  }
0x24: {  	s3 =	sadd.s32 $0x88, s3;
	s6 =	simm.s32 @!p1 $0x1082;
	[sflag:s4] =	ssyncset.s32 $0xFFFFF086  }
0x25: {  	[simem:s6], [sflag:s4] =	dma.local [hbm:s3], $0xF7A  }
0x26: {  	[smem:$0x3F96] =	sst s1;
	(tag) =	ssettag s2;
	_ =	strace s9  }
0x27: {  	s1 =	sld [smem:$0x3FA6]  }
0x28: {  	s2 =	sld [smem:$0x3FA7]  }
0x29: {  	s4 =	sld [smem:$0x3FA9]  }
0x2a: {  	p0 =	seq.s32 s5, $0x0;
	s5 =	sld [smem:$0x3FAA]  }
0x2b: {  	s6 =	sld [smem:$0x3FAB]  }
0x2c: {  	s7 =	sld [smem:$0x3FAC]  }
0x2d: {  	s3 =	simm.s32 $0x108;
	s8 =	sld [smem:$0x3FAD]  }
0x2e: {  	s3 =	simm.s32 @!p0 $0x1082;
	s9 =	sld [smem:$0x3FAE]  }
0x2f: {  	lr =	sadd.s32 s0, s3;
	s0 =	sld [smem:$0x3FA5]  }
0x30: {  	s3 =	sld [smem:$0x3FA8]  }
0x31: {  	[smem:$0x3FB1] =	sst s10  }
0x32: {  	s10 =	sld [smem:$0x3FAF];
	_ =	sdelay $0x3  }
0x33: {  	p0 =	seq.s32 s10, $0x1;
	s10 =	sld [smem:$0x3FB1];
	_ =	sdelay $0x3  }
0x34: {  	[smem:$0x3FB1] =	sst s10  }
0x35: {  	s10 =	sld [smem:$0x3FB0];
	_ =	sdelay $0x3  }
0x36: {  	p1 =	seq.s32 s10, $0x1;
	s10 =	sld [smem:$0x3FB1];
	_ =	sdelay $0x3  }
0x37: {  	[smem:$0x3FB1] =	sst s10  }
0x38: {  	s10 =	sld [smem:$0x3FB2]  }
0x39: {  	_ = 	snop;
	(pc) =	sbr.ind lr, $3  }
0x3a: {  	_ = 	snop  }
0x3b: {  	_ = 	snop  }
0x3c: {  	p2 =	seq.s32 s10, $0x1;
	s10 =	sld [smem:$0x3FB1]  }
0x3d: {  	_ =	shalt  }
0x3e: {  	_ =	shalt  }
0x3f: {  	_ =	shalt  }
0x40: {  	_ =	shalt  }
0x41: {  	_ =	shalt  }
0x42: {  	_ =	shalt  }
0x43: {  	_ =	shalt  }
0x44: {  	_ =	shalt  }
0x45: {  	_ =	shalt  }
0x46: {  	_ =	shalt  }
0x47: {  	_ =	shalt  }
0x48: {  	_ =	shalt  }
0x49: {  	_ =	shalt  }
0x4a: {  	_ =	shalt  }
0x4b: {  	_ =	shalt  }
0x4c: {  	_ =	shalt  }
0x4d: {  	_ =	shalt  }
0x4e: {  	_ =	shalt  }
0x4f: {  	_ =	shalt  }
0x50: {  	_ =	shalt  }
0x51: {  	_ =	shalt  }
0x52: {  	_ =	shalt  }
0x53: {  	_ =	shalt  }
0x54: {  	_ =	shalt  }
0x55: {  	_ =	shalt  }
0x56: {  	_ =	shalt  }
0x57: {  	_ =	shalt  }
0x58: {  	_ =	shalt  }
0x59: {  	_ =	shalt  }
0x5a: {  	_ =	shalt  }
0x5b: {  	_ =	shalt  }
0x5c: {  	_ =	shalt  }
0x5d: {  	_ =	shalt  }
0x5e: {  	_ =	shalt  }
0x5f: {  	_ =	shalt  }
0x60: {  	_ =	shalt  }
0x61: {  	_ =	shalt  }
0x62: {  	_ =	shalt  }
0x63: {  	_ =	shalt  }
0x64: {  	_ =	shalt  }
0x65: {  	_ =	shalt  }
0x66: {  	_ =	shalt  }
0x67: {  	_ =	shalt  }
0x68: {  	_ =	shalt  }
0x69: {  	_ =	shalt  }
0x6a: {  	_ =	shalt  }
0x6b: {  	_ =	shalt  }
0x6c: {  	_ =	shalt  }
0x6d: {  	_ =	shalt  }
0x6e: {  	_ =	shalt  }
0x6f: {  	_ =	shalt  }
0x70: {  	_ =	shalt  }
0x71: {  	_ =	shalt  }
0x72: {  	_ =	shalt  }
0x73: {  	_ =	shalt  }
0x74: {  	_ =	shalt  }
0x75: {  	_ =	shalt  }
0x76: {  	_ =	shalt  }
0x77: {  	_ =	shalt  }
0x78: {  	_ =	shalt  }
0x79: {  	_ =	shalt  }
0x7a: {  	_ =	shalt  }
0x7b: {  	_ =	shalt  }
0x7c: {  	_ =	shalt  }
0x7d: {  	_ =	shalt  }
0x7e: {  	_ =	shalt  }
0x7f: {  	_ =	shalt  }
0x80: {  	_ =	shalt  }
0x81: {  	_ =	shalt  }
0x82: {  	_ =	shalt  }
0x83: {  	_ =	shalt  }
0x84: {  	_ =	shalt  }
0x85: {  	_ =	shalt  }
0x86: {  	_ =	shalt  }
0x87: {  	_ =	shalt  }
.Lfunc_end0:
.L_simem_size_0:
called_computation_lowered:
.L_overlay_start_0:
0x88: {  	s2 =	sld [smem:$0x3FD9]  }
0x89: {  	s3 =	sld [smem:$0x3FFE];
	_ =	sdelay $0x1  }
0x8a: {  	s1 =	srdreg.scid  }
0x8b: {  	s0 =	sand.u32 $0x1, s1  }
0x8c: {  	s16 =	sshll.u32 s0, $0xA;
	s2 =	sadd.s32 s3, s2  }
0x8d: {  	s2 =	sadd.s32 s2, s16  }
0x8e: {  	[smem:$0x3FBD] =	sst s2  }
0x8f: {  	_ = 	snop  }
0x90: {  	(tm) =	ssettm $0x1  }
0x91: {  	s17 =	sld [smem:$0x3FFB];
	_ =	sdelay $0x3  }
0x92: {  	_ =	strace s17  }
0x93: {  	s2 =	sld [smem:$0x3FFC];
	_ =	sdelay $0x3  }
0x94: {  	_ =	strace s2  }
0x95: {  	s2 =	sld [smem:$0x3FFD];
	_ =	sdelay $0x3  }
0x96: {  	_ =	strace s2  }
0x97: {  	_ =	strace $0x8FFFFFFF  }
0x98: {  	s18 =	sld [smem:$0x3FDB];
	_ =	sdelay $0x1  }
0x99: {  	s19 =	simm.s32 $_scs_section_size  }
0x9a: {  	s4 =	simm.s32 $_size__tile_overlayer_lowered;
	s5 =	simm.s32 $_tile_overlayer_lowered  }
0x9b: {  	s22 =	simm.s32 $0x1BFF;
	s21 =	sshll.u32 s5, $0x1;
	s2 =	sadd.s32 s19, s18  }
0x9c: {  	s6 =	simm.s32 $0x0;
	s20 =	sshll.u32 s4, $0x1;
	s4 =	sadd.s32 s21, s2  }
0x9d: {  	[timem:s6], [sflag:s22] =	dma.local [hbm:s4], s20  }
0x9e: {  	_ =	swait.ge [sflag:s22], s20  }
0x9f: {  	s3 =	ssub.s32 $0x0, s20;
	[sflag:s22] =	ssyncset.done $0x0  }
0xa0: {  	[sflag:s22] =	ssyncadd.s32 s3;
	_ =	sdelay $0x1  }
0xa1: {  	s23 =	simm.s32 $0x1B8B  }
0xa2: {  	_ =	swait.ge [sflag:s23], $0x1  }
0xa3: {  	[sflag:s23] =	ssyncset.done $0x0  }
0xa4: {  	s25 =	simm.s32 $0x1B8E;
	s24 =	sld [smem:$0x3FFE];
	[sflag:s23] =	ssyncadd.s32 $0xFFFFFFFF  }
0xa5: {  	s26 =	simm.s32 $execute0_lowered;
	[smem:$0x3FD2] =	sst s25  }
0xa6: {  	s4 =	sshll.u32 s26, $0x1;
	_ =	strace $0x80000046;
	[dreg:$0x1] =	wrdreg $0xFFFFFFFF  }
0xa7: {  	s28 =	simm.s32 $_size_execute0_lowered;
	s2 =	sadd.s32 s2, s4;
	[dreg:$0x0] =	wrdreg $0x0  }
0xa8: {  	s4 =	sshll.u32 s28, $0x1;
	[dreg:$0x2] =	wrdreg s2  }
0xa9: {  	[dreg:$0x3] =	wrdreg s4  }
0xaa: {  	[dreg:$0x4] =	wrdreg $0xC0  }
0xab: {  	_ =	task [dreg:s6], $0x5FFFF  }
0xac: {  	[dreg:$0x1] =	wrdreg $0xFFFFFFFF  }
0xad: {  	[dreg:$0x0] =	wrdreg $0x60  }
0xae: {  	[dreg:$0x2] =	wrdreg s24  }
0xaf: {  	[dreg:$0x3] =	wrdreg $0x0  }
0xb0: {  	[dreg:$0x4] =	wrdreg $0x9  }
0xb1: {  	_ =	task.clear_ibuf [dreg:s6], $0x5FFFF;
	_ =	strace $0x90000046  }
0xb2: {  	s29 =	simm.s32 $0x9;
	_ =	strace $0x80000048  }
0xb3: {  	_ =	swait.ge [sflag:s29], $0x1  }
0xb4: {  	[sflag:s29] =	ssyncadd.s32 $0xFFFFFFFF  }
0xb5: {  	_ =	strace $0x90000048  }
0xb6: {  	_ =	sfence  }
0xb7: {  	s30 =	sld [smem:$0x0];
	_ =	sdelay $0x2  }
0xb8: {  	s31 =	sshll.u32 s1, $0xD;
	s1 =	sshrl.u32 s1, $0x2  }
0xb9: {  	s3 =	sand.u32 $0x4000, s31;
	s1 =	sadd.s32 s1, s30  }
0xba: {  	s0 =	sor.u32 s3, s0;
	s1 =	sshll.u32 s1, $0x11  }
0xbb: {  	s0 =	sor.u32 s1, s0  }
0xbc: {  	s0 =	sadd.s32 $0x8F2B, s0  }
0xbd: {  	[sflag:s0] =	ssyncadd.remote.s32 $0x1  }
0xbe: {  	_ =	sfence.sel $0xFFFF  }
0xbf: {  	[dreg:$0x0] =	wrdreg $0xFFFFFFFF;
	(pc) =	sbr.abs _section_cstart, $3  }
0xc0: {  	[dreg:$0x1] =	wrdreg $0xFFFFFFFF  }
0xc1: {  	_ =	task.clear_ibuf [dreg:s6], $0x2FFFF;
	_ =	strace $0x9FFFFFFF  }
0xc2: {  	(tm) =	ssettm $0x7FFFFFFF  }
0xc3: {  	_ =	shalt  }
tec
execute0_lowered:
.L_overlay_start_1:
0x0: {  	(tag) =	ssettag $0x1  }
0x1: {  	s4 =	rddreg [dreg:$0x0]  }
0x2: {  	s2 =	rddreg [dreg:$0x1]  }
0x3: {  	s1 =	srdreg.scid;
	s0 =	rddreg [dreg:$0x2]  }
0x4: {  	s3 =	simm.s32 $0x0;
	s12 =	simm.s32 $0x14000;
	s13 =	simm.s32 $0x2  }
0x5: {  	s14 =	simm.s32 $0x19000;
	s15 =	simm.s32 $0x80;
	s5 =	sand.u32 $0x1, s1  }
0x6: {  	s16 =	simm.s32 $0x1;
	s1 =	stileid.u32;
	s7 =	smul.u32 $0x140000, s5  }
0x7: {  	s17 =	simm.s32 $0x0;
	[smem:$0x7FF] =	sst s3;
	s8 =	smul.u32 $0x14000, s1  }
0x8: {  	s6 =	sshll.u32 s5, $0x4;
	s29 =	smul.u32 $0x50000, s1;
	s5 =	ssub.s32 $0x2, s5  }
0x9: {  	_ =	strace $0x80000047;
	s6 =	sor.u32 s1, s6;
	s30 =	sshrl.u32 s5, $0x1  }
0xa: {  	s6 =	smul.u32 $0xA00, s6;
	s7 =	sadd.s32 s8, s7;
	s31 =	sshrl.u32 s29, $0x2  }
0xb: {  	s11 =	ssub.s32 s5, s30;
	s7 =	sshrl.u32 s7, $0x3;
	s5 =	sadd.s32 s31, s2  }
0xc: {  	s11 =	smax.u32 s11, $0x1;
	s6 =	sadd.s32 s6, s4;
	s10 =	sadd.s32 s7, s4  }
0xd: {  	s7 =	sadd.s32 $0x8000, s5;
	s8 =	sadd.s32 $0xC000, s5;
	s9 =	sadd.s32 $0x10000, s5  }
0xe: {  	v0 =	vimm.f32 $0.0e+00;
	v1 =	vimm.f32 $1.000000000e+00;
	s4 =	sadd.s32 $0x3A00, s6;
	s6 =	sadd.s32 $0x4000, s5;
	s10 =	sadd.s32 $0x17A00, s10  }
.LBB2_1:
0xf: {  	[tilespmem:s12], [sflag:$0x2] =	stream.linear.gather [hbm4b:s4+s3], $0x5000, $0x38;
	[tilespmem:$0x1D000] =	vst v63  }
0x10: {  	s18 =	simm.s32 $0x0  }
0x11: {  	s19 =	sand.u32 $0xFFFFFF80, s18  }
0x12: {  	_ =	swait.ge [sflag:s13], $0x5000;
	s19 =	ssub.s32 $0x0, s19  }
0x13: {  	s18 =	sand.u32 $0x3FFFFF80, s18;
	[sflag:s13] =	ssyncset.done $0x0;
	s19 =	sand.u32 $0xFFFFFF80, s19  }
0x14: {  	s20 =	sand.u32 $0x70, s3;
	[sflag:s13] =	ssyncadd.s32 $0xFFFFB000;
	s19 =	sadd.s32 s19, s18  }
0x15: {  	s18 =	simm.s32 $0x1;
	s20 =	sor.u32 s20, s19;
	s19 =	simm.s32 $0x0  }
.LBB2_2:
0x16: {  	s21 =	sshll.u32 s18, $0x4;
	p0 =	sne.s32 s18, $0x3FF;
	s18 =	sadd.s32 $0x1, s18;
	[tilespmem:s20+$0x19000] =	vst v0  }
.Ltmp0:
0x17: {  	s19 =	sadd.s32 $0x10, s19;
	s20 =	sand.u32 $0xFFFFFF80, s21;
	(pc) =	sbr.rel @p0 .LBB2_2-.Ltmp0, $4  }
0x18: {  	s20 =	ssub.s32 s19, s20  }
0x19: {  	s21 =	sand.u32 $0x3FFFFF80, s21;
	s20 =	sand.u32 $0xFFFFFF80, s20  }
0x1a: {  	s22 =	sand.u32 $0x70, s19;
	s20 =	sadd.s32 s20, s21  }
0x1b: {  	s20 =	sor.u32 s22, s20  }
0x1c: {  	[tilespmem:s20+$0x19000] =	vst v0  }
0x1d: {  	[spmem:s5] =	stream.linear.scatter [tilespmem:s14], [sflag:$0x2], $0x4000, $0x38;
	[tilespmem:$0x1D000] =	vst v63  }
0x1e: {  	_ =	swait.ge [sflag:s13], $0x4000  }
0x1f: {  	[sflag:s13] =	ssyncset.done $0x0  }
0x20: {  	[sflag:s13] =	ssyncadd.s32 $0xFFFFC000  }
0x21: {  	[spmem:s6] =	stream.linear.scatter [tilespmem:s14], [sflag:$0x2], $0x4000, $0x38;
	[tilespmem:$0x1D000] =	vst v63  }
0x22: {  	_ =	swait.ge [sflag:s13], $0x4000  }
0x23: {  	[sflag:s13] =	ssyncset.done $0x0  }
0x24: {  	[sflag:s13] =	ssyncadd.s32 $0xFFFFC000  }
0x25: {  	[spmem:s7] =	stream.linear.scatter [tilespmem:s14], [sflag:$0x2], $0x4000, $0x38;
	[tilespmem:$0x1D000] =	vst v63  }
0x26: {  	_ =	swait.ge [sflag:s13], $0x4000  }
0x27: {  	[sflag:s13] =	ssyncset.done $0x0  }
0x28: {  	[sflag:s13] =	ssyncadd.s32 $0xFFFFC000  }
0x29: {  	[spmem:s8] =	stream.linear.scatter [tilespmem:s14], [sflag:$0x2], $0x4000, $0x38;
	[tilespmem:$0x1D000] =	vst v63  }
0x2a: {  	_ =	swait.ge [sflag:s13], $0x4000  }
0x2b: {  	s19 =	simm.s32 $0x0;
	[sflag:s13] =	ssyncset.done $0x0  }
0x2c: {  	s18 =	sand.u32 $0xFFFFFF80, s19;
	[sflag:s13] =	ssyncadd.s32 $0xFFFFC000  }
0x2d: {  	[spmem:s9] =	stream.linear.scatter [tilespmem:s14], [sflag:$0x2], $0x4000, $0x38;
	[tilespmem:$0x1D000] =	vst v63  }
0x2e: {  	s19 =	sand.u32 $0x3FFFFF80, s19;
	s31 =	ssub.s32 $0x0, s18;
	_ =	swait.ge [sflag:s13], $0x4000  }
0x2f: {  	s18 =	simm.s32 $0x0;
	s20 =	sand.u32 $0xFFFFFF80, s31;
	[sflag:s13] =	ssyncset.done $0x0  }
0x30: {  	s21 =	sand.u32 $0x70, s18;
	s20 =	sadd.s32 s20, s19;
	[sflag:s13] =	ssyncadd.s32 $0xFFFFC000  }
0x31: {  	s19 =	simm.s32 $0x1;
	s20 =	sor.u32 s21, s20;
	[bflag:$0x0] =	sbarrier.arrive $0xFFFF  }
.LBB2_4:
0x32: {  	s21 =	sshll.u32 s19, $0x4;
	p0 =	sne.s32 s19, $0x3FF;
	s19 =	sadd.s32 $0x1, s19;
	[tilespmem:s20+$0x19000] =	vst v1  }
.Ltmp1:
0x33: {  	s18 =	sadd.s32 $0x10, s18;
	s20 =	sand.u32 $0xFFFFFF80, s21;
	(pc) =	sbr.rel @p0 .LBB2_4-.Ltmp1, $4  }
0x34: {  	s20 =	ssub.s32 s18, s20  }
0x35: {  	s21 =	sand.u32 $0x3FFFFF80, s21;
	s20 =	sand.u32 $0xFFFFFF80, s20  }
0x36: {  	s22 =	sand.u32 $0x70, s18;
	s20 =	sadd.s32 s20, s21  }
0x37: {  	s20 =	sor.u32 s22, s20  }
0x38: {  	[tilespmem:s20+$0x19000] =	vst v1;
	s18 =	simm.s32 $0x14080  }
0x39: {  	[spmem:s2] =	stream.indirect.scatter.add.f32 [tilespmem:s14], [sflag:$0x1], $0x80, s18, s15, $0xb8;
	[tilespmem:$0x1D000] =	vst v63  }
0x3a: {  	s29 =	simm.s32 $0x14180  }
0x3b: {  	[spmem:s2] =	stream.indirect.scatter.add.f32 [tilespmem:s14], [sflag:$0x1], $0x80, s29, s15, $0xb8;
	[tilespmem:$0x1D000] =	vst v63  }
0x3c: {  	s30 =	simm.s32 $0x14280  }
0x3d: {  	[spmem:s2] =	stream.indirect.scatter.add.f32 [tilespmem:s14], [sflag:$0x1], $0x80, s30, s15, $0xb8;
	[tilespmem:$0x1D000] =	vst v63  }
0x3e: {  	s31 =	simm.s32 $0x14380  }
0x3f: {  	[spmem:s2] =	stream.indirect.scatter.add.f32 [tilespmem:s14], [sflag:$0x1], $0x80, s31, s15, $0xb8;
	[tilespmem:$0x1D000] =	vst v63  }
0x40: {  	_ =	swait.ge [sflag:s16], $0x4000  }
0x41: {  	[sflag:s16] =	ssyncset.done $0x0  }
0x42: {  	[sflag:s16] =	ssyncadd.s32 $0xFFFFC000  }
0x43: {  	_ =	swait.ge [sflag:s16], $0x4000  }
0x44: {  	[sflag:s16] =	ssyncset.done $0x0  }
0x45: {  	[sflag:s16] =	ssyncadd.s32 $0xFFFFC000  }
0x46: {  	_ =	swait.ge [sflag:s16], $0x4000  }
0x47: {  	[sflag:s16] =	ssyncset.done $0x0  }
0x48: {  	[sflag:s16] =	ssyncadd.s32 $0xFFFFC000  }
0x49: {  	_ =	swait.ge [sflag:s16], $0x4000  }
0x4a: {  	s19 =	simm.s32 $0xFFFEE000;
	s18 =	simm.s32 $0xFFFFB400;
	[sflag:s16] =	ssyncset.done $0x0  }
.LBB2_6:
0x4b: {  	s20 =	sadd.s32 $0x19080, s18  }
0x4c: {  	[sflag:s16] =	ssyncadd.s32 $0xFFFFC000;
	s21 =	smov.u32 s19;
	s22 =	sadd.s32 $0x1000, s19  }
0x4d: {  	[spmem:s2] =	stream.indirect.scatter.add.f32 [tilespmem:s14], [sflag:$0x1], $0x80, s20, s15, $0xb8;
	[tilespmem:$0x1D000] =	vst v63  }
0x4e: {  	p0 =	sne.s32 s19, $0xFFFFF000;
	s19 =	sadd.s32 $0x19180, s18  }
0x4f: {  	[spmem:s2] =	stream.indirect.scatter.add.f32 [tilespmem:s14], [sflag:$0x1], $0x80, s19, s15, $0xb8;
	[tilespmem:$0x1D000] =	vst v63  }
0x50: {  	s19 =	sadd.s32 $0x19280, s18  }
0x51: {  	[spmem:s2] =	stream.indirect.scatter.add.f32 [tilespmem:s14], [sflag:$0x1], $0x80, s19, s15, $0xb8;
	[tilespmem:$0x1D000] =	vst v63  }
0x52: {  	s18 =	sadd.s32 $0x19380, s18  }
0x53: {  	[spmem:s2] =	stream.indirect.scatter.add.f32 [tilespmem:s14], [sflag:$0x1], $0x80, s18, s15, $0xb8;
	[tilespmem:$0x1D000] =	vst v63  }
0x54: {  	_ =	swait.ge [sflag:s16], $0x4000  }
0x55: {  	[sflag:s16] =	ssyncset.done $0x0  }
0x56: {  	[sflag:s16] =	ssyncadd.s32 $0xFFFFC000  }
0x57: {  	_ =	swait.ge [sflag:s16], $0x4000  }
0x58: {  	[sflag:s16] =	ssyncset.done $0x0  }
0x59: {  	[sflag:s16] =	ssyncadd.s32 $0xFFFFC000  }
.Ltmp2:
0x5a: {  	_ =	swait.ge [sflag:s16], $0x4000;
	(pc) =	sbr.rel @p0 .LBB2_6-.Ltmp2, $4  }
0x5b: {  	[sflag:s16] =	ssyncset.done $0x0  }
0x5c: {  	[sflag:s16] =	ssyncadd.s32 $0xFFFFC000  }
0x5d: {  	_ =	swait.ge [sflag:s16], $0x4000  }
0x5e: {  	s19 =	smov.u32 s22;
	s18 =	sshra.s32 s21, $0x2;
	[sflag:s16] =	ssyncset.done $0x0  }
0x5f: {  	s19 =	sadd.s32 $0x19080, s18;
	[sflag:s16] =	ssyncadd.s32 $0xFFFFC000  }
0x60: {  	[spmem:s2] =	stream.indirect.scatter.add.f32 [tilespmem:s14], [sflag:$0x1], $0x80, s19, s15, $0xb8;
	[tilespmem:$0x1D000] =	vst v63  }
0x61: {  	s26 =	sadd.s32 $0x19180, s18  }
0x62: {  	[spmem:s2] =	stream.indirect.scatter.add.f32 [tilespmem:s14], [sflag:$0x1], $0x80, s26, s15, $0xb8;
	[tilespmem:$0x1D000] =	vst v63  }
0x63: {  	s28 =	sadd.s32 $0x19280, s18  }
0x64: {  	[spmem:s2] =	stream.indirect.scatter.add.f32 [tilespmem:s14], [sflag:$0x1], $0x80, s28, s15, $0xb8;
	[tilespmem:$0x1D000] =	vst v63  }
0x65: {  	s29 =	sadd.s32 $0x19380, s18  }
0x66: {  	[spmem:s2] =	stream.indirect.scatter.add.f32 [tilespmem:s14], [sflag:$0x1], $0x80, s29, s15, $0xb8;
	[tilespmem:$0x1D000] =	vst v63  }
0x67: {  	_ =	swait.ge [sflag:s16], $0x4000  }
0x68: {  	[sflag:s16] =	ssyncset.done $0x0  }
0x69: {  	[sflag:s16] =	ssyncadd.s32 $0xFFFFC000  }
0x6a: {  	_ =	swait.ge [sflag:s16], $0x4000  }
0x6b: {  	[sflag:s16] =	ssyncset.done $0x0  }
0x6c: {  	[sflag:s16] =	ssyncadd.s32 $0xFFFFC000  }
0x6d: {  	_ =	swait.ge [sflag:s16], $0x4000  }
0x6e: {  	[sflag:s16] =	ssyncset.done $0x0  }
0x6f: {  	[sflag:s16] =	ssyncadd.s32 $0xFFFFC000  }
0x70: {  	_ =	swait.ge [sflag:s16], $0x4000  }
0x71: {  	s30 =	sshll.u32 s1, $0x6;
	s17 =	sadd.s32 $0x1, s17;
	[sflag:s16] =	ssyncset.done $0x0  }
0x72: {  	s31 =	sshrl.u32 s5, $0x3;
	p0 =	sne.s32 s17, s11;
	[sflag:s16] =	ssyncadd.s32 $0xFFFFC000  }
.Ltmp3:
0x73: {  	s18 =	sor.u32 $0x1C02, s30;
	[bflag:$0x0] =	sbarrier.arrive $0xFFFF;
	(pc) =	sbr.rel @p0 .LBB2_1-.Ltmp3, $4  }
0x74: {  	[hbm:s10], [sflag:s18] =	dma.local [spmem:s31], $0x2800  }
0x75: {  	_ =	swait.ge [sflag:s13], $0x2800  }
0x76: {  	[sflag:s13] =	ssyncset.done $0x0  }
0x77: {  	[sflag:s13] =	ssyncadd.s32 $0xFFFFD800  }
0x78: {  	_ =	sfence.sel $0x180000  }
0x79: {  	[bflag:$0x0] =	sbarrier.arrive $0xFFFF  }
0x7a: {  	p0 =	sne.s32 s1, $0x0;
	_ =	strace $0x90000047  }
0x7b: {  	s0 =	sadd.s32 @!p0 $0x100000, s0;
	[bflag:$0x2] =	sbarrier.arrive $0xFFFF  }
0x7c: {  	[sflag:s0] =	ssyncadd.tile.s32 @!p0 $0x1;
	_ =	shalt  }
.Lfunc_end2:
_tile_overlayer_lowered:
.L_overlay_start_2:
0x7d: {  	(tag) =	ssettag $0x2  }
0x7e: {  	s0 =	rddreg [dreg:$0x0];
	s2 =	stileid.u32  }
0x7f: {  	s1 =	rddreg [dreg:$0x1];
	p0 =	sne.s32 s2, $0x0  }
0x80: {  	s3 =	rddreg [dreg:$0x2];
	[bflag:$0x3] =	sbarrier.arrive $0xFFFF;
	s2 =	simm.s32 @!p0 $0x1C02  }
0x81: {  	[timem:s3], [sflag:s2] =	dma.local @!p0 [hbm:s0], s1  }
0x82: {  	s0 =	simm.s32 @!p0 $0x2  }
0x83: {  	_ =	swait.ge @!p0 [sflag:s0], s1  }
0x84: {  	s1 =	ssub.s32 @!p0 $0x0, s1;
	[sflag:s0] =	ssyncset.done @!p0 $0x0  }
0x85: {  	[sflag:s0] =	ssyncadd.s32 @!p0 s1  }
0x86: {  	[bflag:$0x3] =	sbarrier.arrive $0xFFFF  }
0x87: {  	_ =	shalt  }

// kernel: kernel.13.cloned.1.call-start
scs
__scs_entry_jumppad:
0x0: {  	(pc) =	sbr.rel $0x88, $3  }
0x1: {  	(tag) =	ssettag $0x0;
	lr =	simm.s32 $0x1  }
0x2: {  	[smem:$0x3F96] =	sst lr;
	_ =	strace $0xD0000000  }
0x3: {  	_ = 	snop  }
0x4: {  	_ = 	snop  }
0x5: {  	_ = 	snop  }
0x6: {  	_ = 	snop  }
0x7: {  	_ = 	snop  }
__scs_overlays_trampoline_lowered:
0x8: {  	[smem:$0x3FA5] =	sst s0  }
0x9: {  	[smem:$0x3FA6] =	sst s1  }
0xa: {  	[smem:$0x3FA7] =	sst s2  }
0xb: {  	[smem:$0x3FA8] =	sst s3  }
0xc: {  	[smem:$0x3FA9] =	sst s4  }
0xd: {  	[smem:$0x3FAA] =	sst s5  }
0xe: {  	[smem:$0x3FAB] =	sst s6  }
0xf: {  	[smem:$0x3FAC] =	sst s7  }
0x10: {  	[smem:$0x3FAD] =	sst s8  }
0x11: {  	[smem:$0x3FAE] =	sst s9;
	s0 =	simm.s32 @!p0 $0x0  }
0x12: {  	s1 =	sld [smem:$0x3F94];
	s0 =	simm.s32 @p0 $0x1  }
0x13: {  	[smem:$0x3FAF] =	sst s0;
	s0 =	simm.s32 @!p1 $0x0  }
0x14: {  	s2 =	sld [smem:$0x3F93];
	s0 =	simm.s32 @p1 $0x1  }
0x15: {  	[smem:$0x3FB0] =	sst s0;
	s0 =	simm.s32 @!p2 $0x0  }
0x16: {  	s3 =	sld [smem:$0x3FDB];
	s0 =	simm.s32 @p2 $0x1  }
0x17: {  	s4 =	simm.s32 $0x1BF5;
	[smem:$0x3FB2] =	sst s0  }
0x18: {  	s0 =	sld [smem:$0x3F95];
	_ =	swait.ge [sflag:s4], $0x0  }
0x19: {  	s7 =	sld [smem:$0x3F96]  }
0x1a: {  	s8 =	sadd.s32 $0xFFFFE003, lr  }
0x1b: {  	s9 =	sadd.s32 $0xFFFFFEF7, lr;
	s5 =	simm.s32 $0xFFFFFFFF;
	p2 =	slt.u32 s8, $0xFFFFF086  }
0x1c: {  	p1 =	slt.u32 s9, $0xF7A;
	s5 =	simm.s32 @!p2 $0x0  }
0x1d: {  	s5 =	simm.s32 @p1 $0x1;
	p0 =	seq.s32 s7, s2  }
0x1e: {  	s7 =	smul.u32 @!p0 $0xF7A, s2;
	p2 =	seq.s32 @!p0 s5, $0x0  }
0x1f: {  	s9 =	smul.u32 $0xF7A, s1;
	s8 =	simm.s32 @!p0 $0x1BF5;
	p2 =	por !p2, p0  }
0x20: {  	[sflag:s8] =	ssyncset.s32 @!p0 $0xFFFFF086;
	s6 =	sadd.s32 @!p0 s3, s7;
	s7 =	simm.s32 @!p0 $0x108  }
0x21: {  	s3 =	sadd.s32 s3, s9;
	s6 =	sadd.s32 @!p0 $0x88, s6;
	s7 =	simm.s32 @p2 $0x1082  }
0x22: {  	[simem:s7], [sflag:s8] =	dma.local @!p0 [hbm:s6], $0xF7A  }
0x23: {  	s9 =	sor.u32 $0xD0000000, s2;
	s6 =	simm.s32 $0x108;
	_ =	swait.ge @!p0 [sflag:s8], $0x0  }
0x24: {  	s3 =	sadd.s32 $0x88, s3;
	s6 =	simm.s32 @!p1 $0x1082;
	[sflag:s4] =	ssyncset.s32 $0xFFFFF086  }
0x25: {  	[simem:s6], [sflag:s4] =	dma.local [hbm:s3], $0xF7A  }
0x26: {  	[smem:$0x3F96] =	sst s1;
	(tag) =	ssettag s2;
	_ =	strace s9  }
0x27: {  	s1 =	sld [smem:$0x3FA6]  }
0x28: {  	s2 =	sld [smem:$0x3FA7]  }
0x29: {  	s4 =	sld [smem:$0x3FA9]  }
0x2a: {  	p0 =	seq.s32 s5, $0x0;
	s5 =	sld [smem:$0x3FAA]  }
0x2b: {  	s6 =	sld [smem:$0x3FAB]  }
0x2c: {  	s7 =	sld [smem:$0x3FAC]  }
0x2d: {  	s3 =	simm.s32 $0x108;
	s8 =	sld [smem:$0x3FAD]  }
0x2e: {  	s3 =	simm.s32 @!p0 $0x1082;
	s9 =	sld [smem:$0x3FAE]  }
0x2f: {  	lr =	sadd.s32 s0, s3;
	s0 =	sld [smem:$0x3FA5]  }
0x30: {  	s3 =	sld [smem:$0x3FA8]  }
0x31: {  	[smem:$0x3FB1] =	sst s10  }
0x32: {  	s10 =	sld [smem:$0x3FAF];
	_ =	sdelay $0x3  }
0x33: {  	p0 =	seq.s32 s10, $0x1;
	s10 =	sld [smem:$0x3FB1];
	_ =	sdelay $0x3  }
0x34: {  	[smem:$0x3FB1] =	sst s10  }
0x35: {  	s10 =	sld [smem:$0x3FB0];
	_ =	sdelay $0x3  }
0x36: {  	p1 =	seq.s32 s10, $0x1;
	s10 =	sld [smem:$0x3FB1];
	_ =	sdelay $0x3  }
0x37: {  	[smem:$0x3FB1] =	sst s10  }
0x38: {  	s10 =	sld [smem:$0x3FB2]  }
0x39: {  	_ = 	snop;
	(pc) =	sbr.ind lr, $3  }
0x3a: {  	_ = 	snop  }
0x3b: {  	_ = 	snop  }
0x3c: {  	p2 =	seq.s32 s10, $0x1;
	s10 =	sld [smem:$0x3FB1]  }
0x3d: {  	_ =	shalt  }
0x3e: {  	_ =	shalt  }
0x3f: {  	_ =	shalt  }
0x40: {  	_ =	shalt  }
0x41: {  	_ =	shalt  }
0x42: {  	_ =	shalt  }
0x43: {  	_ =	shalt  }
0x44: {  	_ =	shalt  }
0x45: {  	_ =	shalt  }
0x46: {  	_ =	shalt  }
0x47: {  	_ =	shalt  }
0x48: {  	_ =	shalt  }
0x49: {  	_ =	shalt  }
0x4a: {  	_ =	shalt  }
0x4b: {  	_ =	shalt  }
0x4c: {  	_ =	shalt  }
0x4d: {  	_ =	shalt  }
0x4e: {  	_ =	shalt  }
0x4f: {  	_ =	shalt  }
0x50: {  	_ =	shalt  }
0x51: {  	_ =	shalt  }
0x52: {  	_ =	shalt  }
0x53: {  	_ =	shalt  }
0x54: {  	_ =	shalt  }
0x55: {  	_ =	shalt  }
0x56: {  	_ =	shalt  }
0x57: {  	_ =	shalt  }
0x58: {  	_ =	shalt  }
0x59: {  	_ =	shalt  }
0x5a: {  	_ =	shalt  }
0x5b: {  	_ =	shalt  }
0x5c: {  	_ =	shalt  }
0x5d: {  	_ =	shalt  }
0x5e: {  	_ =	shalt  }
0x5f: {  	_ =	shalt  }
0x60: {  	_ =	shalt  }
0x61: {  	_ =	shalt  }
0x62: {  	_ =	shalt  }
0x63: {  	_ =	shalt  }
0x64: {  	_ =	shalt  }
0x65: {  	_ =	shalt  }
0x66: {  	_ =	shalt  }
0x67: {  	_ =	shalt  }
0x68: {  	_ =	shalt  }
0x69: {  	_ =	shalt  }
0x6a: {  	_ =	shalt  }
0x6b: {  	_ =	shalt  }
0x6c: {  	_ =	shalt  }
0x6d: {  	_ =	shalt  }
0x6e: {  	_ =	shalt  }
0x6f: {  	_ =	shalt  }
0x70: {  	_ =	shalt  }
0x71: {  	_ =	shalt  }
0x72: {  	_ =	shalt  }
0x73: {  	_ =	shalt  }
0x74: {  	_ =	shalt  }
0x75: {  	_ =	shalt  }
0x76: {  	_ =	shalt  }
0x77: {  	_ =	shalt  }
0x78: {  	_ =	shalt  }
0x79: {  	_ =	shalt  }
0x7a: {  	_ =	shalt  }
0x7b: {  	_ =	shalt  }
0x7c: {  	_ =	shalt  }
0x7d: {  	_ =	shalt  }
0x7e: {  	_ =	shalt  }
0x7f: {  	_ =	shalt  }
0x80: {  	_ =	shalt  }
0x81: {  	_ =	shalt  }
0x82: {  	_ =	shalt  }
0x83: {  	_ =	shalt  }
0x84: {  	_ =	shalt  }
0x85: {  	_ =	shalt  }
0x86: {  	_ =	shalt  }
0x87: {  	_ =	shalt  }
.Lfunc_end0:
.L_simem_size_0:
called_computation.1_lowered:
.L_overlay_start_0:
0x88: {  	s2 =	sld [smem:$0x3FD9]  }
0x89: {  	s3 =	sld [smem:$0x3FFE];
	_ =	sdelay $0x1  }
0x8a: {  	s1 =	srdreg.scid  }
0x8b: {  	s0 =	sand.u32 $0x1, s1  }
0x8c: {  	s16 =	sshll.u32 s0, $0xA;
	s2 =	sadd.s32 s3, s2  }
0x8d: {  	s2 =	sadd.s32 s2, s16  }
0x8e: {  	[smem:$0x3FBD] =	sst s2  }
0x8f: {  	_ = 	snop  }
0x90: {  	(tm) =	ssettm $0x1  }
0x91: {  	s17 =	sld [smem:$0x3FFB];
	_ =	sdelay $0x3  }
0x92: {  	_ =	strace s17  }
0x93: {  	s2 =	sld [smem:$0x3FFC];
	_ =	sdelay $0x3  }
0x94: {  	_ =	strace s2  }
0x95: {  	s2 =	sld [smem:$0x3FFD];
	_ =	sdelay $0x3  }
0x96: {  	_ =	strace s2  }
0x97: {  	_ =	strace $0x8FFFFFFF  }
0x98: {  	s18 =	sld [smem:$0x3FDB];
	_ =	sdelay $0x1  }
0x99: {  	s19 =	simm.s32 $_scs_section_size  }
0x9a: {  	s4 =	simm.s32 $_size__tile_overlayer_lowered;
	s5 =	simm.s32 $_tile_overlayer_lowered  }
0x9b: {  	s22 =	simm.s32 $0x1BFF;
	s21 =	sshll.u32 s5, $0x1;
	s2 =	sadd.s32 s19, s18  }
0x9c: {  	s6 =	simm.s32 $0x0;
	s20 =	sshll.u32 s4, $0x1;
	s4 =	sadd.s32 s21, s2  }
0x9d: {  	[timem:s6], [sflag:s22] =	dma.local [hbm:s4], s20  }
0x9e: {  	_ =	swait.ge [sflag:s22], s20  }
0x9f: {  	s3 =	ssub.s32 $0x0, s20;
	[sflag:s22] =	ssyncset.done $0x0  }
0xa0: {  	[sflag:s22] =	ssyncadd.s32 s3;
	_ =	sdelay $0x1  }
0xa1: {  	s23 =	simm.s32 $0x1B8B  }
0xa2: {  	_ =	swait.ge [sflag:s23], $0x1  }
0xa3: {  	[sflag:s23] =	ssyncset.done $0x0  }
0xa4: {  	s25 =	simm.s32 $0x1B8E;
	s24 =	sld [smem:$0x3FFE];
	[sflag:s23] =	ssyncadd.s32 $0xFFFFFFFF  }
0xa5: {  	s26 =	simm.s32 $execute0_lowered;
	[smem:$0x3FD2] =	sst s25  }
0xa6: {  	s4 =	sshll.u32 s26, $0x1;
	_ =	strace $0x80000049;
	[dreg:$0x1] =	wrdreg $0xFFFFFFFF  }
0xa7: {  	s28 =	simm.s32 $_size_execute0_lowered;
	s2 =	sadd.s32 s2, s4;
	[dreg:$0x0] =	wrdreg $0x0  }
0xa8: {  	s4 =	sshll.u32 s28, $0x1;
	[dreg:$0x2] =	wrdreg s2  }
0xa9: {  	[dreg:$0x3] =	wrdreg s4  }
0xaa: {  	[dreg:$0x4] =	wrdreg $0xC0  }
0xab: {  	_ =	task [dreg:s6], $0x5FFFF  }
0xac: {  	[dreg:$0x1] =	wrdreg $0xFFFFFFFF  }
0xad: {  	[dreg:$0x0] =	wrdreg $0x60  }
0xae: {  	[dreg:$0x2] =	wrdreg s24  }
0xaf: {  	[dreg:$0x3] =	wrdreg $0x0  }
0xb0: {  	[dreg:$0x4] =	wrdreg $0x9  }
0xb1: {  	_ =	task.clear_ibuf [dreg:s6], $0x5FFFF;
	_ =	strace $0x90000049  }
0xb2: {  	s29 =	simm.s32 $0x9;
	_ =	strace $0x8000004B  }
0xb3: {  	_ =	swait.ge [sflag:s29], $0x1  }
0xb4: {  	[sflag:s29] =	ssyncadd.s32 $0xFFFFFFFF  }
0xb5: {  	_ =	strace $0x9000004B  }
0xb6: {  	_ =	sfence  }
0xb7: {  	s30 =	sld [smem:$0x0];
	_ =	sdelay $0x2  }
0xb8: {  	s31 =	sshll.u32 s1, $0xD;
	s1 =	sshrl.u32 s1, $0x2  }
0xb9: {  	s3 =	sand.u32 $0x4000, s31;
	s1 =	sadd.s32 s1, s30  }
0xba: {  	s0 =	sor.u32 s3, s0;
	s1 =	sshll.u32 s1, $0x11  }
0xbb: {  	s0 =	sor.u32 s1, s0  }
0xbc: {  	s0 =	sadd.s32 $0x8F2B, s0  }
0xbd: {  	[sflag:s0] =	ssyncadd.remote.s32 $0x1  }
0xbe: {  	_ =	sfence.sel $0xFFFF  }
0xbf: {  	[dreg:$0x0] =	wrdreg $0xFFFFFFFF;
	(pc) =	sbr.abs _section_cstart, $3  }
0xc0: {  	[dreg:$0x1] =	wrdreg $0xFFFFFFFF  }
0xc1: {  	_ =	task.clear_ibuf [dreg:s6], $0x2FFFF;
	_ =	strace $0x9FFFFFFF  }
0xc2: {  	(tm) =	ssettm $0x7FFFFFFF  }
0xc3: {  	_ =	shalt  }
tec
execute0_lowered:
.L_overlay_start_1:
0x0: {  	(tag) =	ssettag $0x1  }
0x1: {  	s0 =	rddreg [dreg:$0x0]  }
0x2: {  	s1 =	rddreg [dreg:$0x1];
	s2 =	srdreg.scid;
	s3 =	simm.s32 $0x0  }
0x3: {  	s11 =	stileid.u32;
	s28 =	simm.s32 $0x5;
	s29 =	simm.s32 $0x14080  }
0x4: {  	s30 =	simm.s32 $0x14300;
	s31 =	simm.s32 $0x3;
	s6 =	smul.u32 $0x14000, s11  }
0x5: {  	s2 =	sand.u32 $0x1, s2;
	[smem:$0x7FF] =	sst s3;
	s8 =	smul.u32 $0x50000, s11  }
0x6: {  	s4 =	sadd.s32 $0x17A00, s0;
	s7 =	sadd.s32 $0x3A00, s0;
	s13 =	smul.u32 $0x5000, s11  }
0x7: {  	s5 =	smul.u32 $0x140000, s2;
	_ =	strace $0x8000004A;
	s12 =	ssub.s32 $0x2, s2  }
0x8: {  	s10 =	sshll.u32 s2, $0x4;
	s2 =	smul.u32 $0x50000, s2;
	s9 =	sshrl.u32 s12, $0x1  }
0x9: {  	s8 =	sshrl.u32 s8, $0x2;
	s5 =	sadd.s32 s6, s5;
	s6 =	sor.u32 s11, s10  }
0xa: {  	s10 =	ssub.s32 s12, s9;
	s14 =	sadd.s32 s8, s1;
	s2 =	sadd.s32 s13, s2  }
0xb: {  	s8 =	simm.s32 $0x14380;
	s11 =	simm.s32 $0x0;
	s5 =	sshrl.u32 s5, $0x3  }
0xc: {  	s6 =	smul.u32 $0x5000, s6;
	s15 =	sadd.s32 $0x4000, s14;
	s16 =	sadd.s32 $0x8000, s14  }
0xd: {  	s17 =	sadd.s32 $0xC000, s14;
	s19 =	sadd.s32 $0x10000, s14;
	[dreg:$0x3] =	wrdreg s14  }
0xe: {  	s21 =	sor.u32 $0x600, s2;
	s23 =	smax.u32 s10, $0x1;
	[dreg:$0x4] =	wrdreg s15  }
0xf: {  	s24 =	sor.u32 $0x500, s2;
	s25 =	sor.u32 $0x400, s2;
	[dreg:$0x5] =	wrdreg s16  }
0x10: {  	s2 =	sor.u32 $0x300, s2;
	s10 =	simm.s32 $0x1;
	[dreg:$0x6] =	wrdreg s17  }
0x11: {  	s0 =	sadd.s32 s5, s0;
	[dreg:$0x8] =	wrdreg s19;
	s22 =	sshrl.u32 s21, $0x3  }
0x12: {  	[dreg:$0xc] =	wrdreg s23;
	s26 =	sshrl.u32 s25, $0x3;
	s2 =	sshrl.u32 s2, $0x3  }
0x13: {  	s19 =	simm.s32 $0x14400;
	s21 =	simm.s32 $0x14000;
	s23 =	simm.s32 $0x14200  }
0x14: {  	s25 =	simm.s32 $0x2;
	s6 =	sshrl.u32 s6, $0x3;
	s0 =	sadd.s32 $0x3FA00, s0  }
0x15: {  	s15 =	sadd.s32 s22, s7;
	s17 =	sadd.s32 s26, s7;
	s22 =	simm.s32 $0x14100  }
0x16: {  	s26 =	simm.s32 $0x18400;
	s18 =	sadd.s32 s7, s6;
	[dreg:$0xb] =	wrdreg s0  }
.Ltmp0:
0x17: {  	s0 =	sshrl.u32 s24, $0x3;
	s24 =	simm.s32 $0x80;
	(pc) =	sbr.rel .LBB2_1-.Ltmp0, $4  }
0x18: {  	s6 =	simm.s32 $0x4;
	s20 =	sadd.s32 $0x20, s18;
	[dreg:$0x7] =	wrdreg s18  }
0x19: {  	s5 =	sadd.s32 $0x40, s18;
	s16 =	sadd.s32 s0, s7;
	s18 =	sadd.s32 s2, s7  }
0x1a: {  	s0 =	simm.s32 $0x6;
	s2 =	simm.s32 $0x14180;
	[dreg:$0x9] =	wrdreg s20  }
0x1b: {  	v0 =	vimm.f32 $0.0e+00;
	s7 =	simm.s32 $0x14280;
	[dreg:$0xa] =	wrdreg s5;
	s20 =	simm.s32 $0x7  }
.LBB2_6:
0x1c: {  	_ =	swait.ge [sflag:s0], $0x4000  }
0x1d: {  	[sflag:s0] =	ssyncset.done $0x0  }
0x1e: {  	[sflag:s0] =	ssyncadd.s32 $0xFFFFC000  }
0x1f: {  	[spmem:s1] =	stream.indirect.scatter.add.f32 [tilespmem:s26], [sflag:$0x7], $0x80, s8, s24, $0xb8;
	[tilespmem:$0x1C400] =	vst v63  }
0x20: {  	_ =	swait.ge [sflag:s20], $0x4000  }
0x21: {  	[sflag:s20] =	ssyncset.done $0x0  }
0x22: {  	s5 =	stileid.u32;
	[sflag:s20] =	ssyncadd.s32 $0xFFFFC000  }
0x23: {  	s5 =	sshll.u32 s5, $0x6;
	[bflag:$0x0] =	sbarrier.arrive $0xFFFF  }
0x24: {  	s9 =	sshrl.u32 s14, $0x3;
	s5 =	sor.u32 $0x1C07, s5;
	s12 =	rddreg [dreg:$0xb]  }
0x25: {  	[hbm:s12], [sflag:s5] =	dma.local [spmem:s9], $0x2800  }
0x26: {  	_ =	swait.ge [sflag:s20], $0x2800  }
0x27: {  	s11 =	sadd.s32 $0x1, s11;
	s14 =	rddreg [dreg:$0xc]  }
0x28: {  	p0 =	sne.s32 s11, s14  }
.Ltmp1:
0x29: {  	_ = 	snop;
	(pc) =	sbr.rel @!p0 .LBB2_7-.Ltmp1, $3  }
0x2a: {  	_ =	sdelay $0x1  }
0x2b: {  	[sflag:s20] =	ssyncset.done $0x0  }
0x2c: {  	[sflag:s20] =	ssyncadd.s32 $0xFFFFD800  }
.LBB2_1:
0x2d: {  	s12 =	simm.s32 $0x0  }
0x2e: {  	s13 =	sand.u32 $0xFFFFFF80, s12  }
0x2f: {  	s13 =	ssub.s32 $0x0, s13  }
0x30: {  	s12 =	sand.u32 $0x3FFFFF80, s12;
	s13 =	sand.u32 $0xFFFFFF80, s13  }
0x31: {  	s14 =	sand.u32 $0x70, s3;
	s13 =	sadd.s32 s13, s12  }
0x32: {  	s12 =	simm.s32 $0x1;
	s14 =	sor.u32 s14, s13;
	s13 =	simm.s32 $0x0  }
.LBB2_2:
0x33: {  	s9 =	sshll.u32 s12, $0x4;
	p0 =	sne.s32 s12, $0x3FF;
	s12 =	sadd.s32 $0x1, s12;
	[tilespmem:s14+$0x14400] =	vst v0  }
.Ltmp2:
0x34: {  	s13 =	sadd.s32 $0x10, s13;
	s14 =	sand.u32 $0xFFFFFF80, s9;
	(pc) =	sbr.rel @p0 .LBB2_2-.Ltmp2, $4  }
0x35: {  	s14 =	ssub.s32 s13, s14  }
0x36: {  	s9 =	sand.u32 $0x3FFFFF80, s9;
	s14 =	sand.u32 $0xFFFFFF80, s14  }
0x37: {  	s5 =	sand.u32 $0x70, s13;
	s9 =	sadd.s32 s14, s9  }
0x38: {  	s14 =	sor.u32 s5, s9  }
0x39: {  	[tilespmem:s14+$0x14400] =	vst v0;
	s14 =	rddreg [dreg:$0x3]  }
0x3a: {  	[spmem:s14] =	stream.linear.scatter [tilespmem:s19], [sflag:$0x7], $0x4000, $0x38;
	[tilespmem:$0x1C400] =	vst v63  }
0x3b: {  	_ =	swait.ge [sflag:s20], $0x4000  }
0x3c: {  	[sflag:s20] =	ssyncset.done $0x0  }
0x3d: {  	s5 =	rddreg [dreg:$0x4];
	[sflag:s20] =	ssyncadd.s32 $0xFFFFC000  }
0x3e: {  	[spmem:s5] =	stream.linear.scatter [tilespmem:s19], [sflag:$0x7], $0x4000, $0x38;
	[tilespmem:$0x1C400] =	vst v63  }
0x3f: {  	_ =	swait.ge [sflag:s20], $0x4000  }
0x40: {  	[sflag:s20] =	ssyncset.done $0x0  }
0x41: {  	s13 =	rddreg [dreg:$0x5];
	[sflag:s20] =	ssyncadd.s32 $0xFFFFC000  }
0x42: {  	[spmem:s13] =	stream.linear.scatter [tilespmem:s19], [sflag:$0x7], $0x4000, $0x38;
	[tilespmem:$0x1C400] =	vst v63  }
0x43: {  	_ =	swait.ge [sflag:s20], $0x4000  }
0x44: {  	[sflag:s20] =	ssyncset.done $0x0  }
0x45: {  	s9 =	rddreg [dreg:$0x6];
	[sflag:s20] =	ssyncadd.s32 $0xFFFFC000  }
0x46: {  	[spmem:s9] =	stream.linear.scatter [tilespmem:s19], [sflag:$0x7], $0x4000, $0x38;
	[tilespmem:$0x1C400] =	vst v63  }
0x47: {  	_ =	swait.ge [sflag:s20], $0x4000  }
0x48: {  	[sflag:s20] =	ssyncset.done $0x0  }
0x49: {  	s12 =	rddreg [dreg:$0x8];
	[sflag:s20] =	ssyncadd.s32 $0xFFFFC000  }
0x4a: {  	[spmem:s12] =	stream.linear.scatter [tilespmem:s19], [sflag:$0x7], $0x4000, $0x38;
	[tilespmem:$0x1C400] =	vst v63  }
0x4b: {  	_ =	swait.ge [sflag:s20], $0x4000  }
0x4c: {  	[sflag:s20] =	ssyncset.done $0x0  }
0x4d: {  	[sflag:s20] =	ssyncadd.s32 $0xFFFFC000  }
0x4e: {  	[bflag:$0x0] =	sbarrier.arrive $0xFFFF  }
0x4f: {  	s12 =	simm.s32 $0x0;
	s13 =	rddreg [dreg:$0x7]  }
0x50: {  	[tilespmem:s21], [sflag:$0x7] =	stream.linear.gather [hbm4b:s13+s12], $0x100, $0x38;
	[tilespmem:$0x1C400] =	vst v63  }
0x51: {  	_ =	swait.ge [sflag:s20], $0x100  }
0x52: {  	[sflag:s20] =	ssyncset.done $0x0  }
0x53: {  	s9 =	rddreg [dreg:$0x9];
	[sflag:s20] =	ssyncadd.s32 $0xFFFFFF00  }
0x54: {  	[tilespmem:s22], [sflag:$0x2] =	stream.linear.gather [hbm4b:s9+s12], $0x100, $0x38;
	[tilespmem:$0x1C400] =	vst v63  }
0x55: {  	s13 =	rddreg [dreg:$0xa]  }
0x56: {  	[tilespmem:s23], [sflag:$0x3] =	stream.linear.gather [hbm4b:s13+s12], $0x100, $0x38;
	[tilespmem:$0x1C400] =	vst v63  }
0x57: {  	_ = 	snop  }
0x58: {  	[tilespmem:s19], [sflag:$0x5] =	stream.indirect.gather [hbm4b:s4+s24], $0x80, s21, s24, $0xb8;
	[tilespmem:$0x1C400] =	vst v63  }
.LBB2_4:
0x59: {  	_ =	swait.ge [sflag:s25], $0x100  }
0x5a: {  	[sflag:s25] =	ssyncset.done $0x0  }
0x5b: {  	[sflag:s25] =	ssyncadd.s32 $0xFFFFFF00  }
0x5c: {  	[tilespmem:s26], [sflag:$0x6] =	stream.indirect.gather [hbm4b:s4+s24], $0x80, s22, s24, $0xb8;
	[tilespmem:$0x1C400] =	vst v63  }
0x5d: {  	_ =	swait.ge [sflag:s28], $0x4000  }
0x5e: {  	[sflag:s28] =	ssyncset.done $0x0  }
0x5f: {  	[sflag:s28] =	ssyncadd.s32 $0xFFFFC000  }
0x60: {  	[spmem:s1] =	stream.indirect.scatter.add.f32 [tilespmem:s19], [sflag:$0x7], $0x80, s29, s24, $0xb8;
	[tilespmem:$0x1C400] =	vst v63  }
0x61: {  	_ =	swait.ge [sflag:s20], $0x4000  }
0x62: {  	[sflag:s20] =	ssyncset.done $0x0  }
0x63: {  	s5 =	sadd.s32 s12, s18;
	[sflag:s20] =	ssyncadd.s32 $0xFFFFC000  }
0x64: {  	[tilespmem:s30], [sflag:$0x4] =	stream.linear.gather [hbm4b:s5+s3], $0x100, $0x38;
	[tilespmem:$0x1C400] =	vst v63  }
0x65: {  	_ =	swait.ge [sflag:s31], $0x100  }
0x66: {  	[sflag:s31] =	ssyncset.done $0x0  }
0x67: {  	[sflag:s31] =	ssyncadd.s32 $0xFFFFFF00  }
0x68: {  	[tilespmem:s19], [sflag:$0x5] =	stream.indirect.gather [hbm4b:s4+s24], $0x80, s23, s24, $0xb8;
	[tilespmem:$0x1C400] =	vst v63  }
0x69: {  	_ =	swait.ge [sflag:s0], $0x4000  }
0x6a: {  	[sflag:s0] =	ssyncset.done $0x0  }
0x6b: {  	[sflag:s0] =	ssyncadd.s32 $0xFFFFC000  }
0x6c: {  	[spmem:s1] =	stream.indirect.scatter.add.f32 [tilespmem:s26], [sflag:$0x7], $0x80, s2, s24, $0xb8;
	[tilespmem:$0x1C400] =	vst v63  }
0x6d: {  	p0 =	seq.s32 s12, $0x980;
	_ =	swait.ge [sflag:s20], $0x4000  }
0x6e: {  	s9 =	simm.s32 @!p0 $0x0;
	[sflag:s20] =	ssyncset.done $0x0  }
0x6f: {  	s13 =	simm.s32 @!p0 $0x14000;
	s5 =	sadd.s32 @!p0 s12, s17;
	[sflag:s20] =	ssyncadd.s32 $0xFFFFC000  }
0x70: {  	[tilespmem:s13], [sflag:$0x1] =	stream.linear.gather @!p0 [hbm4b:s5+s9], $0x100, $0x38;
	[tilespmem:$0x1C400] =	vst v63  }
0x71: {  	_ =	swait.ge [sflag:s6], $0x100  }
0x72: {  	[sflag:s6] =	ssyncset.done $0x0  }
0x73: {  	[sflag:s6] =	ssyncadd.s32 $0xFFFFFF00  }
0x74: {  	[tilespmem:s26], [sflag:$0x6] =	stream.indirect.gather [hbm4b:s4+s24], $0x80, s30, s24, $0xb8;
	[tilespmem:$0x1C400] =	vst v63  }
0x75: {  	_ =	swait.ge [sflag:s28], $0x4000  }
0x76: {  	[sflag:s28] =	ssyncset.done $0x0  }
.Ltmp3:
0x77: {  	[sflag:s28] =	ssyncadd.s32 $0xFFFFC000;
	(pc) =	sbr.rel @p0 .LBB2_6-.Ltmp3, $4  }
0x78: {  	[spmem:s1] =	stream.indirect.scatter.add.f32 [tilespmem:s19], [sflag:$0x7], $0x80, s7, s24, $0xb8;
	[tilespmem:$0x1C400] =	vst v63  }
0x79: {  	_ =	swait.ge [sflag:s20], $0x4000  }
0x7a: {  	[sflag:s20] =	ssyncset.done $0x0  }
0x7b: {  	[sflag:s20] =	ssyncadd.s32 $0xFFFFC000  }
0x7c: {  	s5 =	sadd.s32 s12, s16  }
0x7d: {  	[tilespmem:s22], [sflag:$0x2] =	stream.linear.gather [hbm4b:s5+s3], $0x100, $0x38;
	[tilespmem:$0x1C400] =	vst v63  }
0x7e: {  	_ =	swait.ge [sflag:s10], $0x100  }
0x7f: {  	[sflag:s10] =	ssyncset.done $0x0  }
0x80: {  	[sflag:s10] =	ssyncadd.s32 $0xFFFFFF00  }
0x81: {  	[tilespmem:s19], [sflag:$0x5] =	stream.indirect.gather [hbm4b:s4+s24], $0x80, s21, s24, $0xb8;
	[tilespmem:$0x1C400] =	vst v63  }
0x82: {  	_ =	swait.ge [sflag:s0], $0x4000  }
0x83: {  	[sflag:s0] =	ssyncset.done $0x0  }
0x84: {  	[sflag:s0] =	ssyncadd.s32 $0xFFFFC000  }
0x85: {  	[spmem:s1] =	stream.indirect.scatter.add.f32 [tilespmem:s26], [sflag:$0x7], $0x80, s8, s24, $0xb8;
	[tilespmem:$0x1C400] =	vst v63  }
.Ltmp4:
0x86: {  	_ = 	snop;
	(pc) =	sbr.rel .LBB2_4-.Ltmp4, $4  }
0x87: {  	_ =	swait.ge [sflag:s20], $0x4000  }
0x88: {  	[sflag:s20] =	ssyncset.done $0x0  }
0x89: {  	s13 =	sadd.s32 s12, s15;
	s12 =	sadd.s32 $0x80, s12;
	[sflag:s20] =	ssyncadd.s32 $0xFFFFC000  }
0x8a: {  	[tilespmem:s23], [sflag:$0x3] =	stream.linear.gather [hbm4b:s13+s3], $0x100, $0x38;
	[tilespmem:$0x1C400] =	vst v63  }
.LBB2_7:
0x8b: {  	_ =	sfence.sel $0x180000  }
0x8c: {  	[bflag:$0x0] =	sbarrier.arrive $0xFFFF  }
0x8d: {  	_ =	strace $0x9000004A  }
0x8e: {  	s0 =	stileid.u32;
	[bflag:$0x2] =	sbarrier.arrive $0xFFFF  }
0x8f: {  	p0 =	sne.s32 s0, $0x0;
	s0 =	rddreg [dreg:$0x2]  }
0x90: {  	s0 =	sadd.s32 @!p0 $0x100000, s0  }
0x91: {  	[sflag:s0] =	ssyncadd.tile.s32 @!p0 $0x1;
	_ =	shalt  }
.Lfunc_end2:
_tile_overlayer_lowered:
.L_overlay_start_2:
0x92: {  	(tag) =	ssettag $0x2  }
0x93: {  	s0 =	rddreg [dreg:$0x0];
	s2 =	stileid.u32  }
0x94: {  	s1 =	rddreg [dreg:$0x1];
	p0 =	sne.s32 s2, $0x0  }
0x95: {  	s3 =	rddreg [dreg:$0x2];
	[bflag:$0x3] =	sbarrier.arrive $0xFFFF;
	s2 =	simm.s32 @!p0 $0x1C07  }
0x96: {  	[timem:s3], [sflag:s2] =	dma.local @!p0 [hbm:s0], s1  }
0x97: {  	s0 =	simm.s32 @!p0 $0x7  }
0x98: {  	_ =	swait.ge @!p0 [sflag:s0], s1  }
0x99: {  	s1 =	ssub.s32 @!p0 $0x0, s1;
	[sflag:s0] =	ssyncset.done @!p0 $0x0  }
0x9a: {  	[sflag:s0] =	ssyncadd.s32 @!p0 s1  }
0x9b: {  	[bflag:$0x3] =	sbarrier.arrive $0xFFFF  }
0x9c: {  	_ =	shalt  }

// kernel: kernel.16.cloned.1.call-start
scs
__scs_entry_jumppad:
0x0: {  	(pc) =	sbr.rel $0x88, $3  }
0x1: {  	(tag) =	ssettag $0x0;
	lr =	simm.s32 $0x1  }
0x2: {  	[smem:$0x3F96] =	sst lr;
	_ =	strace $0xD0000000  }
0x3: {  	_ = 	snop  }
0x4: {  	_ = 	snop  }
0x5: {  	_ = 	snop  }
0x6: {  	_ = 	snop  }
0x7: {  	_ = 	snop  }
__scs_overlays_trampoline_lowered:
0x8: {  	[smem:$0x3FA5] =	sst s0  }
0x9: {  	[smem:$0x3FA6] =	sst s1  }
0xa: {  	[smem:$0x3FA7] =	sst s2  }
0xb: {  	[smem:$0x3FA8] =	sst s3  }
0xc: {  	[smem:$0x3FA9] =	sst s4  }
0xd: {  	[smem:$0x3FAA] =	sst s5  }
0xe: {  	[smem:$0x3FAB] =	sst s6  }
0xf: {  	[smem:$0x3FAC] =	sst s7  }
0x10: {  	[smem:$0x3FAD] =	sst s8  }
0x11: {  	[smem:$0x3FAE] =	sst s9;
	s0 =	simm.s32 @!p0 $0x0  }
0x12: {  	s1 =	sld [smem:$0x3F94];
	s0 =	simm.s32 @p0 $0x1  }
0x13: {  	[smem:$0x3FAF] =	sst s0;
	s0 =	simm.s32 @!p1 $0x0  }
0x14: {  	s2 =	sld [smem:$0x3F93];
	s0 =	simm.s32 @p1 $0x1  }
0x15: {  	[smem:$0x3FB0] =	sst s0;
	s0 =	simm.s32 @!p2 $0x0  }
0x16: {  	s3 =	sld [smem:$0x3FDB];
	s0 =	simm.s32 @p2 $0x1  }
0x17: {  	s4 =	simm.s32 $0x1BF5;
	[smem:$0x3FB2] =	sst s0  }
0x18: {  	s0 =	sld [smem:$0x3F95];
	_ =	swait.ge [sflag:s4], $0x0  }
0x19: {  	s7 =	sld [smem:$0x3F96]  }
0x1a: {  	s8 =	sadd.s32 $0xFFFFE003, lr  }
0x1b: {  	s9 =	sadd.s32 $0xFFFFFEF7, lr;
	s5 =	simm.s32 $0xFFFFFFFF;
	p2 =	slt.u32 s8, $0xFFFFF086  }
0x1c: {  	p1 =	slt.u32 s9, $0xF7A;
	s5 =	simm.s32 @!p2 $0x0  }
0x1d: {  	s5 =	simm.s32 @p1 $0x1;
	p0 =	seq.s32 s7, s2  }
0x1e: {  	s7 =	smul.u32 @!p0 $0xF7A, s2;
	p2 =	seq.s32 @!p0 s5, $0x0  }
0x1f: {  	s9 =	smul.u32 $0xF7A, s1;
	s8 =	simm.s32 @!p0 $0x1BF5;
	p2 =	por !p2, p0  }
0x20: {  	[sflag:s8] =	ssyncset.s32 @!p0 $0xFFFFF086;
	s6 =	sadd.s32 @!p0 s3, s7;
	s7 =	simm.s32 @!p0 $0x108  }
0x21: {  	s3 =	sadd.s32 s3, s9;
	s6 =	sadd.s32 @!p0 $0x88, s6;
	s7 =	simm.s32 @p2 $0x1082  }
0x22: {  	[simem:s7], [sflag:s8] =	dma.local @!p0 [hbm:s6], $0xF7A  }
0x23: {  	s9 =	sor.u32 $0xD0000000, s2;
	s6 =	simm.s32 $0x108;
	_ =	swait.ge @!p0 [sflag:s8], $0x0  }
0x24: {  	s3 =	sadd.s32 $0x88, s3;
	s6 =	simm.s32 @!p1 $0x1082;
	[sflag:s4] =	ssyncset.s32 $0xFFFFF086  }
0x25: {  	[simem:s6], [sflag:s4] =	dma.local [hbm:s3], $0xF7A  }
0x26: {  	[smem:$0x3F96] =	sst s1;
	(tag) =	ssettag s2;
	_ =	strace s9  }
0x27: {  	s1 =	sld [smem:$0x3FA6]  }
0x28: {  	s2 =	sld [smem:$0x3FA7]  }
0x29: {  	s4 =	sld [smem:$0x3FA9]  }
0x2a: {  	p0 =	seq.s32 s5, $0x0;
	s5 =	sld [smem:$0x3FAA]  }
0x2b: {  	s6 =	sld [smem:$0x3FAB]  }
0x2c: {  	s7 =	sld [smem:$0x3FAC]  }
0x2d: {  	s3 =	simm.s32 $0x108;
	s8 =	sld [smem:$0x3FAD]  }
0x2e: {  	s3 =	simm.s32 @!p0 $0x1082;
	s9 =	sld [smem:$0x3FAE]  }
0x2f: {  	lr =	sadd.s32 s0, s3;
	s0 =	sld [smem:$0x3FA5]  }
0x30: {  	s3 =	sld [smem:$0x3FA8]  }
0x31: {  	[smem:$0x3FB1] =	sst s10  }
0x32: {  	s10 =	sld [smem:$0x3FAF];
	_ =	sdelay $0x3  }
0x33: {  	p0 =	seq.s32 s10, $0x1;
	s10 =	sld [smem:$0x3FB1];
	_ =	sdelay $0x3  }
0x34: {  	[smem:$0x3FB1] =	sst s10  }
0x35: {  	s10 =	sld [smem:$0x3FB0];
	_ =	sdelay $0x3  }
0x36: {  	p1 =	seq.s32 s10, $0x1;
	s10 =	sld [smem:$0x3FB1];
	_ =	sdelay $0x3  }
0x37: {  	[smem:$0x3FB1] =	sst s10  }
0x38: {  	s10 =	sld [smem:$0x3FB2]  }
0x39: {  	_ = 	snop;
	(pc) =	sbr.ind lr, $3  }
0x3a: {  	_ = 	snop  }
0x3b: {  	_ = 	snop  }
0x3c: {  	p2 =	seq.s32 s10, $0x1;
	s10 =	sld [smem:$0x3FB1]  }
0x3d: {  	_ =	shalt  }
0x3e: {  	_ =	shalt  }
0x3f: {  	_ =	shalt  }
0x40: {  	_ =	shalt  }
0x41: {  	_ =	shalt  }
0x42: {  	_ =	shalt  }
0x43: {  	_ =	shalt  }
0x44: {  	_ =	shalt  }
0x45: {  	_ =	shalt  }
0x46: {  	_ =	shalt  }
0x47: {  	_ =	shalt  }
0x48: {  	_ =	shalt  }
0x49: {  	_ =	shalt  }
0x4a: {  	_ =	shalt  }
0x4b: {  	_ =	shalt  }
0x4c: {  	_ =	shalt  }
0x4d: {  	_ =	shalt  }
0x4e: {  	_ =	shalt  }
0x4f: {  	_ =	shalt  }
0x50: {  	_ =	shalt  }
0x51: {  	_ =	shalt  }
0x52: {  	_ =	shalt  }
0x53: {  	_ =	shalt  }
0x54: {  	_ =	shalt  }
0x55: {  	_ =	shalt  }
0x56: {  	_ =	shalt  }
0x57: {  	_ =	shalt  }
0x58: {  	_ =	shalt  }
0x59: {  	_ =	shalt  }
0x5a: {  	_ =	shalt  }
0x5b: {  	_ =	shalt  }
0x5c: {  	_ =	shalt  }
0x5d: {  	_ =	shalt  }
0x5e: {  	_ =	shalt  }
0x5f: {  	_ =	shalt  }
0x60: {  	_ =	shalt  }
0x61: {  	_ =	shalt  }
0x62: {  	_ =	shalt  }
0x63: {  	_ =	shalt  }
0x64: {  	_ =	shalt  }
0x65: {  	_ =	shalt  }
0x66: {  	_ =	shalt  }
0x67: {  	_ =	shalt  }
0x68: {  	_ =	shalt  }
0x69: {  	_ =	shalt  }
0x6a: {  	_ =	shalt  }
0x6b: {  	_ =	shalt  }
0x6c: {  	_ =	shalt  }
0x6d: {  	_ =	shalt  }
0x6e: {  	_ =	shalt  }
0x6f: {  	_ =	shalt  }
0x70: {  	_ =	shalt  }
0x71: {  	_ =	shalt  }
0x72: {  	_ =	shalt  }
0x73: {  	_ =	shalt  }
0x74: {  	_ =	shalt  }
0x75: {  	_ =	shalt  }
0x76: {  	_ =	shalt  }
0x77: {  	_ =	shalt  }
0x78: {  	_ =	shalt  }
0x79: {  	_ =	shalt  }
0x7a: {  	_ =	shalt  }
0x7b: {  	_ =	shalt  }
0x7c: {  	_ =	shalt  }
0x7d: {  	_ =	shalt  }
0x7e: {  	_ =	shalt  }
0x7f: {  	_ =	shalt  }
0x80: {  	_ =	shalt  }
0x81: {  	_ =	shalt  }
0x82: {  	_ =	shalt  }
0x83: {  	_ =	shalt  }
0x84: {  	_ =	shalt  }
0x85: {  	_ =	shalt  }
0x86: {  	_ =	shalt  }
0x87: {  	_ =	shalt  }
.Lfunc_end0:
.L_simem_size_0:
called_computation.2_lowered:
.L_overlay_start_0:
0x88: {  	s2 =	sld [smem:$0x3FD9]  }
0x89: {  	s3 =	sld [smem:$0x3FFE];
	_ =	sdelay $0x1  }
0x8a: {  	s1 =	srdreg.scid  }
0x8b: {  	s0 =	sand.u32 $0x1, s1  }
0x8c: {  	s16 =	sshll.u32 s0, $0xA;
	s2 =	sadd.s32 s3, s2  }
0x8d: {  	s2 =	sadd.s32 s2, s16  }
0x8e: {  	[smem:$0x3FBD] =	sst s2  }
0x8f: {  	_ = 	snop  }
0x90: {  	(tm) =	ssettm $0x1  }
0x91: {  	s17 =	sld [smem:$0x3FFB];
	_ =	sdelay $0x3  }
0x92: {  	_ =	strace s17  }
0x93: {  	s2 =	sld [smem:$0x3FFC];
	_ =	sdelay $0x3  }
0x94: {  	_ =	strace s2  }
0x95: {  	s2 =	sld [smem:$0x3FFD];
	_ =	sdelay $0x3  }
0x96: {  	_ =	strace s2  }
0x97: {  	_ =	strace $0x8FFFFFFF  }
0x98: {  	s18 =	sld [smem:$0x3FDB];
	_ =	sdelay $0x1  }
0x99: {  	s19 =	simm.s32 $_scs_section_size  }
0x9a: {  	s4 =	simm.s32 $_size__tile_overlayer_lowered;
	s5 =	simm.s32 $_tile_overlayer_lowered  }
0x9b: {  	s22 =	simm.s32 $0x1BFF;
	s21 =	sshll.u32 s5, $0x1;
	s2 =	sadd.s32 s19, s18  }
0x9c: {  	s6 =	simm.s32 $0x0;
	s20 =	sshll.u32 s4, $0x1;
	s4 =	sadd.s32 s21, s2  }
0x9d: {  	[timem:s6], [sflag:s22] =	dma.local [hbm:s4], s20  }
0x9e: {  	_ =	swait.ge [sflag:s22], s20  }
0x9f: {  	s3 =	ssub.s32 $0x0, s20;
	[sflag:s22] =	ssyncset.done $0x0  }
0xa0: {  	[sflag:s22] =	ssyncadd.s32 s3;
	_ =	sdelay $0x1  }
0xa1: {  	s23 =	simm.s32 $0x1B8B  }
0xa2: {  	_ =	swait.ge [sflag:s23], $0x1  }
0xa3: {  	[sflag:s23] =	ssyncset.done $0x0  }
0xa4: {  	s25 =	simm.s32 $0x1B8E;
	s24 =	sld [smem:$0x3FFE];
	[sflag:s23] =	ssyncadd.s32 $0xFFFFFFFF  }
0xa5: {  	s26 =	simm.s32 $execute0_lowered;
	[smem:$0x3FD2] =	sst s25  }
0xa6: {  	s4 =	sshll.u32 s26, $0x1;
	_ =	strace $0x8000004C;
	[dreg:$0x1] =	wrdreg $0xFFFFFFFF  }
0xa7: {  	s28 =	simm.s32 $_size_execute0_lowered;
	s2 =	sadd.s32 s2, s4;
	[dreg:$0x0] =	wrdreg $0x0  }
0xa8: {  	s4 =	sshll.u32 s28, $0x1;
	[dreg:$0x2] =	wrdreg s2  }
0xa9: {  	[dreg:$0x3] =	wrdreg s4  }
0xaa: {  	[dreg:$0x4] =	wrdreg $0xC0  }
0xab: {  	_ =	task [dreg:s6], $0x5FFFF  }
0xac: {  	[dreg:$0x1] =	wrdreg $0xFFFFFFFF  }
0xad: {  	[dreg:$0x0] =	wrdreg $0x60  }
0xae: {  	[dreg:$0x2] =	wrdreg s24  }
0xaf: {  	[dreg:$0x3] =	wrdreg $0x0  }
0xb0: {  	[dreg:$0x4] =	wrdreg $0x9  }
0xb1: {  	_ =	task.clear_ibuf [dreg:s6], $0x5FFFF;
	_ =	strace $0x9000004C  }
0xb2: {  	s29 =	simm.s32 $0x9;
	_ =	strace $0x8000004E  }
0xb3: {  	_ =	swait.ge [sflag:s29], $0x1  }
0xb4: {  	[sflag:s29] =	ssyncadd.s32 $0xFFFFFFFF  }
0xb5: {  	_ =	strace $0x9000004E  }
0xb6: {  	_ =	sfence  }
0xb7: {  	s30 =	sld [smem:$0x0];
	_ =	sdelay $0x2  }
0xb8: {  	s31 =	sshll.u32 s1, $0xD;
	s1 =	sshrl.u32 s1, $0x2  }
0xb9: {  	s3 =	sand.u32 $0x4000, s31;
	s1 =	sadd.s32 s1, s30  }
0xba: {  	s0 =	sor.u32 s3, s0;
	s1 =	sshll.u32 s1, $0x11  }
0xbb: {  	s0 =	sor.u32 s1, s0  }
0xbc: {  	s0 =	sadd.s32 $0x8F2B, s0  }
0xbd: {  	[sflag:s0] =	ssyncadd.remote.s32 $0x1  }
0xbe: {  	_ =	sfence.sel $0xFFFF  }
0xbf: {  	[dreg:$0x0] =	wrdreg $0xFFFFFFFF;
	(pc) =	sbr.abs _section_cstart, $3  }
0xc0: {  	[dreg:$0x1] =	wrdreg $0xFFFFFFFF  }
0xc1: {  	_ =	task.clear_ibuf [dreg:s6], $0x2FFFF;
	_ =	strace $0x9FFFFFFF  }
0xc2: {  	(tm) =	ssettm $0x7FFFFFFF  }
0xc3: {  	_ =	shalt  }
tec
execute0_lowered:
.L_overlay_start_1:
0x0: {  	(tag) =	ssettag $0x1  }
0x1: {  	s0 =	rddreg [dreg:$0x0]  }
0x2: {  	s1 =	rddreg [dreg:$0x1];
	s2 =	srdreg.scid;
	s3 =	simm.s32 $0x0  }
0x3: {  	s11 =	stileid.u32;
	s28 =	simm.s32 $0x5;
	s29 =	simm.s32 $0x14080  }
0x4: {  	s30 =	simm.s32 $0x14300;
	s31 =	simm.s32 $0x3;
	s6 =	smul.u32 $0x14000, s11  }
0x5: {  	s2 =	sand.u32 $0x1, s2;
	[smem:$0x7FF] =	sst s3;
	s8 =	smul.u32 $0x50000, s11  }
0x6: {  	s4 =	sadd.s32 $0x17A00, s0;
	s7 =	sadd.s32 $0x3A00, s0;
	s13 =	smul.u32 $0x5000, s11  }
0x7: {  	s5 =	smul.u32 $0x140000, s2;
	_ =	strace $0x8000004D;
	s12 =	ssub.s32 $0x2, s2  }
0x8: {  	s10 =	sshll.u32 s2, $0x4;
	s2 =	smul.u32 $0x50000, s2;
	s9 =	sshrl.u32 s12, $0x1  }
0x9: {  	s8 =	sshrl.u32 s8, $0x2;
	s5 =	sadd.s32 s6, s5;
	s6 =	sor.u32 s11, s10  }
0xa: {  	s10 =	ssub.s32 s12, s9;
	s14 =	sadd.s32 s8, s1;
	s2 =	sadd.s32 s13, s2  }
0xb: {  	s8 =	simm.s32 $0x14380;
	s11 =	simm.s32 $0x0;
	s5 =	sshrl.u32 s5, $0x3  }
0xc: {  	s6 =	smul.u32 $0x5000, s6;
	s15 =	sadd.s32 $0x4000, s14;
	s16 =	sadd.s32 $0x8000, s14  }
0xd: {  	s17 =	sadd.s32 $0xC000, s14;
	s19 =	sadd.s32 $0x10000, s14;
	[dreg:$0x3] =	wrdreg s14  }
0xe: {  	s21 =	sor.u32 $0x600, s2;
	s23 =	smax.u32 s10, $0x1;
	[dreg:$0x4] =	wrdreg s15  }
0xf: {  	s24 =	sor.u32 $0x500, s2;
	s25 =	sor.u32 $0x400, s2;
	[dreg:$0x5] =	wrdreg s16  }
0x10: {  	s2 =	sor.u32 $0x300, s2;
	s10 =	simm.s32 $0x1;
	[dreg:$0x6] =	wrdreg s17  }
0x11: {  	s0 =	sadd.s32 s5, s0;
	[dreg:$0x8] =	wrdreg s19;
	s22 =	sshrl.u32 s21, $0x3  }
0x12: {  	[dreg:$0xc] =	wrdreg s23;
	s26 =	sshrl.u32 s25, $0x3;
	s2 =	sshrl.u32 s2, $0x3  }
0x13: {  	s19 =	simm.s32 $0x14400;
	s21 =	simm.s32 $0x14000;
	s23 =	simm.s32 $0x14200  }
0x14: {  	s25 =	simm.s32 $0x2;
	s6 =	sshrl.u32 s6, $0x3;
	s0 =	sadd.s32 $0x3FA00, s0  }
0x15: {  	s15 =	sadd.s32 s22, s7;
	s17 =	sadd.s32 s26, s7;
	s22 =	simm.s32 $0x14100  }
0x16: {  	s26 =	simm.s32 $0x18400;
	s18 =	sadd.s32 s7, s6;
	[dreg:$0xb] =	wrdreg s0  }
.Ltmp0:
0x17: {  	s0 =	sshrl.u32 s24, $0x3;
	s24 =	simm.s32 $0x80;
	(pc) =	sbr.rel .LBB2_1-.Ltmp0, $4  }
0x18: {  	s6 =	simm.s32 $0x4;
	s20 =	sadd.s32 $0x20, s18;
	[dreg:$0x7] =	wrdreg s18  }
0x19: {  	s5 =	sadd.s32 $0x40, s18;
	s16 =	sadd.s32 s0, s7;
	s18 =	sadd.s32 s2, s7  }
0x1a: {  	s0 =	simm.s32 $0x6;
	s2 =	simm.s32 $0x14180;
	[dreg:$0x9] =	wrdreg s20  }
0x1b: {  	v0 =	vimm.f32 $0.0e+00;
	s7 =	simm.s32 $0x14280;
	[dreg:$0xa] =	wrdreg s5;
	s20 =	simm.s32 $0x7  }
.LBB2_6:
0x1c: {  	_ =	swait.ge [sflag:s0], $0x4000  }
0x1d: {  	[sflag:s0] =	ssyncset.done $0x0  }
0x1e: {  	[sflag:s0] =	ssyncadd.s32 $0xFFFFC000  }
0x1f: {  	[spmem:s1] =	stream.indirect.scatter.add.f32 [tilespmem:s26], [sflag:$0x7], $0x80, s8, s24, $0xb8;
	[tilespmem:$0x1C400] =	vst v63  }
0x20: {  	_ =	swait.ge [sflag:s20], $0x4000  }
0x21: {  	[sflag:s20] =	ssyncset.done $0x0  }
0x22: {  	s5 =	stileid.u32;
	[sflag:s20] =	ssyncadd.s32 $0xFFFFC000  }
0x23: {  	s5 =	sshll.u32 s5, $0x6;
	[bflag:$0x0] =	sbarrier.arrive $0xFFFF  }
0x24: {  	s9 =	sshrl.u32 s14, $0x3;
	s5 =	sor.u32 $0x1C07, s5;
	s12 =	rddreg [dreg:$0xb]  }
0x25: {  	[hbm:s12], [sflag:s5] =	dma.local [spmem:s9], $0x2800  }
0x26: {  	_ =	swait.ge [sflag:s20], $0x2800  }
0x27: {  	s11 =	sadd.s32 $0x1, s11;
	s14 =	rddreg [dreg:$0xc]  }
0x28: {  	p0 =	sne.s32 s11, s14  }
.Ltmp1:
0x29: {  	_ = 	snop;
	(pc) =	sbr.rel @!p0 .LBB2_7-.Ltmp1, $3  }
0x2a: {  	_ =	sdelay $0x1  }
0x2b: {  	[sflag:s20] =	ssyncset.done $0x0  }
0x2c: {  	[sflag:s20] =	ssyncadd.s32 $0xFFFFD800  }
.LBB2_1:
0x2d: {  	s12 =	simm.s32 $0x0  }
0x2e: {  	s13 =	sand.u32 $0xFFFFFF80, s12  }
0x2f: {  	s13 =	ssub.s32 $0x0, s13  }
0x30: {  	s12 =	sand.u32 $0x3FFFFF80, s12;
	s13 =	sand.u32 $0xFFFFFF80, s13  }
0x31: {  	s14 =	sand.u32 $0x70, s3;
	s13 =	sadd.s32 s13, s12  }
0x32: {  	s12 =	simm.s32 $0x1;
	s14 =	sor.u32 s14, s13;
	s13 =	simm.s32 $0x0  }
.LBB2_2:
0x33: {  	s9 =	sshll.u32 s12, $0x4;
	p0 =	sne.s32 s12, $0x3FF;
	s12 =	sadd.s32 $0x1, s12;
	[tilespmem:s14+$0x14400] =	vst v0  }
.Ltmp2:
0x34: {  	s13 =	sadd.s32 $0x10, s13;
	s14 =	sand.u32 $0xFFFFFF80, s9;
	(pc) =	sbr.rel @p0 .LBB2_2-.Ltmp2, $4  }
0x35: {  	s14 =	ssub.s32 s13, s14  }
0x36: {  	s9 =	sand.u32 $0x3FFFFF80, s9;
	s14 =	sand.u32 $0xFFFFFF80, s14  }
0x37: {  	s5 =	sand.u32 $0x70, s13;
	s9 =	sadd.s32 s14, s9  }
0x38: {  	s14 =	sor.u32 s5, s9  }
0x39: {  	[tilespmem:s14+$0x14400] =	vst v0;
	s14 =	rddreg [dreg:$0x3]  }
0x3a: {  	[spmem:s14] =	stream.linear.scatter [tilespmem:s19], [sflag:$0x7], $0x4000, $0x38;
	[tilespmem:$0x1C400] =	vst v63  }
0x3b: {  	_ =	swait.ge [sflag:s20], $0x4000  }
0x3c: {  	[sflag:s20] =	ssyncset.done $0x0  }
0x3d: {  	s5 =	rddreg [dreg:$0x4];
	[sflag:s20] =	ssyncadd.s32 $0xFFFFC000  }
0x3e: {  	[spmem:s5] =	stream.linear.scatter [tilespmem:s19], [sflag:$0x7], $0x4000, $0x38;
	[tilespmem:$0x1C400] =	vst v63  }
0x3f: {  	_ =	swait.ge [sflag:s20], $0x4000  }
0x40: {  	[sflag:s20] =	ssyncset.done $0x0  }
0x41: {  	s13 =	rddreg [dreg:$0x5];
	[sflag:s20] =	ssyncadd.s32 $0xFFFFC000  }
0x42: {  	[spmem:s13] =	stream.linear.scatter [tilespmem:s19], [sflag:$0x7], $0x4000, $0x38;
	[tilespmem:$0x1C400] =	vst v63  }
0x43: {  	_ =	swait.ge [sflag:s20], $0x4000  }
0x44: {  	[sflag:s20] =	ssyncset.done $0x0  }
0x45: {  	s9 =	rddreg [dreg:$0x6];
	[sflag:s20] =	ssyncadd.s32 $0xFFFFC000  }
0x46: {  	[spmem:s9] =	stream.linear.scatter [tilespmem:s19], [sflag:$0x7], $0x4000, $0x38;
	[tilespmem:$0x1C400] =	vst v63  }
0x47: {  	_ =	swait.ge [sflag:s20], $0x4000  }
0x48: {  	[sflag:s20] =	ssyncset.done $0x0  }
0x49: {  	s12 =	rddreg [dreg:$0x8];
	[sflag:s20] =	ssyncadd.s32 $0xFFFFC000  }
0x4a: {  	[spmem:s12] =	stream.linear.scatter [tilespmem:s19], [sflag:$0x7], $0x4000, $0x38;
	[tilespmem:$0x1C400] =	vst v63  }
0x4b: {  	_ =	swait.ge [sflag:s20], $0x4000  }
0x4c: {  	[sflag:s20] =	ssyncset.done $0x0  }
0x4d: {  	[sflag:s20] =	ssyncadd.s32 $0xFFFFC000  }
0x4e: {  	[bflag:$0x0] =	sbarrier.arrive $0xFFFF  }
0x4f: {  	s12 =	simm.s32 $0x0;
	s13 =	rddreg [dreg:$0x7]  }
0x50: {  	[tilespmem:s21], [sflag:$0x7] =	stream.linear.gather [hbm4b:s13+s12], $0x100, $0x38;
	[tilespmem:$0x1C400] =	vst v63  }
0x51: {  	_ =	swait.ge [sflag:s20], $0x100  }
0x52: {  	[sflag:s20] =	ssyncset.done $0x0  }
0x53: {  	s9 =	rddreg [dreg:$0x9];
	[sflag:s20] =	ssyncadd.s32 $0xFFFFFF00  }
0x54: {  	[tilespmem:s22], [sflag:$0x2] =	stream.linear.gather [hbm4b:s9+s12], $0x100, $0x38;
	[tilespmem:$0x1C400] =	vst v63  }
0x55: {  	s13 =	rddreg [dreg:$0xa]  }
0x56: {  	[tilespmem:s23], [sflag:$0x3] =	stream.linear.gather [hbm4b:s13+s12], $0x100, $0x38;
	[tilespmem:$0x1C400] =	vst v63  }
0x57: {  	_ = 	snop  }
0x58: {  	[tilespmem:s19], [sflag:$0x5] =	stream.indirect.gather [hbm4b:s4+s24], $0x80, s21, s24, $0xb8;
	[tilespmem:$0x1C400] =	vst v63  }
.LBB2_4:
0x59: {  	_ =	swait.ge [sflag:s25], $0x100  }
0x5a: {  	[sflag:s25] =	ssyncset.done $0x0  }
0x5b: {  	[sflag:s25] =	ssyncadd.s32 $0xFFFFFF00  }
0x5c: {  	[tilespmem:s26], [sflag:$0x6] =	stream.indirect.gather [hbm4b:s4+s24], $0x80, s22, s24, $0xb8;
	[tilespmem:$0x1C400] =	vst v63  }
0x5d: {  	_ =	swait.ge [sflag:s28], $0x4000  }
0x5e: {  	[sflag:s28] =	ssyncset.done $0x0  }
0x5f: {  	[sflag:s28] =	ssyncadd.s32 $0xFFFFC000  }
0x60: {  	[spmem:s1] =	stream.indirect.scatter.add.f32 [tilespmem:s19], [sflag:$0x7], $0x80, s29, s24, $0xb8;
	[tilespmem:$0x1C400] =	vst v63  }
0x61: {  	_ =	swait.ge [sflag:s20], $0x4000  }
0x62: {  	[sflag:s20] =	ssyncset.done $0x0  }
0x63: {  	s5 =	sadd.s32 s12, s18;
	[sflag:s20] =	ssyncadd.s32 $0xFFFFC000  }
0x64: {  	[tilespmem:s30], [sflag:$0x4] =	stream.linear.gather [hbm4b:s5+s3], $0x100, $0x38;
	[tilespmem:$0x1C400] =	vst v63  }
0x65: {  	_ =	swait.ge [sflag:s31], $0x100  }
0x66: {  	[sflag:s31] =	ssyncset.done $0x0  }
0x67: {  	[sflag:s31] =	ssyncadd.s32 $0xFFFFFF00  }
0x68: {  	[tilespmem:s19], [sflag:$0x5] =	stream.indirect.gather [hbm4b:s4+s24], $0x80, s23, s24, $0xb8;
	[tilespmem:$0x1C400] =	vst v63  }
0x69: {  	_ =	swait.ge [sflag:s0], $0x4000  }
0x6a: {  	[sflag:s0] =	ssyncset.done $0x0  }
0x6b: {  	[sflag:s0] =	ssyncadd.s32 $0xFFFFC000  }
0x6c: {  	[spmem:s1] =	stream.indirect.scatter.add.f32 [tilespmem:s26], [sflag:$0x7], $0x80, s2, s24, $0xb8;
	[tilespmem:$0x1C400] =	vst v63  }
0x6d: {  	p0 =	seq.s32 s12, $0x980;
	_ =	swait.ge [sflag:s20], $0x4000  }
0x6e: {  	s9 =	simm.s32 @!p0 $0x0;
	[sflag:s20] =	ssyncset.done $0x0  }
0x6f: {  	s13 =	simm.s32 @!p0 $0x14000;
	s5 =	sadd.s32 @!p0 s12, s17;
	[sflag:s20] =	ssyncadd.s32 $0xFFFFC000  }
0x70: {  	[tilespmem:s13], [sflag:$0x1] =	stream.linear.gather @!p0 [hbm4b:s5+s9], $0x100, $0x38;
	[tilespmem:$0x1C400] =	vst v63  }
0x71: {  	_ =	swait.ge [sflag:s6], $0x100  }
0x72: {  	[sflag:s6] =	ssyncset.done $0x0  }
0x73: {  	[sflag:s6] =	ssyncadd.s32 $0xFFFFFF00  }
0x74: {  	[tilespmem:s26], [sflag:$0x6] =	stream.indirect.gather [hbm4b:s4+s24], $0x80, s30, s24, $0xb8;
	[tilespmem:$0x1C400] =	vst v63  }
0x75: {  	_ =	swait.ge [sflag:s28], $0x4000  }
0x76: {  	[sflag:s28] =	ssyncset.done $0x0  }
.Ltmp3:
0x77: {  	[sflag:s28] =	ssyncadd.s32 $0xFFFFC000;
	(pc) =	sbr.rel @p0 .LBB2_6-.Ltmp3, $4  }
0x78: {  	[spmem:s1] =	stream.indirect.scatter.add.f32 [tilespmem:s19], [sflag:$0x7], $0x80, s7, s24, $0xb8;
	[tilespmem:$0x1C400] =	vst v63  }
0x79: {  	_ =	swait.ge [sflag:s20], $0x4000  }
0x7a: {  	[sflag:s20] =	ssyncset.done $0x0  }
0x7b: {  	[sflag:s20] =	ssyncadd.s32 $0xFFFFC000  }
0x7c: {  	s5 =	sadd.s32 s12, s16  }
0x7d: {  	[tilespmem:s22], [sflag:$0x2] =	stream.linear.gather [hbm4b:s5+s3], $0x100, $0x38;
	[tilespmem:$0x1C400] =	vst v63  }
0x7e: {  	_ =	swait.ge [sflag:s10], $0x100  }
0x7f: {  	[sflag:s10] =	ssyncset.done $0x0  }
0x80: {  	[sflag:s10] =	ssyncadd.s32 $0xFFFFFF00  }
0x81: {  	[tilespmem:s19], [sflag:$0x5] =	stream.indirect.gather [hbm4b:s4+s24], $0x80, s21, s24, $0xb8;
	[tilespmem:$0x1C400] =	vst v63  }
0x82: {  	_ =	swait.ge [sflag:s0], $0x4000  }
0x83: {  	[sflag:s0] =	ssyncset.done $0x0  }
0x84: {  	[sflag:s0] =	ssyncadd.s32 $0xFFFFC000  }
0x85: {  	[spmem:s1] =	stream.indirect.scatter.add.f32 [tilespmem:s26], [sflag:$0x7], $0x80, s8, s24, $0xb8;
	[tilespmem:$0x1C400] =	vst v63  }
.Ltmp4:
0x86: {  	_ = 	snop;
	(pc) =	sbr.rel .LBB2_4-.Ltmp4, $4  }
0x87: {  	_ =	swait.ge [sflag:s20], $0x4000  }
0x88: {  	[sflag:s20] =	ssyncset.done $0x0  }
0x89: {  	s13 =	sadd.s32 s12, s15;
	s12 =	sadd.s32 $0x80, s12;
	[sflag:s20] =	ssyncadd.s32 $0xFFFFC000  }
0x8a: {  	[tilespmem:s23], [sflag:$0x3] =	stream.linear.gather [hbm4b:s13+s3], $0x100, $0x38;
	[tilespmem:$0x1C400] =	vst v63  }
.LBB2_7:
0x8b: {  	_ =	sfence.sel $0x180000  }
0x8c: {  	[bflag:$0x0] =	sbarrier.arrive $0xFFFF  }
0x8d: {  	_ =	strace $0x9000004D  }
0x8e: {  	s0 =	stileid.u32;
	[bflag:$0x2] =	sbarrier.arrive $0xFFFF  }
0x8f: {  	p0 =	sne.s32 s0, $0x0;
	s0 =	rddreg [dreg:$0x2]  }
0x90: {  	s0 =	sadd.s32 @!p0 $0x100000, s0  }
0x91: {  	[sflag:s0] =	ssyncadd.tile.s32 @!p0 $0x1;
	_ =	shalt  }
.Lfunc_end2:
_tile_overlayer_lowered:
.L_overlay_start_2:
0x92: {  	(tag) =	ssettag $0x2  }
0x93: {  	s0 =	rddreg [dreg:$0x0];
	s2 =	stileid.u32  }
0x94: {  	s1 =	rddreg [dreg:$0x1];
	p0 =	sne.s32 s2, $0x0  }
0x95: {  	s3 =	rddreg [dreg:$0x2];
	[bflag:$0x3] =	sbarrier.arrive $0xFFFF;
	s2 =	simm.s32 @!p0 $0x1C07  }
0x96: {  	[timem:s3], [sflag:s2] =	dma.local @!p0 [hbm:s0], s1  }
0x97: {  	s0 =	simm.s32 @!p0 $0x7  }
0x98: {  	_ =	swait.ge @!p0 [sflag:s0], s1  }
0x99: {  	s1 =	ssub.s32 @!p0 $0x0, s1;
	[sflag:s0] =	ssyncset.done @!p0 $0x0  }
0x9a: {  	[sflag:s0] =	ssyncadd.s32 @!p0 s1  }
0x9b: {  	[bflag:$0x3] =	sbarrier.arrive $0xFFFF  }
0x9c: {  	_ =	shalt  }

// kernel: kernel.19.cloned.1.call-start
scs
__scs_entry_jumppad:
0x0: {  	(pc) =	sbr.rel $0x88, $3  }
0x1: {  	(tag) =	ssettag $0x0;
	lr =	simm.s32 $0x1  }
0x2: {  	[smem:$0x3F96] =	sst lr;
	_ =	strace $0xD0000000  }
0x3: {  	_ = 	snop  }
0x4: {  	_ = 	snop  }
0x5: {  	_ = 	snop  }
0x6: {  	_ = 	snop  }
0x7: {  	_ = 	snop  }
__scs_overlays_trampoline_lowered:
0x8: {  	[smem:$0x3FA5] =	sst s0  }
0x9: {  	[smem:$0x3FA6] =	sst s1  }
0xa: {  	[smem:$0x3FA7] =	sst s2  }
0xb: {  	[smem:$0x3FA8] =	sst s3  }
0xc: {  	[smem:$0x3FA9] =	sst s4  }
0xd: {  	[smem:$0x3FAA] =	sst s5  }
0xe: {  	[smem:$0x3FAB] =	sst s6  }
0xf: {  	[smem:$0x3FAC] =	sst s7  }
0x10: {  	[smem:$0x3FAD] =	sst s8  }
0x11: {  	[smem:$0x3FAE] =	sst s9;
	s0 =	simm.s32 @!p0 $0x0  }
0x12: {  	s1 =	sld [smem:$0x3F94];
	s0 =	simm.s32 @p0 $0x1  }
0x13: {  	[smem:$0x3FAF] =	sst s0;
	s0 =	simm.s32 @!p1 $0x0  }
0x14: {  	s2 =	sld [smem:$0x3F93];
	s0 =	simm.s32 @p1 $0x1  }
0x15: {  	[smem:$0x3FB0] =	sst s0;
	s0 =	simm.s32 @!p2 $0x0  }
0x16: {  	s3 =	sld [smem:$0x3FDB];
	s0 =	simm.s32 @p2 $0x1  }
0x17: {  	s4 =	simm.s32 $0x1BF5;
	[smem:$0x3FB2] =	sst s0  }
0x18: {  	s0 =	sld [smem:$0x3F95];
	_ =	swait.ge [sflag:s4], $0x0  }
0x19: {  	s7 =	sld [smem:$0x3F96]  }
0x1a: {  	s8 =	sadd.s32 $0xFFFFE003, lr  }
0x1b: {  	s9 =	sadd.s32 $0xFFFFFEF7, lr;
	s5 =	simm.s32 $0xFFFFFFFF;
	p2 =	slt.u32 s8, $0xFFFFF086  }
0x1c: {  	p1 =	slt.u32 s9, $0xF7A;
	s5 =	simm.s32 @!p2 $0x0  }
0x1d: {  	s5 =	simm.s32 @p1 $0x1;
	p0 =	seq.s32 s7, s2  }
0x1e: {  	s7 =	smul.u32 @!p0 $0xF7A, s2;
	p2 =	seq.s32 @!p0 s5, $0x0  }
0x1f: {  	s9 =	smul.u32 $0xF7A, s1;
	s8 =	simm.s32 @!p0 $0x1BF5;
	p2 =	por !p2, p0  }
0x20: {  	[sflag:s8] =	ssyncset.s32 @!p0 $0xFFFFF086;
	s6 =	sadd.s32 @!p0 s3, s7;
	s7 =	simm.s32 @!p0 $0x108  }
0x21: {  	s3 =	sadd.s32 s3, s9;
	s6 =	sadd.s32 @!p0 $0x88, s6;
	s7 =	simm.s32 @p2 $0x1082  }
0x22: {  	[simem:s7], [sflag:s8] =	dma.local @!p0 [hbm:s6], $0xF7A  }
0x23: {  	s9 =	sor.u32 $0xD0000000, s2;
	s6 =	simm.s32 $0x108;
	_ =	swait.ge @!p0 [sflag:s8], $0x0  }
0x24: {  	s3 =	sadd.s32 $0x88, s3;
	s6 =	simm.s32 @!p1 $0x1082;
	[sflag:s4] =	ssyncset.s32 $0xFFFFF086  }
0x25: {  	[simem:s6], [sflag:s4] =	dma.local [hbm:s3], $0xF7A  }
0x26: {  	[smem:$0x3F96] =	sst s1;
	(tag) =	ssettag s2;
	_ =	strace s9  }
0x27: {  	s1 =	sld [smem:$0x3FA6]  }
0x28: {  	s2 =	sld [smem:$0x3FA7]  }
0x29: {  	s4 =	sld [smem:$0x3FA9]  }
0x2a: {  	p0 =	seq.s32 s5, $0x0;
	s5 =	sld [smem:$0x3FAA]  }
0x2b: {  	s6 =	sld [smem:$0x3FAB]  }
0x2c: {  	s7 =	sld [smem:$0x3FAC]  }
0x2d: {  	s3 =	simm.s32 $0x108;
	s8 =	sld [smem:$0x3FAD]  }
0x2e: {  	s3 =	simm.s32 @!p0 $0x1082;
	s9 =	sld [smem:$0x3FAE]  }
0x2f: {  	lr =	sadd.s32 s0, s3;
	s0 =	sld [smem:$0x3FA5]  }
0x30: {  	s3 =	sld [smem:$0x3FA8]  }
0x31: {  	[smem:$0x3FB1] =	sst s10  }
0x32: {  	s10 =	sld [smem:$0x3FAF];
	_ =	sdelay $0x3  }
0x33: {  	p0 =	seq.s32 s10, $0x1;
	s10 =	sld [smem:$0x3FB1];
	_ =	sdelay $0x3  }
0x34: {  	[smem:$0x3FB1] =	sst s10  }
0x35: {  	s10 =	sld [smem:$0x3FB0];
	_ =	sdelay $0x3  }
0x36: {  	p1 =	seq.s32 s10, $0x1;
	s10 =	sld [smem:$0x3FB1];
	_ =	sdelay $0x3  }
0x37: {  	[smem:$0x3FB1] =	sst s10  }
0x38: {  	s10 =	sld [smem:$0x3FB2]  }
0x39: {  	_ = 	snop;
	(pc) =	sbr.ind lr, $3  }
0x3a: {  	_ = 	snop  }
0x3b: {  	_ = 	snop  }
0x3c: {  	p2 =	seq.s32 s10, $0x1;
	s10 =	sld [smem:$0x3FB1]  }
0x3d: {  	_ =	shalt  }
0x3e: {  	_ =	shalt  }
0x3f: {  	_ =	shalt  }
0x40: {  	_ =	shalt  }
0x41: {  	_ =	shalt  }
0x42: {  	_ =	shalt  }
0x43: {  	_ =	shalt  }
0x44: {  	_ =	shalt  }
0x45: {  	_ =	shalt  }
0x46: {  	_ =	shalt  }
0x47: {  	_ =	shalt  }
0x48: {  	_ =	shalt  }
0x49: {  	_ =	shalt  }
0x4a: {  	_ =	shalt  }
0x4b: {  	_ =	shalt  }
0x4c: {  	_ =	shalt  }
0x4d: {  	_ =	shalt  }
0x4e: {  	_ =	shalt  }
0x4f: {  	_ =	shalt  }
0x50: {  	_ =	shalt  }
0x51: {  	_ =	shalt  }
0x52: {  	_ =	shalt  }
0x53: {  	_ =	shalt  }
0x54: {  	_ =	shalt  }
0x55: {  	_ =	shalt  }
0x56: {  	_ =	shalt  }
0x57: {  	_ =	shalt  }
0x58: {  	_ =	shalt  }
0x59: {  	_ =	shalt  }
0x5a: {  	_ =	shalt  }
0x5b: {  	_ =	shalt  }
0x5c: {  	_ =	shalt  }
0x5d: {  	_ =	shalt  }
0x5e: {  	_ =	shalt  }
0x5f: {  	_ =	shalt  }
0x60: {  	_ =	shalt  }
0x61: {  	_ =	shalt  }
0x62: {  	_ =	shalt  }
0x63: {  	_ =	shalt  }
0x64: {  	_ =	shalt  }
0x65: {  	_ =	shalt  }
0x66: {  	_ =	shalt  }
0x67: {  	_ =	shalt  }
0x68: {  	_ =	shalt  }
0x69: {  	_ =	shalt  }
0x6a: {  	_ =	shalt  }
0x6b: {  	_ =	shalt  }
0x6c: {  	_ =	shalt  }
0x6d: {  	_ =	shalt  }
0x6e: {  	_ =	shalt  }
0x6f: {  	_ =	shalt  }
0x70: {  	_ =	shalt  }
0x71: {  	_ =	shalt  }
0x72: {  	_ =	shalt  }
0x73: {  	_ =	shalt  }
0x74: {  	_ =	shalt  }
0x75: {  	_ =	shalt  }
0x76: {  	_ =	shalt  }
0x77: {  	_ =	shalt  }
0x78: {  	_ =	shalt  }
0x79: {  	_ =	shalt  }
0x7a: {  	_ =	shalt  }
0x7b: {  	_ =	shalt  }
0x7c: {  	_ =	shalt  }
0x7d: {  	_ =	shalt  }
0x7e: {  	_ =	shalt  }
0x7f: {  	_ =	shalt  }
0x80: {  	_ =	shalt  }
0x81: {  	_ =	shalt  }
0x82: {  	_ =	shalt  }
0x83: {  	_ =	shalt  }
0x84: {  	_ =	shalt  }
0x85: {  	_ =	shalt  }
0x86: {  	_ =	shalt  }
0x87: {  	_ =	shalt  }
.Lfunc_end0:
.L_simem_size_0:
called_computation.3_lowered:
.L_overlay_start_0:
0x88: {  	s2 =	sld [smem:$0x3FD9]  }
0x89: {  	s3 =	sld [smem:$0x3FFE];
	_ =	sdelay $0x1  }
0x8a: {  	s1 =	srdreg.scid  }
0x8b: {  	s0 =	sand.u32 $0x1, s1  }
0x8c: {  	s16 =	sshll.u32 s0, $0xA;
	s2 =	sadd.s32 s3, s2  }
0x8d: {  	s2 =	sadd.s32 s2, s16  }
0x8e: {  	[smem:$0x3FBD] =	sst s2  }
0x8f: {  	_ = 	snop  }
0x90: {  	(tm) =	ssettm $0x1  }
0x91: {  	s17 =	sld [smem:$0x3FFB];
	_ =	sdelay $0x3  }
0x92: {  	_ =	strace s17  }
0x93: {  	s2 =	sld [smem:$0x3FFC];
	_ =	sdelay $0x3  }
0x94: {  	_ =	strace s2  }
0x95: {  	s2 =	sld [smem:$0x3FFD];
	_ =	sdelay $0x3  }
0x96: {  	_ =	strace s2  }
0x97: {  	_ =	strace $0x8FFFFFFF  }
0x98: {  	s18 =	sld [smem:$0x3FDB];
	_ =	sdelay $0x1  }
0x99: {  	s19 =	simm.s32 $_scs_section_size  }
0x9a: {  	s4 =	simm.s32 $_size__tile_overlayer_lowered;
	s5 =	simm.s32 $_tile_overlayer_lowered  }
0x9b: {  	s22 =	simm.s32 $0x1BFF;
	s21 =	sshll.u32 s5, $0x1;
	s2 =	sadd.s32 s19, s18  }
0x9c: {  	s6 =	simm.s32 $0x0;
	s20 =	sshll.u32 s4, $0x1;
	s4 =	sadd.s32 s21, s2  }
0x9d: {  	[timem:s6], [sflag:s22] =	dma.local [hbm:s4], s20  }
0x9e: {  	_ =	swait.ge [sflag:s22], s20  }
0x9f: {  	s3 =	ssub.s32 $0x0, s20;
	[sflag:s22] =	ssyncset.done $0x0  }
0xa0: {  	[sflag:s22] =	ssyncadd.s32 s3;
	_ =	sdelay $0x1  }
0xa1: {  	s23 =	simm.s32 $0x1B8B  }
0xa2: {  	_ =	swait.ge [sflag:s23], $0x1  }
0xa3: {  	[sflag:s23] =	ssyncset.done $0x0  }
0xa4: {  	s25 =	simm.s32 $0x1B8E;
	s24 =	sld [smem:$0x3FFE];
	[sflag:s23] =	ssyncadd.s32 $0xFFFFFFFF  }
0xa5: {  	s26 =	simm.s32 $execute0_lowered;
	[smem:$0x3FD2] =	sst s25  }
0xa6: {  	s4 =	sshll.u32 s26, $0x1;
	_ =	strace $0x8000004F;
	[dreg:$0x1] =	wrdreg $0xFFFFFFFF  }
0xa7: {  	s28 =	simm.s32 $_size_execute0_lowered;
	s2 =	sadd.s32 s2, s4;
	[dreg:$0x0] =	wrdreg $0x0  }
0xa8: {  	s4 =	sshll.u32 s28, $0x1;
	[dreg:$0x2] =	wrdreg s2  }
0xa9: {  	[dreg:$0x3] =	wrdreg s4  }
0xaa: {  	[dreg:$0x4] =	wrdreg $0xC0  }
0xab: {  	_ =	task [dreg:s6], $0x5FFFF  }
0xac: {  	[dreg:$0x1] =	wrdreg $0xFFFFFFFF  }
0xad: {  	[dreg:$0x0] =	wrdreg $0x60  }
0xae: {  	[dreg:$0x2] =	wrdreg s24  }
0xaf: {  	[dreg:$0x3] =	wrdreg $0x0  }
0xb0: {  	[dreg:$0x4] =	wrdreg $0x9  }
0xb1: {  	_ =	task.clear_ibuf [dreg:s6], $0x5FFFF;
	_ =	strace $0x9000004F  }
0xb2: {  	s29 =	simm.s32 $0x9;
	_ =	strace $0x80000051  }
0xb3: {  	_ =	swait.ge [sflag:s29], $0x1  }
0xb4: {  	[sflag:s29] =	ssyncadd.s32 $0xFFFFFFFF  }
0xb5: {  	_ =	strace $0x90000051  }
0xb6: {  	_ =	sfence  }
0xb7: {  	s30 =	sld [smem:$0x0];
	_ =	sdelay $0x2  }
0xb8: {  	s31 =	sshll.u32 s1, $0xD;
	s1 =	sshrl.u32 s1, $0x2  }
0xb9: {  	s3 =	sand.u32 $0x4000, s31;
	s1 =	sadd.s32 s1, s30  }
0xba: {  	s0 =	sor.u32 s3, s0;
	s1 =	sshll.u32 s1, $0x11  }
0xbb: {  	s0 =	sor.u32 s1, s0  }
0xbc: {  	s0 =	sadd.s32 $0x8F2B, s0  }
0xbd: {  	[sflag:s0] =	ssyncadd.remote.s32 $0x1  }
0xbe: {  	_ =	sfence.sel $0xFFFF  }
0xbf: {  	[dreg:$0x0] =	wrdreg $0xFFFFFFFF;
	(pc) =	sbr.abs _section_cstart, $3  }
0xc0: {  	[dreg:$0x1] =	wrdreg $0xFFFFFFFF  }
0xc1: {  	_ =	task.clear_ibuf [dreg:s6], $0x2FFFF;
	_ =	strace $0x9FFFFFFF  }
0xc2: {  	(tm) =	ssettm $0x7FFFFFFF  }
0xc3: {  	_ =	shalt  }
tec
execute0_lowered:
.L_overlay_start_1:
0x0: {  	(tag) =	ssettag $0x1  }
0x1: {  	s0 =	rddreg [dreg:$0x0]  }
0x2: {  	s1 =	rddreg [dreg:$0x1];
	s2 =	srdreg.scid;
	s3 =	simm.s32 $0x0  }
0x3: {  	s11 =	stileid.u32;
	s28 =	simm.s32 $0x5;
	s29 =	simm.s32 $0x14080  }
0x4: {  	s30 =	simm.s32 $0x14300;
	s31 =	simm.s32 $0x3;
	s6 =	smul.u32 $0x14000, s11  }
0x5: {  	s2 =	sand.u32 $0x1, s2;
	[smem:$0x7FF] =	sst s3;
	s8 =	smul.u32 $0x50000, s11  }
0x6: {  	s4 =	sadd.s32 $0x17A00, s0;
	s7 =	sadd.s32 $0x3A00, s0;
	s13 =	smul.u32 $0x5000, s11  }
0x7: {  	s5 =	smul.u32 $0x140000, s2;
	_ =	strace $0x80000050;
	s12 =	ssub.s32 $0x2, s2  }
0x8: {  	s10 =	sshll.u32 s2, $0x4;
	s2 =	smul.u32 $0x50000, s2;
	s9 =	sshrl.u32 s12, $0x1  }
0x9: {  	s8 =	sshrl.u32 s8, $0x2;
	s5 =	sadd.s32 s6, s5;
	s6 =	sor.u32 s11, s10  }
0xa: {  	s10 =	ssub.s32 s12, s9;
	s14 =	sadd.s32 s8, s1;
	s2 =	sadd.s32 s13, s2  }
0xb: {  	s8 =	simm.s32 $0x14380;
	s11 =	simm.s32 $0x0;
	s5 =	sshrl.u32 s5, $0x3  }
0xc: {  	s6 =	smul.u32 $0x5000, s6;
	s15 =	sadd.s32 $0x4000, s14;
	s16 =	sadd.s32 $0x8000, s14  }
0xd: {  	s17 =	sadd.s32 $0xC000, s14;
	s19 =	sadd.s32 $0x10000, s14;
	[dreg:$0x3] =	wrdreg s14  }
0xe: {  	s21 =	sor.u32 $0x600, s2;
	s23 =	smax.u32 s10, $0x1;
	[dreg:$0x4] =	wrdreg s15  }
0xf: {  	s24 =	sor.u32 $0x500, s2;
	s25 =	sor.u32 $0x400, s2;
	[dreg:$0x5] =	wrdreg s16  }
0x10: {  	s2 =	sor.u32 $0x300, s2;
	s10 =	simm.s32 $0x1;
	[dreg:$0x6] =	wrdreg s17  }
0x11: {  	s0 =	sadd.s32 s5, s0;
	[dreg:$0x8] =	wrdreg s19;
	s22 =	sshrl.u32 s21, $0x3  }
0x12: {  	[dreg:$0xc] =	wrdreg s23;
	s26 =	sshrl.u32 s25, $0x3;
	s2 =	sshrl.u32 s2, $0x3  }
0x13: {  	s19 =	simm.s32 $0x14400;
	s21 =	simm.s32 $0x14000;
	s23 =	simm.s32 $0x14200  }
0x14: {  	s25 =	simm.s32 $0x2;
	s6 =	sshrl.u32 s6, $0x3;
	s0 =	sadd.s32 $0x3FA00, s0  }
0x15: {  	s15 =	sadd.s32 s22, s7;
	s17 =	sadd.s32 s26, s7;
	s22 =	simm.s32 $0x14100  }
0x16: {  	s26 =	simm.s32 $0x18400;
	s18 =	sadd.s32 s7, s6;
	[dreg:$0xb] =	wrdreg s0  }
.Ltmp0:
0x17: {  	s0 =	sshrl.u32 s24, $0x3;
	s24 =	simm.s32 $0x80;
	(pc) =	sbr.rel .LBB2_1-.Ltmp0, $4  }
0x18: {  	s6 =	simm.s32 $0x4;
	s20 =	sadd.s32 $0x20, s18;
	[dreg:$0x7] =	wrdreg s18  }
0x19: {  	s5 =	sadd.s32 $0x40, s18;
	s16 =	sadd.s32 s0, s7;
	s18 =	sadd.s32 s2, s7  }
0x1a: {  	s0 =	simm.s32 $0x6;
	s2 =	simm.s32 $0x14180;
	[dreg:$0x9] =	wrdreg s20  }
0x1b: {  	v0 =	vimm.f32 $0.0e+00;
	s7 =	simm.s32 $0x14280;
	[dreg:$0xa] =	wrdreg s5;
	s20 =	simm.s32 $0x7  }
.LBB2_6:
0x1c: {  	_ =	swait.ge [sflag:s0], $0x4000  }
0x1d: {  	[sflag:s0] =	ssyncset.done $0x0  }
0x1e: {  	[sflag:s0] =	ssyncadd.s32 $0xFFFFC000  }
0x1f: {  	[spmem:s1] =	stream.indirect.scatter.add.f32 [tilespmem:s26], [sflag:$0x7], $0x80, s8, s24, $0xb8;
	[tilespmem:$0x1C400] =	vst v63  }
0x20: {  	_ =	swait.ge [sflag:s20], $0x4000  }
0x21: {  	[sflag:s20] =	ssyncset.done $0x0  }
0x22: {  	s5 =	stileid.u32;
	[sflag:s20] =	ssyncadd.s32 $0xFFFFC000  }
0x23: {  	s5 =	sshll.u32 s5, $0x6;
	[bflag:$0x0] =	sbarrier.arrive $0xFFFF  }
0x24: {  	s9 =	sshrl.u32 s14, $0x3;
	s5 =	sor.u32 $0x1C07, s5;
	s12 =	rddreg [dreg:$0xb]  }
0x25: {  	[hbm:s12], [sflag:s5] =	dma.local [spmem:s9], $0x2800  }
0x26: {  	_ =	swait.ge [sflag:s20], $0x2800  }
0x27: {  	s11 =	sadd.s32 $0x1, s11;
	s14 =	rddreg [dreg:$0xc]  }
0x28: {  	p0 =	sne.s32 s11, s14  }
.Ltmp1:
0x29: {  	_ = 	snop;
	(pc) =	sbr.rel @!p0 .LBB2_7-.Ltmp1, $3  }
0x2a: {  	_ =	sdelay $0x1  }
0x2b: {  	[sflag:s20] =	ssyncset.done $0x0  }
0x2c: {  	[sflag:s20] =	ssyncadd.s32 $0xFFFFD800  }
.LBB2_1:
0x2d: {  	s12 =	simm.s32 $0x0  }
0x2e: {  	s13 =	sand.u32 $0xFFFFFF80, s12  }
0x2f: {  	s13 =	ssub.s32 $0x0, s13  }
0x30: {  	s12 =	sand.u32 $0x3FFFFF80, s12;
	s13 =	sand.u32 $0xFFFFFF80, s13  }
0x31: {  	s14 =	sand.u32 $0x70, s3;
	s13 =	sadd.s32 s13, s12  }
0x32: {  	s12 =	simm.s32 $0x1;
	s14 =	sor.u32 s14, s13;
	s13 =	simm.s32 $0x0  }
.LBB2_2:
0x33: {  	s9 =	sshll.u32 s12, $0x4;
	p0 =	sne.s32 s12, $0x3FF;
	s12 =	sadd.s32 $0x1, s12;
	[tilespmem:s14+$0x14400] =	vst v0  }
.Ltmp2:
0x34: {  	s13 =	sadd.s32 $0x10, s13;
	s14 =	sand.u32 $0xFFFFFF80, s9;
	(pc) =	sbr.rel @p0 .LBB2_2-.Ltmp2, $4  }
0x35: {  	s14 =	ssub.s32 s13, s14  }
0x36: {  	s9 =	sand.u32 $0x3FFFFF80, s9;
	s14 =	sand.u32 $0xFFFFFF80, s14  }
0x37: {  	s5 =	sand.u32 $0x70, s13;
	s9 =	sadd.s32 s14, s9  }
0x38: {  	s14 =	sor.u32 s5, s9  }
0x39: {  	[tilespmem:s14+$0x14400] =	vst v0;
	s14 =	rddreg [dreg:$0x3]  }
0x3a: {  	[spmem:s14] =	stream.linear.scatter [tilespmem:s19], [sflag:$0x7], $0x4000, $0x38;
	[tilespmem:$0x1C400] =	vst v63  }
0x3b: {  	_ =	swait.ge [sflag:s20], $0x4000  }
0x3c: {  	[sflag:s20] =	ssyncset.done $0x0  }
0x3d: {  	s5 =	rddreg [dreg:$0x4];
	[sflag:s20] =	ssyncadd.s32 $0xFFFFC000  }
0x3e: {  	[spmem:s5] =	stream.linear.scatter [tilespmem:s19], [sflag:$0x7], $0x4000, $0x38;
	[tilespmem:$0x1C400] =	vst v63  }
0x3f: {  	_ =	swait.ge [sflag:s20], $0x4000  }
0x40: {  	[sflag:s20] =	ssyncset.done $0x0  }
0x41: {  	s13 =	rddreg [dreg:$0x5];
	[sflag:s20] =	ssyncadd.s32 $0xFFFFC000  }
0x42: {  	[spmem:s13] =	stream.linear.scatter [tilespmem:s19], [sflag:$0x7], $0x4000, $0x38;
	[tilespmem:$0x1C400] =	vst v63  }
0x43: {  	_ =	swait.ge [sflag:s20], $0x4000  }
0x44: {  	[sflag:s20] =	ssyncset.done $0x0  }
0x45: {  	s9 =	rddreg [dreg:$0x6];
	[sflag:s20] =	ssyncadd.s32 $0xFFFFC000  }
0x46: {  	[spmem:s9] =	stream.linear.scatter [tilespmem:s19], [sflag:$0x7], $0x4000, $0x38;
	[tilespmem:$0x1C400] =	vst v63  }
0x47: {  	_ =	swait.ge [sflag:s20], $0x4000  }
0x48: {  	[sflag:s20] =	ssyncset.done $0x0  }
0x49: {  	s12 =	rddreg [dreg:$0x8];
	[sflag:s20] =	ssyncadd.s32 $0xFFFFC000  }
0x4a: {  	[spmem:s12] =	stream.linear.scatter [tilespmem:s19], [sflag:$0x7], $0x4000, $0x38;
	[tilespmem:$0x1C400] =	vst v63  }
0x4b: {  	_ =	swait.ge [sflag:s20], $0x4000  }
0x4c: {  	[sflag:s20] =	ssyncset.done $0x0  }
0x4d: {  	[sflag:s20] =	ssyncadd.s32 $0xFFFFC000  }
0x4e: {  	[bflag:$0x0] =	sbarrier.arrive $0xFFFF  }
0x4f: {  	s12 =	simm.s32 $0x0;
	s13 =	rddreg [dreg:$0x7]  }
0x50: {  	[tilespmem:s21], [sflag:$0x7] =	stream.linear.gather [hbm4b:s13+s12], $0x100, $0x38;
	[tilespmem:$0x1C400] =	vst v63  }
0x51: {  	_ =	swait.ge [sflag:s20], $0x100  }
0x52: {  	[sflag:s20] =	ssyncset.done $0x0  }
0x53: {  	s9 =	rddreg [dreg:$0x9];
	[sflag:s20] =	ssyncadd.s32 $0xFFFFFF00  }
0x54: {  	[tilespmem:s22], [sflag:$0x2] =	stream.linear.gather [hbm4b:s9+s12], $0x100, $0x38;
	[tilespmem:$0x1C400] =	vst v63  }
0x55: {  	s13 =	rddreg [dreg:$0xa]  }
0x56: {  	[tilespmem:s23], [sflag:$0x3] =	stream.linear.gather [hbm4b:s13+s12], $0x100, $0x38;
	[tilespmem:$0x1C400] =	vst v63  }
0x57: {  	_ = 	snop  }
0x58: {  	[tilespmem:s19], [sflag:$0x5] =	stream.indirect.gather [hbm4b:s4+s24], $0x80, s21, s24, $0xb8;
	[tilespmem:$0x1C400] =	vst v63  }
.LBB2_4:
0x59: {  	_ =	swait.ge [sflag:s25], $0x100  }
0x5a: {  	[sflag:s25] =	ssyncset.done $0x0  }
0x5b: {  	[sflag:s25] =	ssyncadd.s32 $0xFFFFFF00  }
0x5c: {  	[tilespmem:s26], [sflag:$0x6] =	stream.indirect.gather [hbm4b:s4+s24], $0x80, s22, s24, $0xb8;
	[tilespmem:$0x1C400] =	vst v63  }
0x5d: {  	_ =	swait.ge [sflag:s28], $0x4000  }
0x5e: {  	[sflag:s28] =	ssyncset.done $0x0  }
0x5f: {  	[sflag:s28] =	ssyncadd.s32 $0xFFFFC000  }
0x60: {  	[spmem:s1] =	stream.indirect.scatter.add.f32 [tilespmem:s19], [sflag:$0x7], $0x80, s29, s24, $0xb8;
	[tilespmem:$0x1C400] =	vst v63  }
0x61: {  	_ =	swait.ge [sflag:s20], $0x4000  }
0x62: {  	[sflag:s20] =	ssyncset.done $0x0  }
0x63: {  	s5 =	sadd.s32 s12, s18;
	[sflag:s20] =	ssyncadd.s32 $0xFFFFC000  }
0x64: {  	[tilespmem:s30], [sflag:$0x4] =	stream.linear.gather [hbm4b:s5+s3], $0x100, $0x38;
	[tilespmem:$0x1C400] =	vst v63  }
0x65: {  	_ =	swait.ge [sflag:s31], $0x100  }
0x66: {  	[sflag:s31] =	ssyncset.done $0x0  }
0x67: {  	[sflag:s31] =	ssyncadd.s32 $0xFFFFFF00  }
0x68: {  	[tilespmem:s19], [sflag:$0x5] =	stream.indirect.gather [hbm4b:s4+s24], $0x80, s23, s24, $0xb8;
	[tilespmem:$0x1C400] =	vst v63  }
0x69: {  	_ =	swait.ge [sflag:s0], $0x4000  }
0x6a: {  	[sflag:s0] =	ssyncset.done $0x0  }
0x6b: {  	[sflag:s0] =	ssyncadd.s32 $0xFFFFC000  }
0x6c: {  	[spmem:s1] =	stream.indirect.scatter.add.f32 [tilespmem:s26], [sflag:$0x7], $0x80, s2, s24, $0xb8;
	[tilespmem:$0x1C400] =	vst v63  }
0x6d: {  	p0 =	seq.s32 s12, $0x980;
	_ =	swait.ge [sflag:s20], $0x4000  }
0x6e: {  	s9 =	simm.s32 @!p0 $0x0;
	[sflag:s20] =	ssyncset.done $0x0  }
0x6f: {  	s13 =	simm.s32 @!p0 $0x14000;
	s5 =	sadd.s32 @!p0 s12, s17;
	[sflag:s20] =	ssyncadd.s32 $0xFFFFC000  }
0x70: {  	[tilespmem:s13], [sflag:$0x1] =	stream.linear.gather @!p0 [hbm4b:s5+s9], $0x100, $0x38;
	[tilespmem:$0x1C400] =	vst v63  }
0x71: {  	_ =	swait.ge [sflag:s6], $0x100  }
0x72: {  	[sflag:s6] =	ssyncset.done $0x0  }
0x73: {  	[sflag:s6] =	ssyncadd.s32 $0xFFFFFF00  }
0x74: {  	[tilespmem:s26], [sflag:$0x6] =	stream.indirect.gather [hbm4b:s4+s24], $0x80, s30, s24, $0xb8;
	[tilespmem:$0x1C400] =	vst v63  }
0x75: {  	_ =	swait.ge [sflag:s28], $0x4000  }
0x76: {  	[sflag:s28] =	ssyncset.done $0x0  }
.Ltmp3:
0x77: {  	[sflag:s28] =	ssyncadd.s32 $0xFFFFC000;
	(pc) =	sbr.rel @p0 .LBB2_6-.Ltmp3, $4  }
0x78: {  	[spmem:s1] =	stream.indirect.scatter.add.f32 [tilespmem:s19], [sflag:$0x7], $0x80, s7, s24, $0xb8;
	[tilespmem:$0x1C400] =	vst v63  }
0x79: {  	_ =	swait.ge [sflag:s20], $0x4000  }
0x7a: {  	[sflag:s20] =	ssyncset.done $0x0  }
0x7b: {  	[sflag:s20] =	ssyncadd.s32 $0xFFFFC000  }
0x7c: {  	s5 =	sadd.s32 s12, s16  }
0x7d: {  	[tilespmem:s22], [sflag:$0x2] =	stream.linear.gather [hbm4b:s5+s3], $0x100, $0x38;
	[tilespmem:$0x1C400] =	vst v63  }
0x7e: {  	_ =	swait.ge [sflag:s10], $0x100  }
0x7f: {  	[sflag:s10] =	ssyncset.done $0x0  }
0x80: {  	[sflag:s10] =	ssyncadd.s32 $0xFFFFFF00  }
0x81: {  	[tilespmem:s19], [sflag:$0x5] =	stream.indirect.gather [hbm4b:s4+s24], $0x80, s21, s24, $0xb8;
	[tilespmem:$0x1C400] =	vst v63  }
0x82: {  	_ =	swait.ge [sflag:s0], $0x4000  }
0x83: {  	[sflag:s0] =	ssyncset.done $0x0  }
0x84: {  	[sflag:s0] =	ssyncadd.s32 $0xFFFFC000  }
0x85: {  	[spmem:s1] =	stream.indirect.scatter.add.f32 [tilespmem:s26], [sflag:$0x7], $0x80, s8, s24, $0xb8;
	[tilespmem:$0x1C400] =	vst v63  }
.Ltmp4:
0x86: {  	_ = 	snop;
	(pc) =	sbr.rel .LBB2_4-.Ltmp4, $4  }
0x87: {  	_ =	swait.ge [sflag:s20], $0x4000  }
0x88: {  	[sflag:s20] =	ssyncset.done $0x0  }
0x89: {  	s13 =	sadd.s32 s12, s15;
	s12 =	sadd.s32 $0x80, s12;
	[sflag:s20] =	ssyncadd.s32 $0xFFFFC000  }
0x8a: {  	[tilespmem:s23], [sflag:$0x3] =	stream.linear.gather [hbm4b:s13+s3], $0x100, $0x38;
	[tilespmem:$0x1C400] =	vst v63  }
.LBB2_7:
0x8b: {  	_ =	sfence.sel $0x180000  }
0x8c: {  	[bflag:$0x0] =	sbarrier.arrive $0xFFFF  }
0x8d: {  	_ =	strace $0x90000050  }
0x8e: {  	s0 =	stileid.u32;
	[bflag:$0x2] =	sbarrier.arrive $0xFFFF  }
0x8f: {  	p0 =	sne.s32 s0, $0x0;
	s0 =	rddreg [dreg:$0x2]  }
0x90: {  	s0 =	sadd.s32 @!p0 $0x100000, s0  }
0x91: {  	[sflag:s0] =	ssyncadd.tile.s32 @!p0 $0x1;
	_ =	shalt  }
.Lfunc_end2:
_tile_overlayer_lowered:
.L_overlay_start_2:
0x92: {  	(tag) =	ssettag $0x2  }
0x93: {  	s0 =	rddreg [dreg:$0x0];
	s2 =	stileid.u32  }
0x94: {  	s1 =	rddreg [dreg:$0x1];
	p0 =	sne.s32 s2, $0x0  }
0x95: {  	s3 =	rddreg [dreg:$0x2];
	[bflag:$0x3] =	sbarrier.arrive $0xFFFF;
	s2 =	simm.s32 @!p0 $0x1C07  }
0x96: {  	[timem:s3], [sflag:s2] =	dma.local @!p0 [hbm:s0], s1  }
0x97: {  	s0 =	simm.s32 @!p0 $0x7  }
0x98: {  	_ =	swait.ge @!p0 [sflag:s0], s1  }
0x99: {  	s1 =	ssub.s32 @!p0 $0x0, s1;
	[sflag:s0] =	ssyncset.done @!p0 $0x0  }
0x9a: {  	[sflag:s0] =	ssyncadd.s32 @!p0 s1  }
0x9b: {  	[bflag:$0x3] =	sbarrier.arrive $0xFFFF  }
0x9c: {  	_ =	shalt  }

</sc_bundles>
